<compile_context>
chip_gen: v7x
topology: tpu7x:2x2x1
jax: 0.10.2.dev20260603
libtpu: 0.0.44.dev20260713+nightly
codegen_flags: <defaults>
</compile_context>

<pallas_src>
import functools

import jax
import jax.numpy as jnp
from jax import lax
from jax.experimental import pallas as pl
from jax.experimental.pallas import tpu as pltpu
from jax.experimental.pallas import tpu_sc as plsc

GRID_XYZ = (100, 100, 8)
CDIM = 128
NEG = -1e30

NPTS = 65536
PBLK = 2048
NBLK = NPTS // PBLK
RXY = 20480
NXY = 4 * RXY
NYZ = 6400
NXZ = 6400



def _accum_moments(u, i, s_ref, m_ref, acc_s, acc_m):
    @pl.when(i == 0)
    def _init():
        acc_s[...] = jnp.zeros_like(acc_s)
        acc_m[...] = jnp.zeros_like(acc_m)

    acc_s[...] += jnp.sum(u, axis=0, keepdims=True)
    acc_m[...] += lax.dot_general(u, u, (((0,), (0,)), ((), ())),
                                  preferred_element_type=jnp.float32)

    @pl.when(i == pl.num_programs(0) - 1)
    def _emit():
        s_ref[...] = acc_s[...]
        m_ref[...] = acc_m[...]


def _mm(a, w):
    return lax.dot_general(a, w, (((1,), (0,)), ((), ())),
                           preferred_element_type=jnp.float32)


def _moments_body(x_ref, s_ref, m_ref, acc_s, acc_m):
    _accum_moments(x_ref[...], pl.program_id(0), s_ref, m_ref, acc_s, acc_m)


def _mlp1_moments_body(x_ref, w1_ref, b1_ref, s_ref, m_ref, acc_s, acc_m):
    u = jax.nn.relu(_mm(x_ref[...], w1_ref[...]) + b1_ref[...])
    _accum_moments(u, pl.program_id(0), s_ref, m_ref, acc_s, acc_m)


def _mlp2_moments_body(x_ref, w1_ref, b1_ref, w2_ref, b2_ref,
                       s_ref, m_ref, acc_s, acc_m):
    u = jax.nn.relu(_mm(x_ref[...], w1_ref[...]) + b1_ref[...])
    u = jax.nn.relu(_mm(u, w2_ref[...]) + b2_ref[...])
    _accum_moments(u, pl.program_id(0), s_ref, m_ref, acc_s, acc_m)


def _moments(x, blk):
    n, d = x.shape
    return pl.pallas_call(
        _moments_body,
        grid=(n // blk,),
        in_specs=[pl.BlockSpec((blk, d), lambda i: (i, 0))],
        out_specs=[pl.BlockSpec((1, d), lambda i: (0, 0)),
                   pl.BlockSpec((d, d), lambda i: (0, 0))],
        out_shape=[jax.ShapeDtypeStruct((1, d), jnp.float32),
                   jax.ShapeDtypeStruct((d, d), jnp.float32)],
        scratch_shapes=[pltpu.VMEM((1, d), jnp.float32),
                        pltpu.VMEM((d, d), jnp.float32)],
    )(x)


def _mlp_moments(x, w1, b1, w2, b2, blk):
    n = x.shape[0]
    d = w1.shape[1] if w2 is None else w2.shape[1]
    args = [x, w1, b1] + ([] if w2 is None else [w2, b2])
    body = _mlp1_moments_body if w2 is None else _mlp2_moments_body
    return pl.pallas_call(
        body,
        grid=(n // blk,),
        in_specs=[pl.BlockSpec((blk, x.shape[1]), lambda i: (i, 0))]
        + [pl.BlockSpec(a.shape, lambda i: (0, 0)) for a in args[1:]],
        out_specs=[pl.BlockSpec((1, d), lambda i: (0, 0)),
                   pl.BlockSpec((d, d), lambda i: (0, 0))],
        out_shape=[jax.ShapeDtypeStruct((1, d), jnp.float32),
                   jax.ShapeDtypeStruct((d, d), jnp.float32)],
        scratch_shapes=[pltpu.VMEM((1, d), jnp.float32),
                        pltpu.VMEM((d, d), jnp.float32)],
    )(*args)



def _proc_body(x_ref, cam_ref, idx_ref, w1_ref, b1_ref, w2_ref, b2_ref,
               w3_ref, b3_ref, w4_ref, b4_ref, wc_ref, bc_ref,
               out_ref, key_ref):
    u = jax.nn.relu(_mm(x_ref[...], w1_ref[...]) + b1_ref[...])
    u = jax.nn.relu(_mm(u, w2_ref[...]) + b2_ref[...])
    u = jax.nn.relu(_mm(u, w3_ref[...]) + b3_ref[...])
    proc = (_mm(u, w4_ref[...]) + b4_ref[...]
            + _mm(cam_ref[...], wc_ref[...]) + bc_ref[...])
    out_ref[...] = proc.T

    gx = idx_ref[0:1, :]
    gy = idx_ref[1:2, :]
    gz = idx_ref[2:3, :]
    gb = idx_ref[3:4, :]
    xq = (gx * 41) >> 10
    yq = (gy * 41) >> 10
    zq = gz >> 1
    r_xy = (gb * 100 + gx) * 100 + gy
    r_yz = (gb * 100 + gy) * 8 + gz
    r_xz = (gb * 100 + gx) * 8 + gz
    kxy = zq * RXY + r_xy
    kyz = xq * 1600 + r_yz
    kxz = yq * 1600 + r_xz
    zero = jnp.zeros_like(kxy)
    key_ref[...] = jnp.concatenate(
        [kxy, kyz, kxz, zero, zero, zero, zero, zero], axis=0)


def _proc_pallas(x, cam, idxT, weights, blk):
    n = x.shape[0]
    return pl.pallas_call(
        _proc_body,
        grid=(n // blk,),
        in_specs=[pl.BlockSpec((blk, x.shape[1]), lambda i: (i, 0)),
                  pl.BlockSpec((blk, cam.shape[1]), lambda i: (i, 0)),
                  pl.BlockSpec((8, blk), lambda i: (0, i))]
        + [pl.BlockSpec(w.shape, lambda i: (0, 0)) for w in weights],
        out_specs=[pl.BlockSpec((CDIM, blk), lambda i: (0, i)),
                   pl.BlockSpec((8, blk), lambda i: (0, i))],
        out_shape=[jax.ShapeDtypeStruct((CDIM, n), jnp.float32),
                   jax.ShapeDtypeStruct((8, n), jnp.int32)],
    )(x, cam, idxT, *weights)



def _sc_rmw_retry(acc, k, v):
    def cond(pend):
        return jnp.max(pend) > 0

    def body(pend):
        mask = pend > 0
        plsc.store_scatter(acc, [k], v, mask=mask)
        chk = plsc.load_gather(acc, [k])
        return jnp.where(chk < v, jnp.int32(1), jnp.int32(0))

    chk = plsc.load_gather(acc, [k])
    pend0 = jnp.where(chk < v, jnp.int32(1), jnp.int32(0))
    lax.while_loop(cond, body, pend0)


def _make_sc_scatter():
    mesh = plsc.VectorSubcoreMesh(core_axis_name="c", subcore_axis_name="s")

    @functools.partial(
        pl.kernel,
        mesh=mesh,
        compiler_params=pltpu.CompilerParams(needs_layout_passes=False),
        out_type=[jax.ShapeDtypeStruct((CDIM * NXY,), jnp.float32),
                  jax.ShapeDtypeStruct((CDIM * NYZ,), jnp.float32),
                  jax.ShapeDtypeStruct((CDIM * NXZ,), jnp.float32)],
        scratch_types=[pltpu.VMEM((NXY,), jnp.float32),
                       pltpu.VMEM((NYZ,), jnp.float32),
                       pltpu.VMEM((NXZ,), jnp.float32)]
        + [pltpu.VMEM((PBLK,), jnp.int32) for _ in range(6)]
        + [pltpu.VMEM((PBLK,), jnp.float32) for _ in range(2)]
        + [pltpu.SemaphoreType.DMA, pltpu.SemaphoreType.DMA],
    )
    def sck(kxy_hbm, kyz_hbm, kxz_hbm, vt_hbm, oxy_hbm, oyz_hbm, oxz_hbm,
            acc_xy, acc_yz, acc_xz,
            kxy0, kyz0, kxz0, kxy1, kyz1, kxz1, vb0, vb1, sem0, sem1):
        wid = lax.axis_index("s") * 2 + lax.axis_index("c")
        kbufs = ((kxy0, kyz0, kxz0, vb0, sem0), (kxy1, kyz1, kxz1, vb1, sem1))

        def start_blk(b, ch, bufs):
            kx, ky, kz, vb, sem = bufs
            off = b * PBLK
            pltpu.async_copy(kxy_hbm.at[pl.ds(off, PBLK)], kx, sem)
            pltpu.async_copy(kyz_hbm.at[pl.ds(off, PBLK)], ky, sem)
            pltpu.async_copy(kxz_hbm.at[pl.ds(off, PBLK)], kz, sem)
            pltpu.async_copy(vt_hbm.at[pl.ds(ch * NPTS + off, PBLK)], vb, sem)

        def wait_blk(b, ch, bufs):
            kx, ky, kz, vb, sem = bufs
            off = b * PBLK
            pltpu.make_async_copy(kxy_hbm.at[pl.ds(off, PBLK)], kx, sem).wait()
            pltpu.make_async_copy(kyz_hbm.at[pl.ds(off, PBLK)], ky, sem).wait()
            pltpu.make_async_copy(kxz_hbm.at[pl.ds(off, PBLK)], kz, sem).wait()
            pltpu.make_async_copy(
                vt_hbm.at[pl.ds(ch * NPTS + off, PBLK)], vb, sem).wait()

        def compute_blk(bufs):
            kx, ky, kz, vb, _ = bufs

            def vreg_fast(j, bad):
                U = 8
                ss = [(j * U + t) * 16 for t in range(U)]
                vs = [vb[pl.ds(s, 16)] for s in ss]
                planes = ((acc_xy, [kx[pl.ds(s, 16)] for s in ss]),
                          (acc_yz, [ky[pl.ds(s, 16)] for s in ss]),
                          (acc_xz, [kz[pl.ds(s, 16)] for s in ss]))
                cur = [[plsc.load_gather(a, [ks[t]]) for t in range(U)]
                       for a, ks in planes]
                for p, (a, ks) in enumerate(planes):
                    for t in range(U):
                        plsc.store_scatter(a, [ks[t]],
                                           jnp.maximum(cur[p][t], vs[t]))
                for _ in range(2):
                    chk = [[plsc.load_gather(a, [ks[t]]) for t in range(U)]
                           for a, ks in planes]
                    pend = [[chk[p][t] < vs[t] for t in range(U)]
                            for p in range(3)]
                    for p, (a, ks) in enumerate(planes):
                        for t in range(U):
                            plsc.store_scatter(a, [ks[t]], vs[t],
                                               mask=pend[p][t])
                fin = [[plsc.load_gather(a, [ks[t]]) for t in range(U)]
                       for a, ks in planes]
                for p in range(3):
                    for t in range(U):
                        bad = bad | (fin[p][t] < vs[t])
                return bad

            bad = lax.fori_loop(0, PBLK // 128, vreg_fast,
                                jnp.zeros((16,), jnp.bool_))
            nbad = plsc.all_reduce_population_count(bad)

            @pl.when(jnp.max(nbad) > 0)
            def _slow_sweep():
                def vreg_slow(j, carry):
                    s = j * 16
                    v = vb[pl.ds(s, 16)]
                    _sc_rmw_retry(acc_xy, kx[pl.ds(s, 16)], v)
                    _sc_rmw_retry(acc_yz, ky[pl.ds(s, 16)], v)
                    _sc_rmw_retry(acc_xz, kz[pl.ds(s, 16)], v)
                    return carry

                lax.fori_loop(0, PBLK // 16, vreg_slow, 0)

        def round_step(r, carry):
            ch = r * 32 + wid

            def init_acc(acc, nslots):
                neg = jnp.full((16,), NEG, jnp.float32)

                def ini(i, c):
                    base = i * 128
                    for t in range(8):
                        acc[pl.ds(base + t * 16, 16)] = neg
                    return c
                lax.fori_loop(0, nslots // 128, ini, 0)

            init_acc(acc_xy, NXY)
            init_acc(acc_yz, NYZ)
            init_acc(acc_xz, NXZ)

            start_blk(0, ch, kbufs[0])

            def super_step(i, carry):
                b0 = i * 2

                @pl.when(b0 + 1 < NBLK)
                def _s1():
                    start_blk(b0 + 1, ch, kbufs[1])

                wait_blk(b0, ch, kbufs[0])
                compute_blk(kbufs[0])

                @pl.when(b0 + 2 < NBLK)
                def _s0():
                    start_blk(b0 + 2, ch, kbufs[0])

                wait_blk(b0 + 1, ch, kbufs[1])
                compute_blk(kbufs[1])
                return carry

            lax.fori_loop(0, NBLK // 2, super_step, 0)

            pltpu.sync_copy(acc_xy, oxy_hbm.at[pl.ds(ch * NXY, NXY)])
            pltpu.sync_copy(acc_yz, oyz_hbm.at[pl.ds(ch * NYZ, NYZ)])
            pltpu.sync_copy(acc_xz, oxz_hbm.at[pl.ds(ch * NXZ, NXZ)])
            return carry

        lax.fori_loop(0, CDIM // 32, round_step, 0)

    return sck


_sc_scatter = _make_sc_scatter()



def _plane_mlp_body(x_ref, w1_ref, b1_ref, w2_ref, b2_ref, out_ref):
    x = x_ref[...].reshape(4 * CDIM, x_ref.shape[2])
    x = jnp.where(x < -1e29, 0.0, x)
    u = jax.nn.relu(_mm(w1_ref[...], x) + b1_ref[...])
    out_ref[...] = _mm(w2_ref[...], u) + b2_ref[...]


def _plane_mlp(xcm, w1p, b1c, w2t, b2c, blk):
    r = xcm.shape[2]
    return pl.pallas_call(
        _plane_mlp_body,
        grid=(r // blk,),
        in_specs=[pl.BlockSpec((CDIM, 4, blk), lambda i: (0, 0, i)),
                  pl.BlockSpec(w1p.shape, lambda i: (0, 0)),
                  pl.BlockSpec(b1c.shape, lambda i: (0, 0)),
                  pl.BlockSpec(w2t.shape, lambda i: (0, 0)),
                  pl.BlockSpec(b2c.shape, lambda i: (0, 0))],
        out_specs=pl.BlockSpec((CDIM, blk), lambda i: (0, i)),
        out_shape=jax.ShapeDtypeStruct((CDIM, r), jnp.float32),
    )(xcm, w1p, b1c, w2t, b2c)


def _perm_w1(w1):
    return jnp.transpose(w1.reshape(4, CDIM, CDIM), (2, 1, 0)).reshape(CDIM, 4 * CDIM)



def _fold_bn_next(mu, cov, w, b, p_next):
    mean_h = mu @ w + b
    var_h = jnp.sum(w * (cov @ w), axis=0)
    a = p_next["g"] / jnp.sqrt(var_h + 1e-5)
    c = p_next["b"] - mean_h * a
    return a, c


def kernel(points, grid_ind, cam_point_features, params):
    X, Y, Z = GRID_XYZ
    B, N = points.shape[0], points.shape[1]
    M = B * N
    fea = points[..., :5].reshape(M, 5)
    feap = jnp.pad(fea, ((0, 0), (0, 3)))
    camf = cam_point_features.reshape(M, cam_point_features.shape[-1])
    ind = grid_ind.reshape(M, 3).astype(jnp.int32)
    bidx = jnp.repeat(jnp.arange(B, dtype=jnp.int32), N)
    idxT = jnp.concatenate(
        [ind.T, bidx[None, :], jnp.zeros((4, M), jnp.int32)], axis=0)

    s0, m0 = _moments(feap, 8192)
    mu0 = s0[0] / M
    cov0 = m0 / M - jnp.outer(mu0, mu0)
    g0 = jnp.pad(params["bn0"]["g"], (0, 3))
    bb0 = jnp.pad(params["bn0"]["b"], (0, 3))
    a0 = jnp.where(jnp.arange(8) < 5,
                   g0 / jnp.sqrt(jnp.diagonal(cov0) + 1e-5), 0.0)
    c0 = bb0 - mu0 * a0

    w1 = jnp.pad(params["fc1"]["w"], ((0, 3), (0, 0)))
    w1f = a0[:, None] * w1
    b1f = c0 @ w1 + params["fc1"]["b"]
    mean1 = mu0 @ w1f + b1f
    var1 = jnp.sum(w1f * (cov0 @ w1f), axis=0)
    a1 = params["bn1"]["g"] / jnp.sqrt(var1 + 1e-5)
    c1 = params["bn1"]["b"] - mean1 * a1
    w1ff = w1f * a1[None, :]
    b1ff = b1f * a1 + c1

    s1, m1 = _mlp_moments(feap, w1ff, b1ff.reshape(1, -1), None, None, 8192)
    mu1 = s1[0] / M
    cov1 = m1 / M - jnp.outer(mu1, mu1)
    a2, c2 = _fold_bn_next(mu1, cov1, params["fc2"]["w"], params["fc2"]["b"],
                           params["bn2"])
    w2ff = params["fc2"]["w"] * a2[None, :]
    b2ff = params["fc2"]["b"] * a2 + c2

    s2, m2 = _mlp_moments(feap, w1ff, b1ff.reshape(1, -1),
                          w2ff, b2ff.reshape(1, -1), 8192)
    mu2 = s2[0] / M
    cov2 = m2 / M - jnp.outer(mu2, mu2)
    a3, c3 = _fold_bn_next(mu2, cov2, params["fc3"]["w"], params["fc3"]["b"],
                           params["bn3"])
    w3ff = params["fc3"]["w"] * a3[None, :]
    b3ff = params["fc3"]["b"] * a3 + c3

    weights = [w1ff, b1ff.reshape(1, -1), w2ff, b2ff.reshape(1, -1),
               w3ff, b3ff.reshape(1, -1),
               params["fc4"]["w"], params["fc4"]["b"].reshape(1, CDIM),
               params["cam"]["w"], params["cam"]["b"].reshape(1, CDIM)]
    proct, keys = _proc_pallas(feap, camf, idxT, weights, 2048)

    oxy, oyz, oxz = _sc_scatter(keys[0], keys[1], keys[2],
                                proct.reshape(CDIM * M))

    txy = _plane_mlp(oxy.reshape(CDIM, 4, RXY),
                     _perm_w1(params["xy1"]["w"]),
                     params["xy1"]["b"].reshape(CDIM, 1),
                     params["xy2"]["w"].T,
                     params["xy2"]["b"].reshape(CDIM, 1), 2048)
    txy = txy[:, :B * X * Y]
    tyz = _plane_mlp(oyz.reshape(CDIM, 4, B * Y * Z),
                     _perm_w1(params["yz1"]["w"]),
                     params["yz1"]["b"].reshape(CDIM, 1),
                     params["yz2"]["w"].T,
                     params["yz2"]["b"].reshape(CDIM, 1), 1600)
    txz = _plane_mlp(oxz.reshape(CDIM, 4, B * X * Z),
                     _perm_w1(params["xz1"]["w"]),
                     params["xz1"]["b"].reshape(CDIM, 1),
                     params["xz2"]["w"].T,
                     params["xz2"]["b"].reshape(CDIM, 1), 1600)

    txy = jnp.swapaxes(txy.reshape(CDIM, B, X, Y), 0, 1)
    tyz = jnp.swapaxes(tyz.reshape(CDIM, B, Y, Z), 0, 1)
    txz = jnp.swapaxes(txz.reshape(CDIM, B, X, Z), 0, 1)
    return (txy, tyz, txz)

# --- scband reference (transcript-rebuilt; emitter-appended) ---
"""Pipeline reference for scband-point-triplane-projector-87789131530735 (READ-ONLY COPY).

The authoritative reference and input builder live on the scoring server;
editing this copy changes nothing except your own understanding.
"""

import jax, jax.numpy as jnp
import numpy as np

GRID = (100, 100, 8)
SPLIT = (4, 4, 4)
C = 128

def _lin_init(key, fi, fo):
    k1, k2 = jax.random.split(key)
    s = 1.0 / np.sqrt(fi)
    return {"w": jax.random.uniform(k1, (fi, fo), jnp.float32, -s, s),
            "b": jax.random.uniform(k2, (fo,), jnp.float32, -s, s)}

def _bn_init(d):
    return {"g": jnp.ones((d,), jnp.float32), "b": jnp.zeros((d,), jnp.float32)}

def setup_inputs(seed: int = 0):
    key = jax.random.key(seed)
    ks = jax.random.split(key, 24)
    B, N = 2, 32768
    X, Y, Z = GRID
    points = jax.random.normal(ks[0], (B, N, 5), jnp.float32)
    gx = jax.random.randint(ks[1], (B, N), 0, X)
    gy = jax.random.randint(ks[2], (B, N), 0, Y)
    gz = jax.random.randint(ks[3], (B, N), 0, Z)
    grid_ind = jnp.stack([gx, gy, gz], axis=-1)
    cam = jax.random.normal(ks[4], (B, N, 768), jnp.float32)
    params = {
        "bn0": _bn_init(5),
        "fc1": _lin_init(ks[5], 5, 64),    "bn1": _bn_init(64),
        "fc2": _lin_init(ks[6], 64, 128),  "bn2": _bn_init(128),
        "fc3": _lin_init(ks[7], 128, 256), "bn3": _bn_init(256),
        "fc4": _lin_init(ks[8], 256, C),
        "cam": _lin_init(ks[9], 768, C),
        "xy1": _lin_init(ks[10], SPLIT[2] * C, C), "xy2": _lin_init(ks[11], C, C),
        "yz1": _lin_init(ks[12], SPLIT[0] * C, C), "yz2": _lin_init(ks[13], C, C),
        "xz1": _lin_init(ks[14], SPLIT[1] * C, C), "xz2": _lin_init(ks[15], C, C),
    }
    return {"points": points, "grid_ind": grid_ind, "cam_point_features": cam, "params": params}

def _bn(x, p):
    m = jnp.mean(x, axis=0)
    v = jnp.var(x, axis=0)
    return (x - m) / jnp.sqrt(v + 1e-5) * p["g"] + p["b"]

def _lin(x, p):
    return x @ p["w"] + p["b"]

def _forward(points, grid_ind, cam, params):
    X, Y, Z = GRID
    NEG = -1e30
    B, N = points.shape[0], points.shape[1]
    fea = points[..., :5].reshape(B * N, 5)
    ind = grid_ind.reshape(B * N, 3)
    camf = cam.reshape(B * N, cam.shape[-1])
    bidx = jnp.repeat(jnp.arange(B), N)
    cam_red = _lin(camf, params["cam"])
    h = _bn(fea, params["bn0"])
    h = _lin(h, params["fc1"]); h = jax.nn.relu(_bn(h, params["bn1"]))
    h = _lin(h, params["fc2"]); h = jax.nn.relu(_bn(h, params["bn2"]))
    h = _lin(h, params["fc3"]); h = jax.nn.relu(_bn(h, params["bn3"]))
    h = _lin(h, params["fc4"])
    proc = h + cam_red
    key = ((bidx * X + ind[:, 0]) * Y + ind[:, 1]) * Z + ind[:, 2]
    dense = jax.ops.segment_max(proc, key, num_segments=B * X * Y * Z)
    dense = jnp.where(jnp.isneginf(dense), NEG, dense)
    dense = dense.reshape(B, X, Y, Z, C)

    def unpool(p):
        # spconv sparse max-pool + .dense(): inactive output sites become 0
        return jnp.where(p < -1e29, 0.0, p)

    kz = Z // SPLIT[2]; kx = X // SPLIT[0]; ky = Y // SPLIT[1]
    # tpv_xy: pool along z -> [B,X,Y,split_z,C] -> flatten -> mlp -> [B,C,X,Y]
    pxy = unpool(dense.reshape(B, X, Y, SPLIT[2], kz, C).max(axis=4))
    fxy = pxy.reshape(B, X, Y, SPLIT[2] * C)
    txy = _lin(jax.nn.relu(_lin(fxy, params["xy1"])), params["xy2"])
    txy = jnp.transpose(txy, (0, 3, 1, 2))
    # tpv_yz: pool along x -> [B,split_x,Y,Z,C] -> [B,Y,Z,split_x,C] -> mlp -> [B,C,Y,Z]
    pyz = unpool(dense.reshape(B, SPLIT[0], kx, Y, Z, C).max(axis=2))
    pyz = jnp.transpose(pyz, (0, 2, 3, 1, 4))
    fyz = pyz.reshape(B, Y, Z, SPLIT[0] * C)
    tyz = _lin(jax.nn.relu(_lin(fyz, params["yz1"])), params["yz2"])
    tyz = jnp.transpose(tyz, (0, 3, 1, 2))
    # tpv_xz: pool along y -> [B,X,split_y,Z,C] -> [B,X,Z,split_y,C] -> mlp -> [B,C,X,Z]
    pxz = unpool(dense.reshape(B, X, SPLIT[1], ky, Z, C).max(axis=3))
    pxz = jnp.transpose(pxz, (0, 1, 3, 2, 4))
    fxz = pxz.reshape(B, X, Z, SPLIT[1] * C)
    txz = _lin(jax.nn.relu(_lin(fxz, params["xz1"])), params["xz2"])
    txz = jnp.transpose(txz, (0, 3, 1, 2))
    return (txy, tyz, txz)

def reference(points, grid_ind, cam_point_features, params):
    return _forward(points, grid_ind, cam_point_features, params)

if __name__ == "__main__":
    import jax
    _d = setup_inputs()
    print(jax.jit(kernel)(*tuple(_d.values())))

</pallas_src>

<mosaic_0001>
#map = affine_map<(d0, d1) -> (0)>
module attributes {stable_mosaic.version = 14 : i64} {
  func.func @sck(%arg0: i32, %arg1: i32, %arg2: memref<65536xi32, #tpu.memory_space<hbm>>, %arg3: memref<65536xi32, #tpu.memory_space<hbm>>, %arg4: memref<65536xi32, #tpu.memory_space<hbm>>, %arg5: memref<8388608xf32, #tpu.memory_space<hbm>>, %arg6: memref<10485760xf32, #tpu.memory_space<hbm>>, %arg7: memref<819200xf32, #tpu.memory_space<hbm>>, %arg8: memref<819200xf32, #tpu.memory_space<hbm>>, %arg9: memref<81920xf32, #tpu.memory_space<vmem>>, %arg10: memref<6400xf32, #tpu.memory_space<vmem>>, %arg11: memref<6400xf32, #tpu.memory_space<vmem>>, %arg12: memref<2048xi32, #tpu.memory_space<vmem>>, %arg13: memref<2048xi32, #tpu.memory_space<vmem>>, %arg14: memref<2048xi32, #tpu.memory_space<vmem>>, %arg15: memref<2048xi32, #tpu.memory_space<vmem>>, %arg16: memref<2048xi32, #tpu.memory_space<vmem>>, %arg17: memref<2048xi32, #tpu.memory_space<vmem>>, %arg18: memref<2048xf32, #tpu.memory_space<vmem>>, %arg19: memref<2048xf32, #tpu.memory_space<vmem>>, %arg20: memref<!tpu.dma_semaphore, #tpu.memory_space<semaphore_mem>>, %arg21: memref<!tpu.dma_semaphore, #tpu.memory_space<semaphore_mem>>) attributes {dimension_semantics = [#tpu.dimension_semantics<core_parallel>, #tpu.dimension_semantics<subcore_parallel>], iteration_bounds = array<i64: 2, 16>, scalar_prefetch = 0 : i64, scratch_operands = 13 : i64, tpu.core_type = #tpu.core_type<sc_vector_subcore>, window_params = [{transform_indices = #map}, {transform_indices = #map}, {transform_indices = #map}, {transform_indices = #map}, {transform_indices = #map}, {transform_indices = #map}, {transform_indices = #map}]} {
    %mul3A = arith.constant 2 : i32
    %mul3A_0 = arith.muli %arg1, %mul3A : i32
    %add3A = arith.addi %mul3A_0, %arg0 : i32
    %scan3A = arith.constant 0 : i32
    %scan3A_1 = arith.constant 0 : i32
    %scan3A_2 = arith.constant 4 : i32
    %scan3A_3 = arith.addi %scan3A_1, %scan3A_2 : i32
    %scan3A_4 = arith.constant 1 : i32
    scf.for %scan3A_6 = %scan3A_1 to %scan3A_3 step %scan3A_4  : i32 {
      %mul3A_7 = arith.constant 32 : i32
      %mul3A_8 = arith.muli %scan3A_6, %mul3A_7 : i32
      %add3A_9 = arith.addi %mul3A_8, %add3A : i32
      %broadcast_in_dim3A = arith.constant -1.000000e+30 : f32
      %broadcast_in_dim3A_10 = vector.broadcast %broadcast_in_dim3A : f32 to vector<16xf32>
      %scan3A_11 = arith.constant 0 : i32
      %scan3A_12 = arith.constant 0 : i32
      %scan3A_13 = arith.constant 640 : i32
      %scan3A_14 = arith.addi %scan3A_12, %scan3A_13 : i32
      %scan3A_15 = arith.constant 1 : i32
      scf.for %scan3A_62 = %scan3A_12 to %scan3A_14 step %scan3A_15  : i32 {
        %mul3A_63 = arith.constant 128 : i32
        %mul3A_64 = arith.muli %scan3A_62, %mul3A_63 : i32
        %add3A_65 = arith.constant 0 : i32
        %add3A_66 = arith.addi %mul3A_64, %add3A_65 : i32
        %swap3A = arith.index_cast %add3A_66 : i32 to index
        %swap3A_67 = tpu.vector_load %arg9[%swap3A] {strides = array<i32>} : memref<81920xf32, #tpu.memory_space<vmem>>, vector<16xf32>,
        tpu.vector_store %arg9[%swap3A], %broadcast_in_dim3A_10 {strides = array<i32>} : memref<81920xf32, #tpu.memory_space<vmem>>, vector<16xf32>,
        %add3A_68 = arith.constant 16 : i32
        %add3A_69 = arith.addi %mul3A_64, %add3A_68 : i32
        %swap3A_70 = arith.index_cast %add3A_69 : i32 to index
        %swap3A_71 = tpu.vector_load %arg9[%swap3A_70] {strides = array<i32>} : memref<81920xf32, #tpu.memory_space<vmem>>, vector<16xf32>,
        tpu.vector_store %arg9[%swap3A_70], %broadcast_in_dim3A_10 {strides = array<i32>} : memref<81920xf32, #tpu.memory_space<vmem>>, vector<16xf32>,
        %add3A_72 = arith.constant 32 : i32
        %add3A_73 = arith.addi %mul3A_64, %add3A_72 : i32
        %swap3A_74 = arith.index_cast %add3A_73 : i32 to index
        %swap3A_75 = tpu.vector_load %arg9[%swap3A_74] {strides = array<i32>} : memref<81920xf32, #tpu.memory_space<vmem>>, vector<16xf32>,
        tpu.vector_store %arg9[%swap3A_74], %broadcast_in_dim3A_10 {strides = array<i32>} : memref<81920xf32, #tpu.memory_space<vmem>>, vector<16xf32>,
        %add3A_76 = arith.constant 48 : i32
        %add3A_77 = arith.addi %mul3A_64, %add3A_76 : i32
        %swap3A_78 = arith.index_cast %add3A_77 : i32 to index
        %swap3A_79 = tpu.vector_load %arg9[%swap3A_78] {strides = array<i32>} : memref<81920xf32, #tpu.memory_space<vmem>>, vector<16xf32>,
        tpu.vector_store %arg9[%swap3A_78], %broadcast_in_dim3A_10 {strides = array<i32>} : memref<81920xf32, #tpu.memory_space<vmem>>, vector<16xf32>,
        %add3A_80 = arith.constant 64 : i32
        %add3A_81 = arith.addi %mul3A_64, %add3A_80 : i32
        %swap3A_82 = arith.index_cast %add3A_81 : i32 to index
        %swap3A_83 = tpu.vector_load %arg9[%swap3A_82] {strides = array<i32>} : memref<81920xf32, #tpu.memory_space<vmem>>, vector<16xf32>,
        tpu.vector_store %arg9[%swap3A_82], %broadcast_in_dim3A_10 {strides = array<i32>} : memref<81920xf32, #tpu.memory_space<vmem>>, vector<16xf32>,
        %add3A_84 = arith.constant 80 : i32
        %add3A_85 = arith.addi %mul3A_64, %add3A_84 : i32
        %swap3A_86 = arith.index_cast %add3A_85 : i32 to index
        %swap3A_87 = tpu.vector_load %arg9[%swap3A_86] {strides = array<i32>} : memref<81920xf32, #tpu.memory_space<vmem>>, vector<16xf32>,
        tpu.vector_store %arg9[%swap3A_86], %broadcast_in_dim3A_10 {strides = array<i32>} : memref<81920xf32, #tpu.memory_space<vmem>>, vector<16xf32>,
        %add3A_88 = arith.constant 96 : i32
        %add3A_89 = arith.addi %mul3A_64, %add3A_88 : i32
        %swap3A_90 = arith.index_cast %add3A_89 : i32 to index
        %swap3A_91 = tpu.vector_load %arg9[%swap3A_90] {strides = array<i32>} : memref<81920xf32, #tpu.memory_space<vmem>>, vector<16xf32>,
        tpu.vector_store %arg9[%swap3A_90], %broadcast_in_dim3A_10 {strides = array<i32>} : memref<81920xf32, #tpu.memory_space<vmem>>, vector<16xf32>,
        %add3A_92 = arith.constant 112 : i32
        %add3A_93 = arith.addi %mul3A_64, %add3A_92 : i32
        %swap3A_94 = arith.index_cast %add3A_93 : i32 to index
        %swap3A_95 = tpu.vector_load %arg9[%swap3A_94] {strides = array<i32>} : memref<81920xf32, #tpu.memory_space<vmem>>, vector<16xf32>,
        tpu.vector_store %arg9[%swap3A_94], %broadcast_in_dim3A_10 {strides = array<i32>} : memref<81920xf32, #tpu.memory_space<vmem>>, vector<16xf32>,
      }
      %scan3A_16 = arith.constant 640 : i32
      %broadcast_in_dim3A_17 = arith.constant -1.000000e+30 : f32
      %broadcast_in_dim3A_18 = vector.broadcast %broadcast_in_dim3A_17 : f32 to vector<16xf32>
      %scan3A_19 = arith.constant 0 : i32
      %scan3A_20 = arith.constant 0 : i32
      %scan3A_21 = arith.constant 50 : i32
      %scan3A_22 = arith.addi %scan3A_20, %scan3A_21 : i32
      %scan3A_23 = arith.constant 1 : i32
      scf.for %scan3A_62 = %scan3A_20 to %scan3A_22 step %scan3A_23  : i32 {
        %mul3A_63 = arith.constant 128 : i32
        %mul3A_64 = arith.muli %scan3A_62, %mul3A_63 : i32
        %add3A_65 = arith.constant 0 : i32
        %add3A_66 = arith.addi %mul3A_64, %add3A_65 : i32
        %swap3A = arith.index_cast %add3A_66 : i32 to index
        %swap3A_67 = tpu.vector_load %arg10[%swap3A] {strides = array<i32>} : memref<6400xf32, #tpu.memory_space<vmem>>, vector<16xf32>,
        tpu.vector_store %arg10[%swap3A], %broadcast_in_dim3A_18 {strides = array<i32>} : memref<6400xf32, #tpu.memory_space<vmem>>, vector<16xf32>,
        %add3A_68 = arith.constant 16 : i32
        %add3A_69 = arith.addi %mul3A_64, %add3A_68 : i32
        %swap3A_70 = arith.index_cast %add3A_69 : i32 to index
        %swap3A_71 = tpu.vector_load %arg10[%swap3A_70] {strides = array<i32>} : memref<6400xf32, #tpu.memory_space<vmem>>, vector<16xf32>,
        tpu.vector_store %arg10[%swap3A_70], %broadcast_in_dim3A_18 {strides = array<i32>} : memref<6400xf32, #tpu.memory_space<vmem>>, vector<16xf32>,
        %add3A_72 = arith.constant 32 : i32
        %add3A_73 = arith.addi %mul3A_64, %add3A_72 : i32
        %swap3A_74 = arith.index_cast %add3A_73 : i32 to index
        %swap3A_75 = tpu.vector_load %arg10[%swap3A_74] {strides = array<i32>} : memref<6400xf32, #tpu.memory_space<vmem>>, vector<16xf32>,
        tpu.vector_store %arg10[%swap3A_74], %broadcast_in_dim3A_18 {strides = array<i32>} : memref<6400xf32, #tpu.memory_space<vmem>>, vector<16xf32>,
        %add3A_76 = arith.constant 48 : i32
        %add3A_77 = arith.addi %mul3A_64, %add3A_76 : i32
        %swap3A_78 = arith.index_cast %add3A_77 : i32 to index
        %swap3A_79 = tpu.vector_load %arg10[%swap3A_78] {strides = array<i32>} : memref<6400xf32, #tpu.memory_space<vmem>>, vector<16xf32>,
        tpu.vector_store %arg10[%swap3A_78], %broadcast_in_dim3A_18 {strides = array<i32>} : memref<6400xf32, #tpu.memory_space<vmem>>, vector<16xf32>,
        %add3A_80 = arith.constant 64 : i32
        %add3A_81 = arith.addi %mul3A_64, %add3A_80 : i32
        %swap3A_82 = arith.index_cast %add3A_81 : i32 to index
        %swap3A_83 = tpu.vector_load %arg10[%swap3A_82] {strides = array<i32>} : memref<6400xf32, #tpu.memory_space<vmem>>, vector<16xf32>,
        tpu.vector_store %arg10[%swap3A_82], %broadcast_in_dim3A_18 {strides = array<i32>} : memref<6400xf32, #tpu.memory_space<vmem>>, vector<16xf32>,
        %add3A_84 = arith.constant 80 : i32
        %add3A_85 = arith.addi %mul3A_64, %add3A_84 : i32
        %swap3A_86 = arith.index_cast %add3A_85 : i32 to index
        %swap3A_87 = tpu.vector_load %arg10[%swap3A_86] {strides = array<i32>} : memref<6400xf32, #tpu.memory_space<vmem>>, vector<16xf32>,
        tpu.vector_store %arg10[%swap3A_86], %broadcast_in_dim3A_18 {strides = array<i32>} : memref<6400xf32, #tpu.memory_space<vmem>>, vector<16xf32>,
        %add3A_88 = arith.constant 96 : i32
        %add3A_89 = arith.addi %mul3A_64, %add3A_88 : i32
        %swap3A_90 = arith.index_cast %add3A_89 : i32 to index
        %swap3A_91 = tpu.vector_load %arg10[%swap3A_90] {strides = array<i32>} : memref<6400xf32, #tpu.memory_space<vmem>>, vector<16xf32>,
        tpu.vector_store %arg10[%swap3A_90], %broadcast_in_dim3A_18 {strides = array<i32>} : memref<6400xf32, #tpu.memory_space<vmem>>, vector<16xf32>,
        %add3A_92 = arith.constant 112 : i32
        %add3A_93 = arith.addi %mul3A_64, %add3A_92 : i32
        %swap3A_94 = arith.index_cast %add3A_93 : i32 to index
        %swap3A_95 = tpu.vector_load %arg10[%swap3A_94] {strides = array<i32>} : memref<6400xf32, #tpu.memory_space<vmem>>, vector<16xf32>,
        tpu.vector_store %arg10[%swap3A_94], %broadcast_in_dim3A_18 {strides = array<i32>} : memref<6400xf32, #tpu.memory_space<vmem>>, vector<16xf32>,
      }
      %scan3A_24 = arith.constant 50 : i32
      %broadcast_in_dim3A_25 = arith.constant -1.000000e+30 : f32
      %broadcast_in_dim3A_26 = vector.broadcast %broadcast_in_dim3A_25 : f32 to vector<16xf32>
      %scan3A_27 = arith.constant 0 : i32
      %scan3A_28 = arith.constant 0 : i32
      %scan3A_29 = arith.constant 50 : i32
      %scan3A_30 = arith.addi %scan3A_28, %scan3A_29 : i32
      %scan3A_31 = arith.constant 1 : i32
      scf.for %scan3A_62 = %scan3A_28 to %scan3A_30 step %scan3A_31  : i32 {
        %mul3A_63 = arith.constant 128 : i32
        %mul3A_64 = arith.muli %scan3A_62, %mul3A_63 : i32
        %add3A_65 = arith.constant 0 : i32
        %add3A_66 = arith.addi %mul3A_64, %add3A_65 : i32
        %swap3A = arith.index_cast %add3A_66 : i32 to index
        %swap3A_67 = tpu.vector_load %arg11[%swap3A] {strides = array<i32>} : memref<6400xf32, #tpu.memory_space<vmem>>, vector<16xf32>,
        tpu.vector_store %arg11[%swap3A], %broadcast_in_dim3A_26 {strides = array<i32>} : memref<6400xf32, #tpu.memory_space<vmem>>, vector<16xf32>,
        %add3A_68 = arith.constant 16 : i32
        %add3A_69 = arith.addi %mul3A_64, %add3A_68 : i32
        %swap3A_70 = arith.index_cast %add3A_69 : i32 to index
        %swap3A_71 = tpu.vector_load %arg11[%swap3A_70] {strides = array<i32>} : memref<6400xf32, #tpu.memory_space<vmem>>, vector<16xf32>,
        tpu.vector_store %arg11[%swap3A_70], %broadcast_in_dim3A_26 {strides = array<i32>} : memref<6400xf32, #tpu.memory_space<vmem>>, vector<16xf32>,
        %add3A_72 = arith.constant 32 : i32
        %add3A_73 = arith.addi %mul3A_64, %add3A_72 : i32
        %swap3A_74 = arith.index_cast %add3A_73 : i32 to index
        %swap3A_75 = tpu.vector_load %arg11[%swap3A_74] {strides = array<i32>} : memref<6400xf32, #tpu.memory_space<vmem>>, vector<16xf32>,
        tpu.vector_store %arg11[%swap3A_74], %broadcast_in_dim3A_26 {strides = array<i32>} : memref<6400xf32, #tpu.memory_space<vmem>>, vector<16xf32>,
        %add3A_76 = arith.constant 48 : i32
        %add3A_77 = arith.addi %mul3A_64, %add3A_76 : i32
        %swap3A_78 = arith.index_cast %add3A_77 : i32 to index
        %swap3A_79 = tpu.vector_load %arg11[%swap3A_78] {strides = array<i32>} : memref<6400xf32, #tpu.memory_space<vmem>>, vector<16xf32>,
        tpu.vector_store %arg11[%swap3A_78], %broadcast_in_dim3A_26 {strides = array<i32>} : memref<6400xf32, #tpu.memory_space<vmem>>, vector<16xf32>,
        %add3A_80 = arith.constant 64 : i32
        %add3A_81 = arith.addi %mul3A_64, %add3A_80 : i32
        %swap3A_82 = arith.index_cast %add3A_81 : i32 to index
        %swap3A_83 = tpu.vector_load %arg11[%swap3A_82] {strides = array<i32>} : memref<6400xf32, #tpu.memory_space<vmem>>, vector<16xf32>,
        tpu.vector_store %arg11[%swap3A_82], %broadcast_in_dim3A_26 {strides = array<i32>} : memref<6400xf32, #tpu.memory_space<vmem>>, vector<16xf32>,
        %add3A_84 = arith.constant 80 : i32
        %add3A_85 = arith.addi %mul3A_64, %add3A_84 : i32
        %swap3A_86 = arith.index_cast %add3A_85 : i32 to index
        %swap3A_87 = tpu.vector_load %arg11[%swap3A_86] {strides = array<i32>} : memref<6400xf32, #tpu.memory_space<vmem>>, vector<16xf32>,
        tpu.vector_store %arg11[%swap3A_86], %broadcast_in_dim3A_26 {strides = array<i32>} : memref<6400xf32, #tpu.memory_space<vmem>>, vector<16xf32>,
        %add3A_88 = arith.constant 96 : i32
        %add3A_89 = arith.addi %mul3A_64, %add3A_88 : i32
        %swap3A_90 = arith.index_cast %add3A_89 : i32 to index
        %swap3A_91 = tpu.vector_load %arg11[%swap3A_90] {strides = array<i32>} : memref<6400xf32, #tpu.memory_space<vmem>>, vector<16xf32>,
        tpu.vector_store %arg11[%swap3A_90], %broadcast_in_dim3A_26 {strides = array<i32>} : memref<6400xf32, #tpu.memory_space<vmem>>, vector<16xf32>,
        %add3A_92 = arith.constant 112 : i32
        %add3A_93 = arith.addi %mul3A_64, %add3A_92 : i32
        %swap3A_94 = arith.index_cast %add3A_93 : i32 to index
        %swap3A_95 = tpu.vector_load %arg11[%swap3A_94] {strides = array<i32>} : memref<6400xf32, #tpu.memory_space<vmem>>, vector<16xf32>,
        tpu.vector_store %arg11[%swap3A_94], %broadcast_in_dim3A_26 {strides = array<i32>} : memref<6400xf32, #tpu.memory_space<vmem>>, vector<16xf32>,
      }
      %scan3A_32 = arith.constant 50 : i32
      %dma_start3A = arith.constant 0 : i32
      %dma_start3A_33 = tpu.memref_slice %arg2[%dma_start3A] : memref<65536xi32, #tpu.memory_space<hbm>> -> memref<2048xi32, #tpu.memory_space<hbm>>
      %dma_start3A_34 = arith.constant 0 : i32
      %dma_start3A_35 = tpu.memref_slice %arg2[%dma_start3A_34] : memref<65536xi32, #tpu.memory_space<hbm>> -> memref<2048xi32, #tpu.memory_space<hbm>>
      tpu.enqueue_dma source(%dma_start3A_35 : memref<2048xi32, #tpu.memory_space<hbm>>) target(%arg12 : memref<2048xi32, #tpu.memory_space<vmem>>) target_semaphore(%arg20 : memref<!tpu.dma_semaphore, #tpu.memory_space<semaphore_mem>>)
      %dma_start3A_36 = arith.constant 0 : i32
      %dma_start3A_37 = tpu.memref_slice %arg3[%dma_start3A_36] : memref<65536xi32, #tpu.memory_space<hbm>> -> memref<2048xi32, #tpu.memory_space<hbm>>
      %dma_start3A_38 = arith.constant 0 : i32
      %dma_start3A_39 = tpu.memref_slice %arg3[%dma_start3A_38] : memref<65536xi32, #tpu.memory_space<hbm>> -> memref<2048xi32, #tpu.memory_space<hbm>>
      tpu.enqueue_dma source(%dma_start3A_39 : memref<2048xi32, #tpu.memory_space<hbm>>) target(%arg13 : memref<2048xi32, #tpu.memory_space<vmem>>) target_semaphore(%arg20 : memref<!tpu.dma_semaphore, #tpu.memory_space<semaphore_mem>>)
      %dma_start3A_40 = arith.constant 0 : i32
      %dma_start3A_41 = tpu.memref_slice %arg4[%dma_start3A_40] : memref<65536xi32, #tpu.memory_space<hbm>> -> memref<2048xi32, #tpu.memory_space<hbm>>
      %dma_start3A_42 = arith.constant 0 : i32
      %dma_start3A_43 = tpu.memref_slice %arg4[%dma_start3A_42] : memref<65536xi32, #tpu.memory_space<hbm>> -> memref<2048xi32, #tpu.memory_space<hbm>>
      tpu.enqueue_dma source(%dma_start3A_43 : memref<2048xi32, #tpu.memory_space<hbm>>) target(%arg14 : memref<2048xi32, #tpu.memory_space<vmem>>) target_semaphore(%arg20 : memref<!tpu.dma_semaphore, #tpu.memory_space<semaphore_mem>>)
      %mul3A_44 = arith.constant 65536 : i32
      %mul3A_45 = arith.muli %add3A_9, %mul3A_44 : i32
      %add3A_46 = arith.constant 0 : i32
      %add3A_47 = arith.addi %mul3A_45, %add3A_46 : i32
      %dma_start3A_48 = tpu.memref_slice %arg5[%add3A_47] : memref<8388608xf32, #tpu.memory_space<hbm>> -> memref<2048xf32, #tpu.memory_space<hbm>>
      %dma_start3A_49 = tpu.memref_slice %arg5[%add3A_47] : memref<8388608xf32, #tpu.memory_space<hbm>> -> memref<2048xf32, #tpu.memory_space<hbm>>
      tpu.enqueue_dma source(%dma_start3A_49 : memref<2048xf32, #tpu.memory_space<hbm>>) target(%arg18 : memref<2048xf32, #tpu.memory_space<vmem>>) target_semaphore(%arg20 : memref<!tpu.dma_semaphore, #tpu.memory_space<semaphore_mem>>)
      %scan3A_50 = arith.constant 0 : i32
      %scan3A_51 = arith.constant 0 : i32
      %scan3A_52 = arith.constant 16 : i32
      %scan3A_53 = arith.addi %scan3A_51, %scan3A_52 : i32
      %scan3A_54 = arith.constant 1 : i32
      scf.for %scan3A_62 = %scan3A_51 to %scan3A_53 step %scan3A_54  : i32 {
        %mul3A_63 = arith.constant 2 : i32
        %mul3A_64 = arith.muli %scan3A_62, %mul3A_63 : i32
        %add3A_65 = arith.constant 1 : i32
        %add3A_66 = arith.addi %mul3A_64, %add3A_65 : i32
        %lt3A = arith.constant 32 : i32
        %lt3A_67 = arith.cmpi slt, %add3A_66, %lt3A : i32
        %convert_element_type3A = arith.extui %lt3A_67 : i1 to i32
        %cond3A = arith.constant 0 : i32
        %cond3A_68 = arith.cmpi ne, %convert_element_type3A, %cond3A : i32
        scf.if %cond3A_68 {
          %add3A_144 = arith.constant 1 : i32
          %add3A_145 = arith.addi %mul3A_64, %add3A_144 : i32
          %mul3A_146 = arith.constant 2048 : i32
          %mul3A_147 = arith.muli %add3A_145, %mul3A_146 : i32
          %dma_start3A_148 = tpu.memref_slice %arg2[%mul3A_147] : memref<65536xi32, #tpu.memory_space<hbm>> -> memref<2048xi32, #tpu.memory_space<hbm>>
          %dma_start3A_149 = tpu.memref_slice %arg2[%mul3A_147] : memref<65536xi32, #tpu.memory_space<hbm>> -> memref<2048xi32, #tpu.memory_space<hbm>>
          tpu.enqueue_dma source(%dma_start3A_149 : memref<2048xi32, #tpu.memory_space<hbm>>) target(%arg15 : memref<2048xi32, #tpu.memory_space<vmem>>) target_semaphore(%arg21 : memref<!tpu.dma_semaphore, #tpu.memory_space<semaphore_mem>>)
          %dma_start3A_150 = tpu.memref_slice %arg3[%mul3A_147] : memref<65536xi32, #tpu.memory_space<hbm>> -> memref<2048xi32, #tpu.memory_space<hbm>>
          %dma_start3A_151 = tpu.memref_slice %arg3[%mul3A_147] : memref<65536xi32, #tpu.memory_space<hbm>> -> memref<2048xi32, #tpu.memory_space<hbm>>
          tpu.enqueue_dma source(%dma_start3A_151 : memref<2048xi32, #tpu.memory_space<hbm>>) target(%arg16 : memref<2048xi32, #tpu.memory_space<vmem>>) target_semaphore(%arg21 : memref<!tpu.dma_semaphore, #tpu.memory_space<semaphore_mem>>)
          %dma_start3A_152 = tpu.memref_slice %arg4[%mul3A_147] : memref<65536xi32, #tpu.memory_space<hbm>> -> memref<2048xi32, #tpu.memory_space<hbm>>
          %dma_start3A_153 = tpu.memref_slice %arg4[%mul3A_147] : memref<65536xi32, #tpu.memory_space<hbm>> -> memref<2048xi32, #tpu.memory_space<hbm>>
          tpu.enqueue_dma source(%dma_start3A_153 : memref<2048xi32, #tpu.memory_space<hbm>>) target(%arg17 : memref<2048xi32, #tpu.memory_space<vmem>>) target_semaphore(%arg21 : memref<!tpu.dma_semaphore, #tpu.memory_space<semaphore_mem>>)
          %mul3A_154 = arith.constant 65536 : i32
          %mul3A_155 = arith.muli %add3A_9, %mul3A_154 : i32
          %add3A_156 = arith.addi %mul3A_155, %mul3A_147 : i32
          %dma_start3A_157 = tpu.memref_slice %arg5[%add3A_156] : memref<8388608xf32, #tpu.memory_space<hbm>> -> memref<2048xf32, #tpu.memory_space<hbm>>
          %dma_start3A_158 = tpu.memref_slice %arg5[%add3A_156] : memref<8388608xf32, #tpu.memory_space<hbm>> -> memref<2048xf32, #tpu.memory_space<hbm>>
          tpu.enqueue_dma source(%dma_start3A_158 : memref<2048xf32, #tpu.memory_space<hbm>>) target(%arg19 : memref<2048xf32, #tpu.memory_space<vmem>>) target_semaphore(%arg21 : memref<!tpu.dma_semaphore, #tpu.memory_space<semaphore_mem>>)
        } else {
        }
        %mul3A_69 = arith.constant 2048 : i32
        %mul3A_70 = arith.muli %mul3A_64, %mul3A_69 : i32
        %dma_wait3A = tpu.memref_slice %arg2[%mul3A_70] : memref<65536xi32, #tpu.memory_space<hbm>> -> memref<2048xi32, #tpu.memory_space<hbm>>
        %dma_wait3A_71 = tpu.memref_slice %arg2[%mul3A_70] : memref<65536xi32, #tpu.memory_space<hbm>> -> memref<2048xi32, #tpu.memory_space<hbm>>
        tpu.wait_dma2 semaphore(%arg20 : memref<!tpu.dma_semaphore, #tpu.memory_space<semaphore_mem>>) src(%dma_wait3A_71 : memref<2048xi32, #tpu.memory_space<hbm>>) dst(%arg12 : memref<2048xi32, #tpu.memory_space<vmem>>)
        %dma_wait3A_72 = tpu.memref_slice %arg3[%mul3A_70] : memref<65536xi32, #tpu.memory_space<hbm>> -> memref<2048xi32, #tpu.memory_space<hbm>>
        %dma_wait3A_73 = tpu.memref_slice %arg3[%mul3A_70] : memref<65536xi32, #tpu.memory_space<hbm>> -> memref<2048xi32, #tpu.memory_space<hbm>>
        tpu.wait_dma2 semaphore(%arg20 : memref<!tpu.dma_semaphore, #tpu.memory_space<semaphore_mem>>) src(%dma_wait3A_73 : memref<2048xi32, #tpu.memory_space<hbm>>) dst(%arg13 : memref<2048xi32, #tpu.memory_space<vmem>>)
        %dma_wait3A_74 = tpu.memref_slice %arg4[%mul3A_70] : memref<65536xi32, #tpu.memory_space<hbm>> -> memref<2048xi32, #tpu.memory_space<hbm>>
        %dma_wait3A_75 = tpu.memref_slice %arg4[%mul3A_70] : memref<65536xi32, #tpu.memory_space<hbm>> -> memref<2048xi32, #tpu.memory_space<hbm>>
        tpu.wait_dma2 semaphore(%arg20 : memref<!tpu.dma_semaphore, #tpu.memory_space<semaphore_mem>>) src(%dma_wait3A_75 : memref<2048xi32, #tpu.memory_space<hbm>>) dst(%arg14 : memref<2048xi32, #tpu.memory_space<vmem>>)
        %mul3A_76 = arith.constant 65536 : i32
        %mul3A_77 = arith.muli %add3A_9, %mul3A_76 : i32
        %add3A_78 = arith.addi %mul3A_77, %mul3A_70 : i32
        %dma_wait3A_79 = tpu.memref_slice %arg5[%add3A_78] : memref<8388608xf32, #tpu.memory_space<hbm>> -> memref<2048xf32, #tpu.memory_space<hbm>>
        %dma_wait3A_80 = tpu.memref_slice %arg5[%add3A_78] : memref<8388608xf32, #tpu.memory_space<hbm>> -> memref<2048xf32, #tpu.memory_space<hbm>>
        tpu.wait_dma2 semaphore(%arg20 : memref<!tpu.dma_semaphore, #tpu.memory_space<semaphore_mem>>) src(%dma_wait3A_80 : memref<2048xf32, #tpu.memory_space<hbm>>) dst(%arg18 : memref<2048xf32, #tpu.memory_space<vmem>>)
        %broadcast_in_dim3A_81 = arith.constant false
        %broadcast_in_dim3A_82 = vector.broadcast %broadcast_in_dim3A_81 : i1 to vector<16xi1>
        %scan3A_83 = arith.constant 0 : i32
        %scan3A_84 = arith.constant 16 : i32
        %scan3A_85 = arith.addi %scan3A_83, %scan3A_84 : i32
        %scan3A_86 = arith.constant 1 : i32
        %scan3A_87 = scf.for %scan3A_144 = %scan3A_83 to %scan3A_85 step %scan3A_86 iter_args(%scan3A_145 = %broadcast_in_dim3A_82) -> (vector<16xi1>)  : i32 {
          %mul3A_146 = arith.constant 8 : i32
          %mul3A_147 = arith.muli %scan3A_144, %mul3A_146 : i32
          %add3A_148 = arith.constant 0 : i32
          %add3A_149 = arith.addi %mul3A_147, %add3A_148 : i32
          %mul3A_150 = arith.constant 16 : i32
          %mul3A_151 = arith.muli %add3A_149, %mul3A_150 : i32
          %mul3A_152 = arith.constant 8 : i32
          %mul3A_153 = arith.muli %scan3A_144, %mul3A_152 : i32
          %add3A_154 = arith.constant 1 : i32
          %add3A_155 = arith.addi %mul3A_153, %add3A_154 : i32
          %mul3A_156 = arith.constant 16 : i32
          %mul3A_157 = arith.muli %add3A_155, %mul3A_156 : i32
          %mul3A_158 = arith.constant 8 : i32
          %mul3A_159 = arith.muli %scan3A_144, %mul3A_158 : i32
          %add3A_160 = arith.constant 2 : i32
          %add3A_161 = arith.addi %mul3A_159, %add3A_160 : i32
          %mul3A_162 = arith.constant 16 : i32
          %mul3A_163 = arith.muli %add3A_161, %mul3A_162 : i32
          %mul3A_164 = arith.constant 8 : i32
          %mul3A_165 = arith.muli %scan3A_144, %mul3A_164 : i32
          %add3A_166 = arith.constant 3 : i32
          %add3A_167 = arith.addi %mul3A_165, %add3A_166 : i32
          %mul3A_168 = arith.constant 16 : i32
          %mul3A_169 = arith.muli %add3A_167, %mul3A_168 : i32
          %mul3A_170 = arith.constant 8 : i32
          %mul3A_171 = arith.muli %scan3A_144, %mul3A_170 : i32
          %add3A_172 = arith.constant 4 : i32
          %add3A_173 = arith.addi %mul3A_171, %add3A_172 : i32
          %mul3A_174 = arith.constant 16 : i32
          %mul3A_175 = arith.muli %add3A_173, %mul3A_174 : i32
          %mul3A_176 = arith.constant 8 : i32
          %mul3A_177 = arith.muli %scan3A_144, %mul3A_176 : i32
          %add3A_178 = arith.constant 5 : i32
          %add3A_179 = arith.addi %mul3A_177, %add3A_178 : i32
          %mul3A_180 = arith.constant 16 : i32
          %mul3A_181 = arith.muli %add3A_179, %mul3A_180 : i32
          %mul3A_182 = arith.constant 8 : i32
          %mul3A_183 = arith.muli %scan3A_144, %mul3A_182 : i32
          %add3A_184 = arith.constant 6 : i32
          %add3A_185 = arith.addi %mul3A_183, %add3A_184 : i32
          %mul3A_186 = arith.constant 16 : i32
          %mul3A_187 = arith.muli %add3A_185, %mul3A_186 : i32
          %mul3A_188 = arith.constant 8 : i32
          %mul3A_189 = arith.muli %scan3A_144, %mul3A_188 : i32
          %add3A_190 = arith.constant 7 : i32
          %add3A_191 = arith.addi %mul3A_189, %add3A_190 : i32
          %mul3A_192 = arith.constant 16 : i32
          %mul3A_193 = arith.muli %add3A_191, %mul3A_192 : i32
          %get3A = arith.index_cast %mul3A_151 : i32 to index
          %get3A_194 = tpu.vector_load %arg18[%get3A] {strides = array<i32>} : memref<2048xf32, #tpu.memory_space<vmem>>, vector<16xf32>,
          %get3A_195 = arith.index_cast %mul3A_157 : i32 to index
          %get3A_196 = tpu.vector_load %arg18[%get3A_195] {strides = array<i32>} : memref<2048xf32, #tpu.memory_space<vmem>>, vector<16xf32>,
          %get3A_197 = arith.index_cast %mul3A_163 : i32 to index
          %get3A_198 = tpu.vector_load %arg18[%get3A_197] {strides = array<i32>} : memref<2048xf32, #tpu.memory_space<vmem>>, vector<16xf32>,
          %get3A_199 = arith.index_cast %mul3A_169 : i32 to index
          %get3A_200 = tpu.vector_load %arg18[%get3A_199] {strides = array<i32>} : memref<2048xf32, #tpu.memory_space<vmem>>, vector<16xf32>,
          %get3A_201 = arith.index_cast %mul3A_175 : i32 to index
          %get3A_202 = tpu.vector_load %arg18[%get3A_201] {strides = array<i32>} : memref<2048xf32, #tpu.memory_space<vmem>>, vector<16xf32>,
          %get3A_203 = arith.index_cast %mul3A_181 : i32 to index
          %get3A_204 = tpu.vector_load %arg18[%get3A_203] {strides = array<i32>} : memref<2048xf32, #tpu.memory_space<vmem>>, vector<16xf32>,
          %get3A_205 = arith.index_cast %mul3A_187 : i32 to index
          %get3A_206 = tpu.vector_load %arg18[%get3A_205] {strides = array<i32>} : memref<2048xf32, #tpu.memory_space<vmem>>, vector<16xf32>,
          %get3A_207 = arith.index_cast %mul3A_193 : i32 to index
          %get3A_208 = tpu.vector_load %arg18[%get3A_207] {strides = array<i32>} : memref<2048xf32, #tpu.memory_space<vmem>>, vector<16xf32>,
          %get3A_209 = arith.index_cast %mul3A_151 : i32 to index
          %get3A_210 = tpu.vector_load %arg12[%get3A_209] {strides = array<i32>} : memref<2048xi32, #tpu.memory_space<vmem>>, vector<16xi32>,
          %get3A_211 = arith.index_cast %mul3A_157 : i32 to index
          %get3A_212 = tpu.vector_load %arg12[%get3A_211] {strides = array<i32>} : memref<2048xi32, #tpu.memory_space<vmem>>, vector<16xi32>,
          %get3A_213 = arith.index_cast %mul3A_163 : i32 to index
          %get3A_214 = tpu.vector_load %arg12[%get3A_213] {strides = array<i32>} : memref<2048xi32, #tpu.memory_space<vmem>>, vector<16xi32>,
          %get3A_215 = arith.index_cast %mul3A_169 : i32 to index
          %get3A_216 = tpu.vector_load %arg12[%get3A_215] {strides = array<i32>} : memref<2048xi32, #tpu.memory_space<vmem>>, vector<16xi32>,
          %get3A_217 = arith.index_cast %mul3A_175 : i32 to index
          %get3A_218 = tpu.vector_load %arg12[%get3A_217] {strides = array<i32>} : memref<2048xi32, #tpu.memory_space<vmem>>, vector<16xi32>,
          %get3A_219 = arith.index_cast %mul3A_181 : i32 to index
          %get3A_220 = tpu.vector_load %arg12[%get3A_219] {strides = array<i32>} : memref<2048xi32, #tpu.memory_space<vmem>>, vector<16xi32>,
          %get3A_221 = arith.index_cast %mul3A_187 : i32 to index
          %get3A_222 = tpu.vector_load %arg12[%get3A_221] {strides = array<i32>} : memref<2048xi32, #tpu.memory_space<vmem>>, vector<16xi32>,
          %get3A_223 = arith.index_cast %mul3A_193 : i32 to index
          %get3A_224 = tpu.vector_load %arg12[%get3A_223] {strides = array<i32>} : memref<2048xi32, #tpu.memory_space<vmem>>, vector<16xi32>,
          %get3A_225 = arith.index_cast %mul3A_151 : i32 to index
          %get3A_226 = tpu.vector_load %arg13[%get3A_225] {strides = array<i32>} : memref<2048xi32, #tpu.memory_space<vmem>>, vector<16xi32>,
          %get3A_227 = arith.index_cast %mul3A_157 : i32 to index
          %get3A_228 = tpu.vector_load %arg13[%get3A_227] {strides = array<i32>} : memref<2048xi32, #tpu.memory_space<vmem>>, vector<16xi32>,
          %get3A_229 = arith.index_cast %mul3A_163 : i32 to index
          %get3A_230 = tpu.vector_load %arg13[%get3A_229] {strides = array<i32>} : memref<2048xi32, #tpu.memory_space<vmem>>, vector<16xi32>,
          %get3A_231 = arith.index_cast %mul3A_169 : i32 to index
          %get3A_232 = tpu.vector_load %arg13[%get3A_231] {strides = array<i32>} : memref<2048xi32, #tpu.memory_space<vmem>>, vector<16xi32>,
          %get3A_233 = arith.index_cast %mul3A_175 : i32 to index
          %get3A_234 = tpu.vector_load %arg13[%get3A_233] {strides = array<i32>} : memref<2048xi32, #tpu.memory_space<vmem>>, vector<16xi32>,
          %get3A_235 = arith.index_cast %mul3A_181 : i32 to index
          %get3A_236 = tpu.vector_load %arg13[%get3A_235] {strides = array<i32>} : memref<2048xi32, #tpu.memory_space<vmem>>, vector<16xi32>,
          %get3A_237 = arith.index_cast %mul3A_187 : i32 to index
          %get3A_238 = tpu.vector_load %arg13[%get3A_237] {strides = array<i32>} : memref<2048xi32, #tpu.memory_space<vmem>>, vector<16xi32>,
          %get3A_239 = arith.index_cast %mul3A_193 : i32 to index
          %get3A_240 = tpu.vector_load %arg13[%get3A_239] {strides = array<i32>} : memref<2048xi32, #tpu.memory_space<vmem>>, vector<16xi32>,
          %get3A_241 = arith.index_cast %mul3A_151 : i32 to index
          %get3A_242 = tpu.vector_load %arg14[%get3A_241] {strides = array<i32>} : memref<2048xi32, #tpu.memory_space<vmem>>, vector<16xi32>,
          %get3A_243 = arith.index_cast %mul3A_157 : i32 to index
          %get3A_244 = tpu.vector_load %arg14[%get3A_243] {strides = array<i32>} : memref<2048xi32, #tpu.memory_space<vmem>>, vector<16xi32>,
          %get3A_245 = arith.index_cast %mul3A_163 : i32 to index
          %get3A_246 = tpu.vector_load %arg14[%get3A_245] {strides = array<i32>} : memref<2048xi32, #tpu.memory_space<vmem>>, vector<16xi32>,
          %get3A_247 = arith.index_cast %mul3A_169 : i32 to index
          %get3A_248 = tpu.vector_load %arg14[%get3A_247] {strides = array<i32>} : memref<2048xi32, #tpu.memory_space<vmem>>, vector<16xi32>,
          %get3A_249 = arith.index_cast %mul3A_175 : i32 to index
          %get3A_250 = tpu.vector_load %arg14[%get3A_249] {strides = array<i32>} : memref<2048xi32, #tpu.memory_space<vmem>>, vector<16xi32>,
          %get3A_251 = arith.index_cast %mul3A_181 : i32 to index
          %get3A_252 = tpu.vector_load %arg14[%get3A_251] {strides = array<i32>} : memref<2048xi32, #tpu.memory_space<vmem>>, vector<16xi32>,
          %get3A_253 = arith.index_cast %mul3A_187 : i32 to index
          %get3A_254 = tpu.vector_load %arg14[%get3A_253] {strides = array<i32>} : memref<2048xi32, #tpu.memory_space<vmem>>, vector<16xi32>,
          %get3A_255 = arith.index_cast %mul3A_193 : i32 to index
          %get3A_256 = tpu.vector_load %arg14[%get3A_255] {strides = array<i32>} : memref<2048xi32, #tpu.memory_space<vmem>>, vector<16xi32>,
          %gather3A = tpu.vector_load_idx %arg9[%get3A_210] : memref<81920xf32, #tpu.memory_space<vmem>>[vector<16xi32>], vector<16xf32>,
          %gather3A_257 = tpu.vector_load_idx %arg9[%get3A_212] : memref<81920xf32, #tpu.memory_space<vmem>>[vector<16xi32>], vector<16xf32>,
          %gather3A_258 = tpu.vector_load_idx %arg9[%get3A_214] : memref<81920xf32, #tpu.memory_space<vmem>>[vector<16xi32>], vector<16xf32>,
          %gather3A_259 = tpu.vector_load_idx %arg9[%get3A_216] : memref<81920xf32, #tpu.memory_space<vmem>>[vector<16xi32>], vector<16xf32>,
          %gather3A_260 = tpu.vector_load_idx %arg9[%get3A_218] : memref<81920xf32, #tpu.memory_space<vmem>>[vector<16xi32>], vector<16xf32>,
          %gather3A_261 = tpu.vector_load_idx %arg9[%get3A_220] : memref<81920xf32, #tpu.memory_space<vmem>>[vector<16xi32>], vector<16xf32>,
          %gather3A_262 = tpu.vector_load_idx %arg9[%get3A_222] : memref<81920xf32, #tpu.memory_space<vmem>>[vector<16xi32>], vector<16xf32>,
          %gather3A_263 = tpu.vector_load_idx %arg9[%get3A_224] : memref<81920xf32, #tpu.memory_space<vmem>>[vector<16xi32>], vector<16xf32>,
          %gather3A_264 = tpu.vector_load_idx %arg10[%get3A_226] : memref<6400xf32, #tpu.memory_space<vmem>>[vector<16xi32>], vector<16xf32>,
          %gather3A_265 = tpu.vector_load_idx %arg10[%get3A_228] : memref<6400xf32, #tpu.memory_space<vmem>>[vector<16xi32>], vector<16xf32>,
          %gather3A_266 = tpu.vector_load_idx %arg10[%get3A_230] : memref<6400xf32, #tpu.memory_space<vmem>>[vector<16xi32>], vector<16xf32>,
          %gather3A_267 = tpu.vector_load_idx %arg10[%get3A_232] : memref<6400xf32, #tpu.memory_space<vmem>>[vector<16xi32>], vector<16xf32>,
          %gather3A_268 = tpu.vector_load_idx %arg10[%get3A_234] : memref<6400xf32, #tpu.memory_space<vmem>>[vector<16xi32>], vector<16xf32>,
          %gather3A_269 = tpu.vector_load_idx %arg10[%get3A_236] : memref<6400xf32, #tpu.memory_space<vmem>>[vector<16xi32>], vector<16xf32>,
          %gather3A_270 = tpu.vector_load_idx %arg10[%get3A_238] : memref<6400xf32, #tpu.memory_space<vmem>>[vector<16xi32>], vector<16xf32>,
          %gather3A_271 = tpu.vector_load_idx %arg10[%get3A_240] : memref<6400xf32, #tpu.memory_space<vmem>>[vector<16xi32>], vector<16xf32>,
          %gather3A_272 = tpu.vector_load_idx %arg11[%get3A_242] : memref<6400xf32, #tpu.memory_space<vmem>>[vector<16xi32>], vector<16xf32>,
          %gather3A_273 = tpu.vector_load_idx %arg11[%get3A_244] : memref<6400xf32, #tpu.memory_space<vmem>>[vector<16xi32>], vector<16xf32>,
          %gather3A_274 = tpu.vector_load_idx %arg11[%get3A_246] : memref<6400xf32, #tpu.memory_space<vmem>>[vector<16xi32>], vector<16xf32>,
          %gather3A_275 = tpu.vector_load_idx %arg11[%get3A_248] : memref<6400xf32, #tpu.memory_space<vmem>>[vector<16xi32>], vector<16xf32>,
          %gather3A_276 = tpu.vector_load_idx %arg11[%get3A_250] : memref<6400xf32, #tpu.memory_space<vmem>>[vector<16xi32>], vector<16xf32>,
          %gather3A_277 = tpu.vector_load_idx %arg11[%get3A_252] : memref<6400xf32, #tpu.memory_space<vmem>>[vector<16xi32>], vector<16xf32>,
          %gather3A_278 = tpu.vector_load_idx %arg11[%get3A_254] : memref<6400xf32, #tpu.memory_space<vmem>>[vector<16xi32>], vector<16xf32>,
          %gather3A_279 = tpu.vector_load_idx %arg11[%get3A_256] : memref<6400xf32, #tpu.memory_space<vmem>>[vector<16xi32>], vector<16xf32>,
          %max3A = arith.maximumf %gather3A, %get3A_194 : vector<16xf32>
          tpu.vector_store_idx %arg9[%get3A_210], %max3A : memref<81920xf32, #tpu.memory_space<vmem>>[vector<16xi32>], vector<16xf32>,
          %max3A_280 = arith.maximumf %gather3A_257, %get3A_196 : vector<16xf32>
          tpu.vector_store_idx %arg9[%get3A_212], %max3A_280 : memref<81920xf32, #tpu.memory_space<vmem>>[vector<16xi32>], vector<16xf32>,
          %max3A_281 = arith.maximumf %gather3A_258, %get3A_198 : vector<16xf32>
          tpu.vector_store_idx %arg9[%get3A_214], %max3A_281 : memref<81920xf32, #tpu.memory_space<vmem>>[vector<16xi32>], vector<16xf32>,
          %max3A_282 = arith.maximumf %gather3A_259, %get3A_200 : vector<16xf32>
          tpu.vector_store_idx %arg9[%get3A_216], %max3A_282 : memref<81920xf32, #tpu.memory_space<vmem>>[vector<16xi32>], vector<16xf32>,
          %max3A_283 = arith.maximumf %gather3A_260, %get3A_202 : vector<16xf32>
          tpu.vector_store_idx %arg9[%get3A_218], %max3A_283 : memref<81920xf32, #tpu.memory_space<vmem>>[vector<16xi32>], vector<16xf32>,
          %max3A_284 = arith.maximumf %gather3A_261, %get3A_204 : vector<16xf32>
          tpu.vector_store_idx %arg9[%get3A_220], %max3A_284 : memref<81920xf32, #tpu.memory_space<vmem>>[vector<16xi32>], vector<16xf32>,
          %max3A_285 = arith.maximumf %gather3A_262, %get3A_206 : vector<16xf32>
          tpu.vector_store_idx %arg9[%get3A_222], %max3A_285 : memref<81920xf32, #tpu.memory_space<vmem>>[vector<16xi32>], vector<16xf32>,
          %max3A_286 = arith.maximumf %gather3A_263, %get3A_208 : vector<16xf32>
          tpu.vector_store_idx %arg9[%get3A_224], %max3A_286 : memref<81920xf32, #tpu.memory_space<vmem>>[vector<16xi32>], vector<16xf32>,
          %max3A_287 = arith.maximumf %gather3A_264, %get3A_194 : vector<16xf32>
          tpu.vector_store_idx %arg10[%get3A_226], %max3A_287 : memref<6400xf32, #tpu.memory_space<vmem>>[vector<16xi32>], vector<16xf32>,
          %max3A_288 = arith.maximumf %gather3A_265, %get3A_196 : vector<16xf32>
          tpu.vector_store_idx %arg10[%get3A_228], %max3A_288 : memref<6400xf32, #tpu.memory_space<vmem>>[vector<16xi32>], vector<16xf32>,
          %max3A_289 = arith.maximumf %gather3A_266, %get3A_198 : vector<16xf32>
          tpu.vector_store_idx %arg10[%get3A_230], %max3A_289 : memref<6400xf32, #tpu.memory_space<vmem>>[vector<16xi32>], vector<16xf32>,
          %max3A_290 = arith.maximumf %gather3A_267, %get3A_200 : vector<16xf32>
          tpu.vector_store_idx %arg10[%get3A_232], %max3A_290 : memref<6400xf32, #tpu.memory_space<vmem>>[vector<16xi32>], vector<16xf32>,
          %max3A_291 = arith.maximumf %gather3A_268, %get3A_202 : vector<16xf32>
          tpu.vector_store_idx %arg10[%get3A_234], %max3A_291 : memref<6400xf32, #tpu.memory_space<vmem>>[vector<16xi32>], vector<16xf32>,
          %max3A_292 = arith.maximumf %gather3A_269, %get3A_204 : vector<16xf32>
          tpu.vector_store_idx %arg10[%get3A_236], %max3A_292 : memref<6400xf32, #tpu.memory_space<vmem>>[vector<16xi32>], vector<16xf32>,
          %max3A_293 = arith.maximumf %gather3A_270, %get3A_206 : vector<16xf32>
          tpu.vector_store_idx %arg10[%get3A_238], %max3A_293 : memref<6400xf32, #tpu.memory_space<vmem>>[vector<16xi32>], vector<16xf32>,
          %max3A_294 = arith.maximumf %gather3A_271, %get3A_208 : vector<16xf32>
          tpu.vector_store_idx %arg10[%get3A_240], %max3A_294 : memref<6400xf32, #tpu.memory_space<vmem>>[vector<16xi32>], vector<16xf32>,
          %max3A_295 = arith.maximumf %gather3A_272, %get3A_194 : vector<16xf32>
          tpu.vector_store_idx %arg11[%get3A_242], %max3A_295 : memref<6400xf32, #tpu.memory_space<vmem>>[vector<16xi32>], vector<16xf32>,
          %max3A_296 = arith.maximumf %gather3A_273, %get3A_196 : vector<16xf32>
          tpu.vector_store_idx %arg11[%get3A_244], %max3A_296 : memref<6400xf32, #tpu.memory_space<vmem>>[vector<16xi32>], vector<16xf32>,
          %max3A_297 = arith.maximumf %gather3A_274, %get3A_198 : vector<16xf32>
          tpu.vector_store_idx %arg11[%get3A_246], %max3A_297 : memref<6400xf32, #tpu.memory_space<vmem>>[vector<16xi32>], vector<16xf32>,
          %max3A_298 = arith.maximumf %gather3A_275, %get3A_200 : vector<16xf32>
          tpu.vector_store_idx %arg11[%get3A_248], %max3A_298 : memref<6400xf32, #tpu.memory_space<vmem>>[vector<16xi32>], vector<16xf32>,
          %max3A_299 = arith.maximumf %gather3A_276, %get3A_202 : vector<16xf32>
          tpu.vector_store_idx %arg11[%get3A_250], %max3A_299 : memref<6400xf32, #tpu.memory_space<vmem>>[vector<16xi32>], vector<16xf32>,
          %max3A_300 = arith.maximumf %gather3A_277, %get3A_204 : vector<16xf32>
          tpu.vector_store_idx %arg11[%get3A_252], %max3A_300 : memref<6400xf32, #tpu.memory_space<vmem>>[vector<16xi32>], vector<16xf32>,
          %max3A_301 = arith.maximumf %gather3A_278, %get3A_206 : vector<16xf32>
          tpu.vector_store_idx %arg11[%get3A_254], %max3A_301 : memref<6400xf32, #tpu.memory_space<vmem>>[vector<16xi32>], vector<16xf32>,
          %max3A_302 = arith.maximumf %gather3A_279, %get3A_208 : vector<16xf32>
          tpu.vector_store_idx %arg11[%get3A_256], %max3A_302 : memref<6400xf32, #tpu.memory_space<vmem>>[vector<16xi32>], vector<16xf32>,
          %gather3A_303 = tpu.vector_load_idx %arg9[%get3A_210] : memref<81920xf32, #tpu.memory_space<vmem>>[vector<16xi32>], vector<16xf32>,
          %gather3A_304 = tpu.vector_load_idx %arg9[%get3A_212] : memref<81920xf32, #tpu.memory_space<vmem>>[vector<16xi32>], vector<16xf32>,
          %gather3A_305 = tpu.vector_load_idx %arg9[%get3A_214] : memref<81920xf32, #tpu.memory_space<vmem>>[vector<16xi32>], vector<16xf32>,
          %gather3A_306 = tpu.vector_load_idx %arg9[%get3A_216] : memref<81920xf32, #tpu.memory_space<vmem>>[vector<16xi32>], vector<16xf32>,
          %gather3A_307 = tpu.vector_load_idx %arg9[%get3A_218] : memref<81920xf32, #tpu.memory_space<vmem>>[vector<16xi32>], vector<16xf32>,
          %gather3A_308 = tpu.vector_load_idx %arg9[%get3A_220] : memref<81920xf32, #tpu.memory_space<vmem>>[vector<16xi32>], vector<16xf32>,
          %gather3A_309 = tpu.vector_load_idx %arg9[%get3A_222] : memref<81920xf32, #tpu.memory_space<vmem>>[vector<16xi32>], vector<16xf32>,
          %gather3A_310 = tpu.vector_load_idx %arg9[%get3A_224] : memref<81920xf32, #tpu.memory_space<vmem>>[vector<16xi32>], vector<16xf32>,
          %gather3A_311 = tpu.vector_load_idx %arg10[%get3A_226] : memref<6400xf32, #tpu.memory_space<vmem>>[vector<16xi32>], vector<16xf32>,
          %gather3A_312 = tpu.vector_load_idx %arg10[%get3A_228] : memref<6400xf32, #tpu.memory_space<vmem>>[vector<16xi32>], vector<16xf32>,
          %gather3A_313 = tpu.vector_load_idx %arg10[%get3A_230] : memref<6400xf32, #tpu.memory_space<vmem>>[vector<16xi32>], vector<16xf32>,
          %gather3A_314 = tpu.vector_load_idx %arg10[%get3A_232] : memref<6400xf32, #tpu.memory_space<vmem>>[vector<16xi32>], vector<16xf32>,
          %gather3A_315 = tpu.vector_load_idx %arg10[%get3A_234] : memref<6400xf32, #tpu.memory_space<vmem>>[vector<16xi32>], vector<16xf32>,
          %gather3A_316 = tpu.vector_load_idx %arg10[%get3A_236] : memref<6400xf32, #tpu.memory_space<vmem>>[vector<16xi32>], vector<16xf32>,
          %gather3A_317 = tpu.vector_load_idx %arg10[%get3A_238] : memref<6400xf32, #tpu.memory_space<vmem>>[vector<16xi32>], vector<16xf32>,
          %gather3A_318 = tpu.vector_load_idx %arg10[%get3A_240] : memref<6400xf32, #tpu.memory_space<vmem>>[vector<16xi32>], vector<16xf32>,
          %gather3A_319 = tpu.vector_load_idx %arg11[%get3A_242] : memref<6400xf32, #tpu.memory_space<vmem>>[vector<16xi32>], vector<16xf32>,
          %gather3A_320 = tpu.vector_load_idx %arg11[%get3A_244] : memref<6400xf32, #tpu.memory_space<vmem>>[vector<16xi32>], vector<16xf32>,
          %gather3A_321 = tpu.vector_load_idx %arg11[%get3A_246] : memref<6400xf32, #tpu.memory_space<vmem>>[vector<16xi32>], vector<16xf32>,
          %gather3A_322 = tpu.vector_load_idx %arg11[%get3A_248] : memref<6400xf32, #tpu.memory_space<vmem>>[vector<16xi32>], vector<16xf32>,
          %gather3A_323 = tpu.vector_load_idx %arg11[%get3A_250] : memref<6400xf32, #tpu.memory_space<vmem>>[vector<16xi32>], vector<16xf32>,
          %gather3A_324 = tpu.vector_load_idx %arg11[%get3A_252] : memref<6400xf32, #tpu.memory_space<vmem>>[vector<16xi32>], vector<16xf32>,
          %gather3A_325 = tpu.vector_load_idx %arg11[%get3A_254] : memref<6400xf32, #tpu.memory_space<vmem>>[vector<16xi32>], vector<16xf32>,
          %gather3A_326 = tpu.vector_load_idx %arg11[%get3A_256] : memref<6400xf32, #tpu.memory_space<vmem>>[vector<16xi32>], vector<16xf32>,
          %lt3A_327 = arith.cmpf olt, %gather3A_303, %get3A_194 : vector<16xf32>
          %lt3A_328 = arith.cmpf olt, %gather3A_304, %get3A_196 : vector<16xf32>
          %lt3A_329 = arith.cmpf olt, %gather3A_305, %get3A_198 : vector<16xf32>
          %lt3A_330 = arith.cmpf olt, %gather3A_306, %get3A_200 : vector<16xf32>
          %lt3A_331 = arith.cmpf olt, %gather3A_307, %get3A_202 : vector<16xf32>
          %lt3A_332 = arith.cmpf olt, %gather3A_308, %get3A_204 : vector<16xf32>
          %lt3A_333 = arith.cmpf olt, %gather3A_309, %get3A_206 : vector<16xf32>
          %lt3A_334 = arith.cmpf olt, %gather3A_310, %get3A_208 : vector<16xf32>
          %lt3A_335 = arith.cmpf olt, %gather3A_311, %get3A_194 : vector<16xf32>
          %lt3A_336 = arith.cmpf olt, %gather3A_312, %get3A_196 : vector<16xf32>
          %lt3A_337 = arith.cmpf olt, %gather3A_313, %get3A_198 : vector<16xf32>
          %lt3A_338 = arith.cmpf olt, %gather3A_314, %get3A_200 : vector<16xf32>
          %lt3A_339 = arith.cmpf olt, %gather3A_315, %get3A_202 : vector<16xf32>
          %lt3A_340 = arith.cmpf olt, %gather3A_316, %get3A_204 : vector<16xf32>
          %lt3A_341 = arith.cmpf olt, %gather3A_317, %get3A_206 : vector<16xf32>
          %lt3A_342 = arith.cmpf olt, %gather3A_318, %get3A_208 : vector<16xf32>
          %lt3A_343 = arith.cmpf olt, %gather3A_319, %get3A_194 : vector<16xf32>
          %lt3A_344 = arith.cmpf olt, %gather3A_320, %get3A_196 : vector<16xf32>
          %lt3A_345 = arith.cmpf olt, %gather3A_321, %get3A_198 : vector<16xf32>
          %lt3A_346 = arith.cmpf olt, %gather3A_322, %get3A_200 : vector<16xf32>
          %lt3A_347 = arith.cmpf olt, %gather3A_323, %get3A_202 : vector<16xf32>
          %lt3A_348 = arith.cmpf olt, %gather3A_324, %get3A_204 : vector<16xf32>
          %lt3A_349 = arith.cmpf olt, %gather3A_325, %get3A_206 : vector<16xf32>
          %lt3A_350 = arith.cmpf olt, %gather3A_326, %get3A_208 : vector<16xf32>
          tpu.vector_store_idx %arg9[%get3A_210], %get3A_194 masked %lt3A_327 : memref<81920xf32, #tpu.memory_space<vmem>>[vector<16xi32>], vector<16xf32>, vector<16xi1>
          tpu.vector_store_idx %arg9[%get3A_212], %get3A_196 masked %lt3A_328 : memref<81920xf32, #tpu.memory_space<vmem>>[vector<16xi32>], vector<16xf32>, vector<16xi1>
          tpu.vector_store_idx %arg9[%get3A_214], %get3A_198 masked %lt3A_329 : memref<81920xf32, #tpu.memory_space<vmem>>[vector<16xi32>], vector<16xf32>, vector<16xi1>
          tpu.vector_store_idx %arg9[%get3A_216], %get3A_200 masked %lt3A_330 : memref<81920xf32, #tpu.memory_space<vmem>>[vector<16xi32>], vector<16xf32>, vector<16xi1>
          tpu.vector_store_idx %arg9[%get3A_218], %get3A_202 masked %lt3A_331 : memref<81920xf32, #tpu.memory_space<vmem>>[vector<16xi32>], vector<16xf32>, vector<16xi1>
          tpu.vector_store_idx %arg9[%get3A_220], %get3A_204 masked %lt3A_332 : memref<81920xf32, #tpu.memory_space<vmem>>[vector<16xi32>], vector<16xf32>, vector<16xi1>
          tpu.vector_store_idx %arg9[%get3A_222], %get3A_206 masked %lt3A_333 : memref<81920xf32, #tpu.memory_space<vmem>>[vector<16xi32>], vector<16xf32>, vector<16xi1>
          tpu.vector_store_idx %arg9[%get3A_224], %get3A_208 masked %lt3A_334 : memref<81920xf32, #tpu.memory_space<vmem>>[vector<16xi32>], vector<16xf32>, vector<16xi1>
          tpu.vector_store_idx %arg10[%get3A_226], %get3A_194 masked %lt3A_335 : memref<6400xf32, #tpu.memory_space<vmem>>[vector<16xi32>], vector<16xf32>, vector<16xi1>
          tpu.vector_store_idx %arg10[%get3A_228], %get3A_196 masked %lt3A_336 : memref<6400xf32, #tpu.memory_space<vmem>>[vector<16xi32>], vector<16xf32>, vector<16xi1>
          tpu.vector_store_idx %arg10[%get3A_230], %get3A_198 masked %lt3A_337 : memref<6400xf32, #tpu.memory_space<vmem>>[vector<16xi32>], vector<16xf32>, vector<16xi1>
          tpu.vector_store_idx %arg10[%get3A_232], %get3A_200 masked %lt3A_338 : memref<6400xf32, #tpu.memory_space<vmem>>[vector<16xi32>], vector<16xf32>, vector<16xi1>
          tpu.vector_store_idx %arg10[%get3A_234], %get3A_202 masked %lt3A_339 : memref<6400xf32, #tpu.memory_space<vmem>>[vector<16xi32>], vector<16xf32>, vector<16xi1>
          tpu.vector_store_idx %arg10[%get3A_236], %get3A_204 masked %lt3A_340 : memref<6400xf32, #tpu.memory_space<vmem>>[vector<16xi32>], vector<16xf32>, vector<16xi1>
          tpu.vector_store_idx %arg10[%get3A_238], %get3A_206 masked %lt3A_341 : memref<6400xf32, #tpu.memory_space<vmem>>[vector<16xi32>], vector<16xf32>, vector<16xi1>
          tpu.vector_store_idx %arg10[%get3A_240], %get3A_208 masked %lt3A_342 : memref<6400xf32, #tpu.memory_space<vmem>>[vector<16xi32>], vector<16xf32>, vector<16xi1>
          tpu.vector_store_idx %arg11[%get3A_242], %get3A_194 masked %lt3A_343 : memref<6400xf32, #tpu.memory_space<vmem>>[vector<16xi32>], vector<16xf32>, vector<16xi1>
          tpu.vector_store_idx %arg11[%get3A_244], %get3A_196 masked %lt3A_344 : memref<6400xf32, #tpu.memory_space<vmem>>[vector<16xi32>], vector<16xf32>, vector<16xi1>
          tpu.vector_store_idx %arg11[%get3A_246], %get3A_198 masked %lt3A_345 : memref<6400xf32, #tpu.memory_space<vmem>>[vector<16xi32>], vector<16xf32>, vector<16xi1>
          tpu.vector_store_idx %arg11[%get3A_248], %get3A_200 masked %lt3A_346 : memref<6400xf32, #tpu.memory_space<vmem>>[vector<16xi32>], vector<16xf32>, vector<16xi1>
          tpu.vector_store_idx %arg11[%get3A_250], %get3A_202 masked %lt3A_347 : memref<6400xf32, #tpu.memory_space<vmem>>[vector<16xi32>], vector<16xf32>, vector<16xi1>
          tpu.vector_store_idx %arg11[%get3A_252], %get3A_204 masked %lt3A_348 : memref<6400xf32, #tpu.memory_space<vmem>>[vector<16xi32>], vector<16xf32>, vector<16xi1>
          tpu.vector_store_idx %arg11[%get3A_254], %get3A_206 masked %lt3A_349 : memref<6400xf32, #tpu.memory_space<vmem>>[vector<16xi32>], vector<16xf32>, vector<16xi1>
          tpu.vector_store_idx %arg11[%get3A_256], %get3A_208 masked %lt3A_350 : memref<6400xf32, #tpu.memory_space<vmem>>[vector<16xi32>], vector<16xf32>, vector<16xi1>
          %gather3A_351 = tpu.vector_load_idx %arg9[%get3A_210] : memref<81920xf32, #tpu.memory_space<vmem>>[vector<16xi32>], vector<16xf32>,
          %gather3A_352 = tpu.vector_load_idx %arg9[%get3A_212] : memref<81920xf32, #tpu.memory_space<vmem>>[vector<16xi32>], vector<16xf32>,
          %gather3A_353 = tpu.vector_load_idx %arg9[%get3A_214] : memref<81920xf32, #tpu.memory_space<vmem>>[vector<16xi32>], vector<16xf32>,
          %gather3A_354 = tpu.vector_load_idx %arg9[%get3A_216] : memref<81920xf32, #tpu.memory_space<vmem>>[vector<16xi32>], vector<16xf32>,
          %gather3A_355 = tpu.vector_load_idx %arg9[%get3A_218] : memref<81920xf32, #tpu.memory_space<vmem>>[vector<16xi32>], vector<16xf32>,
          %gather3A_356 = tpu.vector_load_idx %arg9[%get3A_220] : memref<81920xf32, #tpu.memory_space<vmem>>[vector<16xi32>], vector<16xf32>,
          %gather3A_357 = tpu.vector_load_idx %arg9[%get3A_222] : memref<81920xf32, #tpu.memory_space<vmem>>[vector<16xi32>], vector<16xf32>,
          %gather3A_358 = tpu.vector_load_idx %arg9[%get3A_224] : memref<81920xf32, #tpu.memory_space<vmem>>[vector<16xi32>], vector<16xf32>,
          %gather3A_359 = tpu.vector_load_idx %arg10[%get3A_226] : memref<6400xf32, #tpu.memory_space<vmem>>[vector<16xi32>], vector<16xf32>,
          %gather3A_360 = tpu.vector_load_idx %arg10[%get3A_228] : memref<6400xf32, #tpu.memory_space<vmem>>[vector<16xi32>], vector<16xf32>,
          %gather3A_361 = tpu.vector_load_idx %arg10[%get3A_230] : memref<6400xf32, #tpu.memory_space<vmem>>[vector<16xi32>], vector<16xf32>,
          %gather3A_362 = tpu.vector_load_idx %arg10[%get3A_232] : memref<6400xf32, #tpu.memory_space<vmem>>[vector<16xi32>], vector<16xf32>,
          %gather3A_363 = tpu.vector_load_idx %arg10[%get3A_234] : memref<6400xf32, #tpu.memory_space<vmem>>[vector<16xi32>], vector<16xf32>,
          %gather3A_364 = tpu.vector_load_idx %arg10[%get3A_236] : memref<6400xf32, #tpu.memory_space<vmem>>[vector<16xi32>], vector<16xf32>,
          %gather3A_365 = tpu.vector_load_idx %arg10[%get3A_238] : memref<6400xf32, #tpu.memory_space<vmem>>[vector<16xi32>], vector<16xf32>,
          %gather3A_366 = tpu.vector_load_idx %arg10[%get3A_240] : memref<6400xf32, #tpu.memory_space<vmem>>[vector<16xi32>], vector<16xf32>,
          %gather3A_367 = tpu.vector_load_idx %arg11[%get3A_242] : memref<6400xf32, #tpu.memory_space<vmem>>[vector<16xi32>], vector<16xf32>,
          %gather3A_368 = tpu.vector_load_idx %arg11[%get3A_244] : memref<6400xf32, #tpu.memory_space<vmem>>[vector<16xi32>], vector<16xf32>,
          %gather3A_369 = tpu.vector_load_idx %arg11[%get3A_246] : memref<6400xf32, #tpu.memory_space<vmem>>[vector<16xi32>], vector<16xf32>,
          %gather3A_370 = tpu.vector_load_idx %arg11[%get3A_248] : memref<6400xf32, #tpu.memory_space<vmem>>[vector<16xi32>], vector<16xf32>,
          %gather3A_371 = tpu.vector_load_idx %arg11[%get3A_250] : memref<6400xf32, #tpu.memory_space<vmem>>[vector<16xi32>], vector<16xf32>,
          %gather3A_372 = tpu.vector_load_idx %arg11[%get3A_252] : memref<6400xf32, #tpu.memory_space<vmem>>[vector<16xi32>], vector<16xf32>,
          %gather3A_373 = tpu.vector_load_idx %arg11[%get3A_254] : memref<6400xf32, #tpu.memory_space<vmem>>[vector<16xi32>], vector<16xf32>,
          %gather3A_374 = tpu.vector_load_idx %arg11[%get3A_256] : memref<6400xf32, #tpu.memory_space<vmem>>[vector<16xi32>], vector<16xf32>,
          %lt3A_375 = arith.cmpf olt, %gather3A_351, %get3A_194 : vector<16xf32>
          %lt3A_376 = arith.cmpf olt, %gather3A_352, %get3A_196 : vector<16xf32>
          %lt3A_377 = arith.cmpf olt, %gather3A_353, %get3A_198 : vector<16xf32>
          %lt3A_378 = arith.cmpf olt, %gather3A_354, %get3A_200 : vector<16xf32>
          %lt3A_379 = arith.cmpf olt, %gather3A_355, %get3A_202 : vector<16xf32>
          %lt3A_380 = arith.cmpf olt, %gather3A_356, %get3A_204 : vector<16xf32>
          %lt3A_381 = arith.cmpf olt, %gather3A_357, %get3A_206 : vector<16xf32>
          %lt3A_382 = arith.cmpf olt, %gather3A_358, %get3A_208 : vector<16xf32>
          %lt3A_383 = arith.cmpf olt, %gather3A_359, %get3A_194 : vector<16xf32>
          %lt3A_384 = arith.cmpf olt, %gather3A_360, %get3A_196 : vector<16xf32>
          %lt3A_385 = arith.cmpf olt, %gather3A_361, %get3A_198 : vector<16xf32>
          %lt3A_386 = arith.cmpf olt, %gather3A_362, %get3A_200 : vector<16xf32>
          %lt3A_387 = arith.cmpf olt, %gather3A_363, %get3A_202 : vector<16xf32>
          %lt3A_388 = arith.cmpf olt, %gather3A_364, %get3A_204 : vector<16xf32>
          %lt3A_389 = arith.cmpf olt, %gather3A_365, %get3A_206 : vector<16xf32>
          %lt3A_390 = arith.cmpf olt, %gather3A_366, %get3A_208 : vector<16xf32>
          %lt3A_391 = arith.cmpf olt, %gather3A_367, %get3A_194 : vector<16xf32>
          %lt3A_392 = arith.cmpf olt, %gather3A_368, %get3A_196 : vector<16xf32>
          %lt3A_393 = arith.cmpf olt, %gather3A_369, %get3A_198 : vector<16xf32>
          %lt3A_394 = arith.cmpf olt, %gather3A_370, %get3A_200 : vector<16xf32>
          %lt3A_395 = arith.cmpf olt, %gather3A_371, %get3A_202 : vector<16xf32>
          %lt3A_396 = arith.cmpf olt, %gather3A_372, %get3A_204 : vector<16xf32>
          %lt3A_397 = arith.cmpf olt, %gather3A_373, %get3A_206 : vector<16xf32>
          %lt3A_398 = arith.cmpf olt, %gather3A_374, %get3A_208 : vector<16xf32>
          tpu.vector_store_idx %arg9[%get3A_210], %get3A_194 masked %lt3A_375 : memref<81920xf32, #tpu.memory_space<vmem>>[vector<16xi32>], vector<16xf32>, vector<16xi1>
          tpu.vector_store_idx %arg9[%get3A_212], %get3A_196 masked %lt3A_376 : memref<81920xf32, #tpu.memory_space<vmem>>[vector<16xi32>], vector<16xf32>, vector<16xi1>
          tpu.vector_store_idx %arg9[%get3A_214], %get3A_198 masked %lt3A_377 : memref<81920xf32, #tpu.memory_space<vmem>>[vector<16xi32>], vector<16xf32>, vector<16xi1>
          tpu.vector_store_idx %arg9[%get3A_216], %get3A_200 masked %lt3A_378 : memref<81920xf32, #tpu.memory_space<vmem>>[vector<16xi32>], vector<16xf32>, vector<16xi1>
          tpu.vector_store_idx %arg9[%get3A_218], %get3A_202 masked %lt3A_379 : memref<81920xf32, #tpu.memory_space<vmem>>[vector<16xi32>], vector<16xf32>, vector<16xi1>
          tpu.vector_store_idx %arg9[%get3A_220], %get3A_204 masked %lt3A_380 : memref<81920xf32, #tpu.memory_space<vmem>>[vector<16xi32>], vector<16xf32>, vector<16xi1>
          tpu.vector_store_idx %arg9[%get3A_222], %get3A_206 masked %lt3A_381 : memref<81920xf32, #tpu.memory_space<vmem>>[vector<16xi32>], vector<16xf32>, vector<16xi1>
          tpu.vector_store_idx %arg9[%get3A_224], %get3A_208 masked %lt3A_382 : memref<81920xf32, #tpu.memory_space<vmem>>[vector<16xi32>], vector<16xf32>, vector<16xi1>
          tpu.vector_store_idx %arg10[%get3A_226], %get3A_194 masked %lt3A_383 : memref<6400xf32, #tpu.memory_space<vmem>>[vector<16xi32>], vector<16xf32>, vector<16xi1>
          tpu.vector_store_idx %arg10[%get3A_228], %get3A_196 masked %lt3A_384 : memref<6400xf32, #tpu.memory_space<vmem>>[vector<16xi32>], vector<16xf32>, vector<16xi1>
          tpu.vector_store_idx %arg10[%get3A_230], %get3A_198 masked %lt3A_385 : memref<6400xf32, #tpu.memory_space<vmem>>[vector<16xi32>], vector<16xf32>, vector<16xi1>
          tpu.vector_store_idx %arg10[%get3A_232], %get3A_200 masked %lt3A_386 : memref<6400xf32, #tpu.memory_space<vmem>>[vector<16xi32>], vector<16xf32>, vector<16xi1>
          tpu.vector_store_idx %arg10[%get3A_234], %get3A_202 masked %lt3A_387 : memref<6400xf32, #tpu.memory_space<vmem>>[vector<16xi32>], vector<16xf32>, vector<16xi1>
          tpu.vector_store_idx %arg10[%get3A_236], %get3A_204 masked %lt3A_388 : memref<6400xf32, #tpu.memory_space<vmem>>[vector<16xi32>], vector<16xf32>, vector<16xi1>
          tpu.vector_store_idx %arg10[%get3A_238], %get3A_206 masked %lt3A_389 : memref<6400xf32, #tpu.memory_space<vmem>>[vector<16xi32>], vector<16xf32>, vector<16xi1>
          tpu.vector_store_idx %arg10[%get3A_240], %get3A_208 masked %lt3A_390 : memref<6400xf32, #tpu.memory_space<vmem>>[vector<16xi32>], vector<16xf32>, vector<16xi1>
          tpu.vector_store_idx %arg11[%get3A_242], %get3A_194 masked %lt3A_391 : memref<6400xf32, #tpu.memory_space<vmem>>[vector<16xi32>], vector<16xf32>, vector<16xi1>
          tpu.vector_store_idx %arg11[%get3A_244], %get3A_196 masked %lt3A_392 : memref<6400xf32, #tpu.memory_space<vmem>>[vector<16xi32>], vector<16xf32>, vector<16xi1>
          tpu.vector_store_idx %arg11[%get3A_246], %get3A_198 masked %lt3A_393 : memref<6400xf32, #tpu.memory_space<vmem>>[vector<16xi32>], vector<16xf32>, vector<16xi1>
          tpu.vector_store_idx %arg11[%get3A_248], %get3A_200 masked %lt3A_394 : memref<6400xf32, #tpu.memory_space<vmem>>[vector<16xi32>], vector<16xf32>, vector<16xi1>
          tpu.vector_store_idx %arg11[%get3A_250], %get3A_202 masked %lt3A_395 : memref<6400xf32, #tpu.memory_space<vmem>>[vector<16xi32>], vector<16xf32>, vector<16xi1>
          tpu.vector_store_idx %arg11[%get3A_252], %get3A_204 masked %lt3A_396 : memref<6400xf32, #tpu.memory_space<vmem>>[vector<16xi32>], vector<16xf32>, vector<16xi1>
          tpu.vector_store_idx %arg11[%get3A_254], %get3A_206 masked %lt3A_397 : memref<6400xf32, #tpu.memory_space<vmem>>[vector<16xi32>], vector<16xf32>, vector<16xi1>
          tpu.vector_store_idx %arg11[%get3A_256], %get3A_208 masked %lt3A_398 : memref<6400xf32, #tpu.memory_space<vmem>>[vector<16xi32>], vector<16xf32>, vector<16xi1>
          %gather3A_399 = tpu.vector_load_idx %arg9[%get3A_210] : memref<81920xf32, #tpu.memory_space<vmem>>[vector<16xi32>], vector<16xf32>,
          %gather3A_400 = tpu.vector_load_idx %arg9[%get3A_212] : memref<81920xf32, #tpu.memory_space<vmem>>[vector<16xi32>], vector<16xf32>,
          %gather3A_401 = tpu.vector_load_idx %arg9[%get3A_214] : memref<81920xf32, #tpu.memory_space<vmem>>[vector<16xi32>], vector<16xf32>,
          %gather3A_402 = tpu.vector_load_idx %arg9[%get3A_216] : memref<81920xf32, #tpu.memory_space<vmem>>[vector<16xi32>], vector<16xf32>,
          %gather3A_403 = tpu.vector_load_idx %arg9[%get3A_218] : memref<81920xf32, #tpu.memory_space<vmem>>[vector<16xi32>], vector<16xf32>,
          %gather3A_404 = tpu.vector_load_idx %arg9[%get3A_220] : memref<81920xf32, #tpu.memory_space<vmem>>[vector<16xi32>], vector<16xf32>,
          %gather3A_405 = tpu.vector_load_idx %arg9[%get3A_222] : memref<81920xf32, #tpu.memory_space<vmem>>[vector<16xi32>], vector<16xf32>,
          %gather3A_406 = tpu.vector_load_idx %arg9[%get3A_224] : memref<81920xf32, #tpu.memory_space<vmem>>[vector<16xi32>], vector<16xf32>,
          %gather3A_407 = tpu.vector_load_idx %arg10[%get3A_226] : memref<6400xf32, #tpu.memory_space<vmem>>[vector<16xi32>], vector<16xf32>,
          %gather3A_408 = tpu.vector_load_idx %arg10[%get3A_228] : memref<6400xf32, #tpu.memory_space<vmem>>[vector<16xi32>], vector<16xf32>,
          %gather3A_409 = tpu.vector_load_idx %arg10[%get3A_230] : memref<6400xf32, #tpu.memory_space<vmem>>[vector<16xi32>], vector<16xf32>,
          %gather3A_410 = tpu.vector_load_idx %arg10[%get3A_232] : memref<6400xf32, #tpu.memory_space<vmem>>[vector<16xi32>], vector<16xf32>,
          %gather3A_411 = tpu.vector_load_idx %arg10[%get3A_234] : memref<6400xf32, #tpu.memory_space<vmem>>[vector<16xi32>], vector<16xf32>,
          %gather3A_412 = tpu.vector_load_idx %arg10[%get3A_236] : memref<6400xf32, #tpu.memory_space<vmem>>[vector<16xi32>], vector<16xf32>,
          %gather3A_413 = tpu.vector_load_idx %arg10[%get3A_238] : memref<6400xf32, #tpu.memory_space<vmem>>[vector<16xi32>], vector<16xf32>,
          %gather3A_414 = tpu.vector_load_idx %arg10[%get3A_240] : memref<6400xf32, #tpu.memory_space<vmem>>[vector<16xi32>], vector<16xf32>,
          %gather3A_415 = tpu.vector_load_idx %arg11[%get3A_242] : memref<6400xf32, #tpu.memory_space<vmem>>[vector<16xi32>], vector<16xf32>,
          %gather3A_416 = tpu.vector_load_idx %arg11[%get3A_244] : memref<6400xf32, #tpu.memory_space<vmem>>[vector<16xi32>], vector<16xf32>,
          %gather3A_417 = tpu.vector_load_idx %arg11[%get3A_246] : memref<6400xf32, #tpu.memory_space<vmem>>[vector<16xi32>], vector<16xf32>,
          %gather3A_418 = tpu.vector_load_idx %arg11[%get3A_248] : memref<6400xf32, #tpu.memory_space<vmem>>[vector<16xi32>], vector<16xf32>,
          %gather3A_419 = tpu.vector_load_idx %arg11[%get3A_250] : memref<6400xf32, #tpu.memory_space<vmem>>[vector<16xi32>], vector<16xf32>,
          %gather3A_420 = tpu.vector_load_idx %arg11[%get3A_252] : memref<6400xf32, #tpu.memory_space<vmem>>[vector<16xi32>], vector<16xf32>,
          %gather3A_421 = tpu.vector_load_idx %arg11[%get3A_254] : memref<6400xf32, #tpu.memory_space<vmem>>[vector<16xi32>], vector<16xf32>,
          %gather3A_422 = tpu.vector_load_idx %arg11[%get3A_256] : memref<6400xf32, #tpu.memory_space<vmem>>[vector<16xi32>], vector<16xf32>,
          %lt3A_423 = arith.cmpf olt, %gather3A_399, %get3A_194 : vector<16xf32>
          %or3A = arith.ori %scan3A_145, %lt3A_423 : vector<16xi1>
          %lt3A_424 = arith.cmpf olt, %gather3A_400, %get3A_196 : vector<16xf32>
          %or3A_425 = arith.ori %or3A, %lt3A_424 : vector<16xi1>
          %lt3A_426 = arith.cmpf olt, %gather3A_401, %get3A_198 : vector<16xf32>
          %or3A_427 = arith.ori %or3A_425, %lt3A_426 : vector<16xi1>
          %lt3A_428 = arith.cmpf olt, %gather3A_402, %get3A_200 : vector<16xf32>
          %or3A_429 = arith.ori %or3A_427, %lt3A_428 : vector<16xi1>
          %lt3A_430 = arith.cmpf olt, %gather3A_403, %get3A_202 : vector<16xf32>
          %or3A_431 = arith.ori %or3A_429, %lt3A_430 : vector<16xi1>
          %lt3A_432 = arith.cmpf olt, %gather3A_404, %get3A_204 : vector<16xf32>
          %or3A_433 = arith.ori %or3A_431, %lt3A_432 : vector<16xi1>
          %lt3A_434 = arith.cmpf olt, %gather3A_405, %get3A_206 : vector<16xf32>
          %or3A_435 = arith.ori %or3A_433, %lt3A_434 : vector<16xi1>
          %lt3A_436 = arith.cmpf olt, %gather3A_406, %get3A_208 : vector<16xf32>
          %or3A_437 = arith.ori %or3A_435, %lt3A_436 : vector<16xi1>
          %lt3A_438 = arith.cmpf olt, %gather3A_407, %get3A_194 : vector<16xf32>
          %or3A_439 = arith.ori %or3A_437, %lt3A_438 : vector<16xi1>
          %lt3A_440 = arith.cmpf olt, %gather3A_408, %get3A_196 : vector<16xf32>
          %or3A_441 = arith.ori %or3A_439, %lt3A_440 : vector<16xi1>
          %lt3A_442 = arith.cmpf olt, %gather3A_409, %get3A_198 : vector<16xf32>
          %or3A_443 = arith.ori %or3A_441, %lt3A_442 : vector<16xi1>
          %lt3A_444 = arith.cmpf olt, %gather3A_410, %get3A_200 : vector<16xf32>
          %or3A_445 = arith.ori %or3A_443, %lt3A_444 : vector<16xi1>
          %lt3A_446 = arith.cmpf olt, %gather3A_411, %get3A_202 : vector<16xf32>
          %or3A_447 = arith.ori %or3A_445, %lt3A_446 : vector<16xi1>
          %lt3A_448 = arith.cmpf olt, %gather3A_412, %get3A_204 : vector<16xf32>
          %or3A_449 = arith.ori %or3A_447, %lt3A_448 : vector<16xi1>
          %lt3A_450 = arith.cmpf olt, %gather3A_413, %get3A_206 : vector<16xf32>
          %or3A_451 = arith.ori %or3A_449, %lt3A_450 : vector<16xi1>
          %lt3A_452 = arith.cmpf olt, %gather3A_414, %get3A_208 : vector<16xf32>
          %or3A_453 = arith.ori %or3A_451, %lt3A_452 : vector<16xi1>
          %lt3A_454 = arith.cmpf olt, %gather3A_415, %get3A_194 : vector<16xf32>
          %or3A_455 = arith.ori %or3A_453, %lt3A_454 : vector<16xi1>
          %lt3A_456 = arith.cmpf olt, %gather3A_416, %get3A_196 : vector<16xf32>
          %or3A_457 = arith.ori %or3A_455, %lt3A_456 : vector<16xi1>
          %lt3A_458 = arith.cmpf olt, %gather3A_417, %get3A_198 : vector<16xf32>
          %or3A_459 = arith.ori %or3A_457, %lt3A_458 : vector<16xi1>
          %lt3A_460 = arith.cmpf olt, %gather3A_418, %get3A_200 : vector<16xf32>
          %or3A_461 = arith.ori %or3A_459, %lt3A_460 : vector<16xi1>
          %lt3A_462 = arith.cmpf olt, %gather3A_419, %get3A_202 : vector<16xf32>
          %or3A_463 = arith.ori %or3A_461, %lt3A_462 : vector<16xi1>
          %lt3A_464 = arith.cmpf olt, %gather3A_420, %get3A_204 : vector<16xf32>
          %or3A_465 = arith.ori %or3A_463, %lt3A_464 : vector<16xi1>
          %lt3A_466 = arith.cmpf olt, %gather3A_421, %get3A_206 : vector<16xf32>
          %or3A_467 = arith.ori %or3A_465, %lt3A_466 : vector<16xi1>
          %lt3A_468 = arith.cmpf olt, %gather3A_422, %get3A_208 : vector<16xf32>
          %or3A_469 = arith.ori %or3A_467, %lt3A_468 : vector<16xi1>
          scf.yield %or3A_469 : vector<16xi1>
        }
        %scan3A_88 = arith.constant 16 : i32
        %all_reduce_population_count3A = tpu.all_reduce %scan3A_87 {dim = 0 : i64, kind = #tpu.reduction_kind<sum>} : vector<16xi1> -> vector<16xi32>
        %reduce_max3A = arith.constant true
        %reduce_max3A_89 = vector.broadcast %reduce_max3A : i1 to vector<16xi1>
        %reduce_max3A_90 = arith.constant -2147483648 : i32
        %reduce_max3A_91 = vector.broadcast %reduce_max3A_90 : i32 to vector<16xi32>
        %reduce_max3A_92 = arith.xori %all_reduce_population_count3A, %reduce_max3A_91 : vector<16xi32>
        %reduce_max3A_93 = tpu.scan <max>, %reduce_max3A_92 masked %reduce_max3A_89 : vector<16xi32>, vector<16xi1> -> vector<16xi32>
        %reduce_max3A_94 = arith.xori %reduce_max3A_93, %reduce_max3A_91 : vector<16xi32>
        %reduce_max3A_95 = vector.extract %reduce_max3A_94[15] : i32 from vector<16xi32>
        %gt3A = arith.constant 0 : i32
        %gt3A_96 = arith.cmpi sgt, %reduce_max3A_95, %gt3A : i32
        %convert_element_type3A_97 = arith.extui %gt3A_96 : i1 to i32
        %cond3A_98 = arith.constant 0 : i32
        %cond3A_99 = arith.cmpi ne, %convert_element_type3A_97, %cond3A_98 : i32
        scf.if %cond3A_99 {
          %scan3A_144 = arith.constant 0 : i32
          %scan3A_145 = arith.constant 0 : i32
          %scan3A_146 = arith.constant 128 : i32
          %scan3A_147 = arith.addi %scan3A_145, %scan3A_146 : i32
          %scan3A_148 = arith.constant 1 : i32
          scf.for %scan3A_150 = %scan3A_145 to %scan3A_147 step %scan3A_148  : i32 {
            %mul3A_151 = arith.constant 16 : i32
            %mul3A_152 = arith.muli %scan3A_150, %mul3A_151 : i32
            %get3A = arith.index_cast %mul3A_152 : i32 to index
            %get3A_153 = tpu.vector_load %arg18[%get3A] {strides = array<i32>} : memref<2048xf32, #tpu.memory_space<vmem>>, vector<16xf32>,
            %get3A_154 = arith.index_cast %mul3A_152 : i32 to index
            %get3A_155 = tpu.vector_load %arg12[%get3A_154] {strides = array<i32>} : memref<2048xi32, #tpu.memory_space<vmem>>, vector<16xi32>,
            %gather3A = tpu.vector_load_idx %arg9[%get3A_155] : memref<81920xf32, #tpu.memory_space<vmem>>[vector<16xi32>], vector<16xf32>,
            %lt3A_156 = arith.cmpf olt, %gather3A, %get3A_153 : vector<16xf32>
            %jit3A = arith.constant 1 : i32
            %jit3A_157 = arith.constant 0 : i32
            %broadcast_in_dim3A_158 = vector.broadcast %jit3A : i32 to vector<16xi32>
            %broadcast_in_dim3A_159 = vector.broadcast %jit3A_157 : i32 to vector<16xi32>
            %select_n3A = arith.select %lt3A_156, %broadcast_in_dim3A_158, %broadcast_in_dim3A_159 : vector<16xi1>, vector<16xi32>
            %while3A = scf.while (%while3A_180 = %select_n3A) : (vector<16xi32>) -> vector<16xi32> {
              %reduce_max3A_181 = arith.constant true
              %reduce_max3A_182 = vector.broadcast %reduce_max3A_181 : i1 to vector<16xi1>
              %reduce_max3A_183 = arith.constant -2147483648 : i32
              %reduce_max3A_184 = vector.broadcast %reduce_max3A_183 : i32 to vector<16xi32>
              %reduce_max3A_185 = arith.xori %while3A_180, %reduce_max3A_184 : vector<16xi32>
              %reduce_max3A_186 = tpu.scan <max>, %reduce_max3A_185 masked %reduce_max3A_182 : vector<16xi32>, vector<16xi1> -> vector<16xi32>
              %reduce_max3A_187 = arith.xori %reduce_max3A_186, %reduce_max3A_184 : vector<16xi32>
              %reduce_max3A_188 = vector.extract %reduce_max3A_187[15] : i32 from vector<16xi32>
              %gt3A_189 = arith.constant 0 : i32
              %gt3A_190 = arith.cmpi sgt, %reduce_max3A_188, %gt3A_189 : i32
              scf.condition(%gt3A_190) %while3A_180 : vector<16xi32>
            } do {
            ^bb0(%while3A_180: vector<16xi32>):
              %gt3A_181 = arith.constant 0 : i32
              %gt3A_182 = vector.broadcast %gt3A_181 : i32 to vector<16xi32>
              %gt3A_183 = arith.cmpi sgt, %while3A_180, %gt3A_182 : vector<16xi32>
              tpu.vector_store_idx %arg9[%get3A_155], %get3A_153 masked %gt3A_183 : memref<81920xf32, #tpu.memory_space<vmem>>[vector<16xi32>], vector<16xf32>, vector<16xi1>
              %gather3A_184 = tpu.vector_load_idx %arg9[%get3A_155] : memref<81920xf32, #tpu.memory_space<vmem>>[vector<16xi32>], vector<16xf32>,
              %lt3A_185 = arith.cmpf olt, %gather3A_184, %get3A_153 : vector<16xf32>
              %jit3A_186 = arith.constant 1 : i32
              %jit3A_187 = arith.constant 0 : i32
              %broadcast_in_dim3A_188 = vector.broadcast %jit3A_186 : i32 to vector<16xi32>
              %broadcast_in_dim3A_189 = vector.broadcast %jit3A_187 : i32 to vector<16xi32>
              %select_n3A_190 = arith.select %lt3A_185, %broadcast_in_dim3A_188, %broadcast_in_dim3A_189 : vector<16xi1>, vector<16xi32>
              scf.yield %select_n3A_190 : vector<16xi32>
            }
            %get3A_160 = arith.index_cast %mul3A_152 : i32 to index
            %get3A_161 = tpu.vector_load %arg13[%get3A_160] {strides = array<i32>} : memref<2048xi32, #tpu.memory_space<vmem>>, vector<16xi32>,
            %gather3A_162 = tpu.vector_load_idx %arg10[%get3A_161] : memref<6400xf32, #tpu.memory_space<vmem>>[vector<16xi32>], vector<16xf32>,
            %lt3A_163 = arith.cmpf olt, %gather3A_162, %get3A_153 : vector<16xf32>
            %jit3A_164 = arith.constant 1 : i32
            %jit3A_165 = arith.constant 0 : i32
            %broadcast_in_dim3A_166 = vector.broadcast %jit3A_164 : i32 to vector<16xi32>
            %broadcast_in_dim3A_167 = vector.broadcast %jit3A_165 : i32 to vector<16xi32>
            %select_n3A_168 = arith.select %lt3A_163, %broadcast_in_dim3A_166, %broadcast_in_dim3A_167 : vector<16xi1>, vector<16xi32>
            %while3A_169 = scf.while (%while3A_180 = %select_n3A_168) : (vector<16xi32>) -> vector<16xi32> {
              %reduce_max3A_181 = arith.constant true
              %reduce_max3A_182 = vector.broadcast %reduce_max3A_181 : i1 to vector<16xi1>
              %reduce_max3A_183 = arith.constant -2147483648 : i32
              %reduce_max3A_184 = vector.broadcast %reduce_max3A_183 : i32 to vector<16xi32>
              %reduce_max3A_185 = arith.xori %while3A_180, %reduce_max3A_184 : vector<16xi32>
              %reduce_max3A_186 = tpu.scan <max>, %reduce_max3A_185 masked %reduce_max3A_182 : vector<16xi32>, vector<16xi1> -> vector<16xi32>
              %reduce_max3A_187 = arith.xori %reduce_max3A_186, %reduce_max3A_184 : vector<16xi32>
              %reduce_max3A_188 = vector.extract %reduce_max3A_187[15] : i32 from vector<16xi32>
              %gt3A_189 = arith.constant 0 : i32
              %gt3A_190 = arith.cmpi sgt, %reduce_max3A_188, %gt3A_189 : i32
              scf.condition(%gt3A_190) %while3A_180 : vector<16xi32>
            } do {
            ^bb0(%while3A_180: vector<16xi32>):
              %gt3A_181 = arith.constant 0 : i32
              %gt3A_182 = vector.broadcast %gt3A_181 : i32 to vector<16xi32>
              %gt3A_183 = arith.cmpi sgt, %while3A_180, %gt3A_182 : vector<16xi32>
              tpu.vector_store_idx %arg10[%get3A_161], %get3A_153 masked %gt3A_183 : memref<6400xf32, #tpu.memory_space<vmem>>[vector<16xi32>], vector<16xf32>, vector<16xi1>
              %gather3A_184 = tpu.vector_load_idx %arg10[%get3A_161] : memref<6400xf32, #tpu.memory_space<vmem>>[vector<16xi32>], vector<16xf32>,
              %lt3A_185 = arith.cmpf olt, %gather3A_184, %get3A_153 : vector<16xf32>
              %jit3A_186 = arith.constant 1 : i32
              %jit3A_187 = arith.constant 0 : i32
              %broadcast_in_dim3A_188 = vector.broadcast %jit3A_186 : i32 to vector<16xi32>
              %broadcast_in_dim3A_189 = vector.broadcast %jit3A_187 : i32 to vector<16xi32>
              %select_n3A_190 = arith.select %lt3A_185, %broadcast_in_dim3A_188, %broadcast_in_dim3A_189 : vector<16xi1>, vector<16xi32>
              scf.yield %select_n3A_190 : vector<16xi32>
            }
            %get3A_170 = arith.index_cast %mul3A_152 : i32 to index
            %get3A_171 = tpu.vector_load %arg14[%get3A_170] {strides = array<i32>} : memref<2048xi32, #tpu.memory_space<vmem>>, vector<16xi32>,
            %gather3A_172 = tpu.vector_load_idx %arg11[%get3A_171] : memref<6400xf32, #tpu.memory_space<vmem>>[vector<16xi32>], vector<16xf32>,
            %lt3A_173 = arith.cmpf olt, %gather3A_172, %get3A_153 : vector<16xf32>
            %jit3A_174 = arith.constant 1 : i32
            %jit3A_175 = arith.constant 0 : i32
            %broadcast_in_dim3A_176 = vector.broadcast %jit3A_174 : i32 to vector<16xi32>
            %broadcast_in_dim3A_177 = vector.broadcast %jit3A_175 : i32 to vector<16xi32>
            %select_n3A_178 = arith.select %lt3A_173, %broadcast_in_dim3A_176, %broadcast_in_dim3A_177 : vector<16xi1>, vector<16xi32>
            %while3A_179 = scf.while (%while3A_180 = %select_n3A_178) : (vector<16xi32>) -> vector<16xi32> {
              %reduce_max3A_181 = arith.constant true
              %reduce_max3A_182 = vector.broadcast %reduce_max3A_181 : i1 to vector<16xi1>
              %reduce_max3A_183 = arith.constant -2147483648 : i32
              %reduce_max3A_184 = vector.broadcast %reduce_max3A_183 : i32 to vector<16xi32>
              %reduce_max3A_185 = arith.xori %while3A_180, %reduce_max3A_184 : vector<16xi32>
              %reduce_max3A_186 = tpu.scan <max>, %reduce_max3A_185 masked %reduce_max3A_182 : vector<16xi32>, vector<16xi1> -> vector<16xi32>
              %reduce_max3A_187 = arith.xori %reduce_max3A_186, %reduce_max3A_184 : vector<16xi32>
              %reduce_max3A_188 = vector.extract %reduce_max3A_187[15] : i32 from vector<16xi32>
              %gt3A_189 = arith.constant 0 : i32
              %gt3A_190 = arith.cmpi sgt, %reduce_max3A_188, %gt3A_189 : i32
              scf.condition(%gt3A_190) %while3A_180 : vector<16xi32>
            } do {
            ^bb0(%while3A_180: vector<16xi32>):
              %gt3A_181 = arith.constant 0 : i32
              %gt3A_182 = vector.broadcast %gt3A_181 : i32 to vector<16xi32>
              %gt3A_183 = arith.cmpi sgt, %while3A_180, %gt3A_182 : vector<16xi32>
              tpu.vector_store_idx %arg11[%get3A_171], %get3A_153 masked %gt3A_183 : memref<6400xf32, #tpu.memory_space<vmem>>[vector<16xi32>], vector<16xf32>, vector<16xi1>
              %gather3A_184 = tpu.vector_load_idx %arg11[%get3A_171] : memref<6400xf32, #tpu.memory_space<vmem>>[vector<16xi32>], vector<16xf32>,
              %lt3A_185 = arith.cmpf olt, %gather3A_184, %get3A_153 : vector<16xf32>
              %jit3A_186 = arith.constant 1 : i32
              %jit3A_187 = arith.constant 0 : i32
              %broadcast_in_dim3A_188 = vector.broadcast %jit3A_186 : i32 to vector<16xi32>
              %broadcast_in_dim3A_189 = vector.broadcast %jit3A_187 : i32 to vector<16xi32>
              %select_n3A_190 = arith.select %lt3A_185, %broadcast_in_dim3A_188, %broadcast_in_dim3A_189 : vector<16xi1>, vector<16xi32>
              scf.yield %select_n3A_190 : vector<16xi32>
            }
          }
          %scan3A_149 = arith.constant 128 : i32
        } else {
        }
        %add3A_100 = arith.constant 2 : i32
        %add3A_101 = arith.addi %mul3A_64, %add3A_100 : i32
        %lt3A_102 = arith.constant 32 : i32
        %lt3A_103 = arith.cmpi slt, %add3A_101, %lt3A_102 : i32
        %convert_element_type3A_104 = arith.extui %lt3A_103 : i1 to i32
        %cond3A_105 = arith.constant 0 : i32
        %cond3A_106 = arith.cmpi ne, %convert_element_type3A_104, %cond3A_105 : i32
        scf.if %cond3A_106 {
          %add3A_144 = arith.constant 2 : i32
          %add3A_145 = arith.addi %mul3A_64, %add3A_144 : i32
          %mul3A_146 = arith.constant 2048 : i32
          %mul3A_147 = arith.muli %add3A_145, %mul3A_146 : i32
          %dma_start3A_148 = tpu.memref_slice %arg2[%mul3A_147] : memref<65536xi32, #tpu.memory_space<hbm>> -> memref<2048xi32, #tpu.memory_space<hbm>>
          %dma_start3A_149 = tpu.memref_slice %arg2[%mul3A_147] : memref<65536xi32, #tpu.memory_space<hbm>> -> memref<2048xi32, #tpu.memory_space<hbm>>
          tpu.enqueue_dma source(%dma_start3A_149 : memref<2048xi32, #tpu.memory_space<hbm>>) target(%arg12 : memref<2048xi32, #tpu.memory_space<vmem>>) target_semaphore(%arg20 : memref<!tpu.dma_semaphore, #tpu.memory_space<semaphore_mem>>)
          %dma_start3A_150 = tpu.memref_slice %arg3[%mul3A_147] : memref<65536xi32, #tpu.memory_space<hbm>> -> memref<2048xi32, #tpu.memory_space<hbm>>
          %dma_start3A_151 = tpu.memref_slice %arg3[%mul3A_147] : memref<65536xi32, #tpu.memory_space<hbm>> -> memref<2048xi32, #tpu.memory_space<hbm>>
          tpu.enqueue_dma source(%dma_start3A_151 : memref<2048xi32, #tpu.memory_space<hbm>>) target(%arg13 : memref<2048xi32, #tpu.memory_space<vmem>>) target_semaphore(%arg20 : memref<!tpu.dma_semaphore, #tpu.memory_space<semaphore_mem>>)
          %dma_start3A_152 = tpu.memref_slice %arg4[%mul3A_147] : memref<65536xi32, #tpu.memory_space<hbm>> -> memref<2048xi32, #tpu.memory_space<hbm>>
          %dma_start3A_153 = tpu.memref_slice %arg4[%mul3A_147] : memref<65536xi32, #tpu.memory_space<hbm>> -> memref<2048xi32, #tpu.memory_space<hbm>>
          tpu.enqueue_dma source(%dma_start3A_153 : memref<2048xi32, #tpu.memory_space<hbm>>) target(%arg14 : memref<2048xi32, #tpu.memory_space<vmem>>) target_semaphore(%arg20 : memref<!tpu.dma_semaphore, #tpu.memory_space<semaphore_mem>>)
          %mul3A_154 = arith.constant 65536 : i32
          %mul3A_155 = arith.muli %add3A_9, %mul3A_154 : i32
          %add3A_156 = arith.addi %mul3A_155, %mul3A_147 : i32
          %dma_start3A_157 = tpu.memref_slice %arg5[%add3A_156] : memref<8388608xf32, #tpu.memory_space<hbm>> -> memref<2048xf32, #tpu.memory_space<hbm>>
          %dma_start3A_158 = tpu.memref_slice %arg5[%add3A_156] : memref<8388608xf32, #tpu.memory_space<hbm>> -> memref<2048xf32, #tpu.memory_space<hbm>>
          tpu.enqueue_dma source(%dma_start3A_158 : memref<2048xf32, #tpu.memory_space<hbm>>) target(%arg18 : memref<2048xf32, #tpu.memory_space<vmem>>) target_semaphore(%arg20 : memref<!tpu.dma_semaphore, #tpu.memory_space<semaphore_mem>>)
        } else {
        }
        %add3A_107 = arith.constant 1 : i32
        %add3A_108 = arith.addi %mul3A_64, %add3A_107 : i32
        %mul3A_109 = arith.constant 2048 : i32
        %mul3A_110 = arith.muli %add3A_108, %mul3A_109 : i32
        %dma_wait3A_111 = tpu.memref_slice %arg2[%mul3A_110] : memref<65536xi32, #tpu.memory_space<hbm>> -> memref<2048xi32, #tpu.memory_space<hbm>>
        %dma_wait3A_112 = tpu.memref_slice %arg2[%mul3A_110] : memref<65536xi32, #tpu.memory_space<hbm>> -> memref<2048xi32, #tpu.memory_space<hbm>>
        tpu.wait_dma2 semaphore(%arg21 : memref<!tpu.dma_semaphore, #tpu.memory_space<semaphore_mem>>) src(%dma_wait3A_112 : memref<2048xi32, #tpu.memory_space<hbm>>) dst(%arg15 : memref<2048xi32, #tpu.memory_space<vmem>>)
        %dma_wait3A_113 = tpu.memref_slice %arg3[%mul3A_110] : memref<65536xi32, #tpu.memory_space<hbm>> -> memref<2048xi32, #tpu.memory_space<hbm>>
        %dma_wait3A_114 = tpu.memref_slice %arg3[%mul3A_110] : memref<65536xi32, #tpu.memory_space<hbm>> -> memref<2048xi32, #tpu.memory_space<hbm>>
        tpu.wait_dma2 semaphore(%arg21 : memref<!tpu.dma_semaphore, #tpu.memory_space<semaphore_mem>>) src(%dma_wait3A_114 : memref<2048xi32, #tpu.memory_space<hbm>>) dst(%arg16 : memref<2048xi32, #tpu.memory_space<vmem>>)
        %dma_wait3A_115 = tpu.memref_slice %arg4[%mul3A_110] : memref<65536xi32, #tpu.memory_space<hbm>> -> memref<2048xi32, #tpu.memory_space<hbm>>
        %dma_wait3A_116 = tpu.memref_slice %arg4[%mul3A_110] : memref<65536xi32, #tpu.memory_space<hbm>> -> memref<2048xi32, #tpu.memory_space<hbm>>
        tpu.wait_dma2 semaphore(%arg21 : memref<!tpu.dma_semaphore, #tpu.memory_space<semaphore_mem>>) src(%dma_wait3A_116 : memref<2048xi32, #tpu.memory_space<hbm>>) dst(%arg17 : memref<2048xi32, #tpu.memory_space<vmem>>)
        %mul3A_117 = arith.constant 65536 : i32
        %mul3A_118 = arith.muli %add3A_9, %mul3A_117 : i32
        %add3A_119 = arith.addi %mul3A_118, %mul3A_110 : i32
        %dma_wait3A_120 = tpu.memref_slice %arg5[%add3A_119] : memref<8388608xf32, #tpu.memory_space<hbm>> -> memref<2048xf32, #tpu.memory_space<hbm>>
        %dma_wait3A_121 = tpu.memref_slice %arg5[%add3A_119] : memref<8388608xf32, #tpu.memory_space<hbm>> -> memref<2048xf32, #tpu.memory_space<hbm>>
        tpu.wait_dma2 semaphore(%arg21 : memref<!tpu.dma_semaphore, #tpu.memory_space<semaphore_mem>>) src(%dma_wait3A_121 : memref<2048xf32, #tpu.memory_space<hbm>>) dst(%arg19 : memref<2048xf32, #tpu.memory_space<vmem>>)
        %broadcast_in_dim3A_122 = arith.constant false
        %broadcast_in_dim3A_123 = vector.broadcast %broadcast_in_dim3A_122 : i1 to vector<16xi1>
        %scan3A_124 = arith.constant 0 : i32
        %scan3A_125 = arith.constant 16 : i32
        %scan3A_126 = arith.addi %scan3A_124, %scan3A_125 : i32
        %scan3A_127 = arith.constant 1 : i32
        %scan3A_128 = scf.for %scan3A_144 = %scan3A_124 to %scan3A_126 step %scan3A_127 iter_args(%scan3A_145 = %broadcast_in_dim3A_123) -> (vector<16xi1>)  : i32 {
          %mul3A_146 = arith.constant 8 : i32
          %mul3A_147 = arith.muli %scan3A_144, %mul3A_146 : i32
          %add3A_148 = arith.constant 0 : i32
          %add3A_149 = arith.addi %mul3A_147, %add3A_148 : i32
          %mul3A_150 = arith.constant 16 : i32
          %mul3A_151 = arith.muli %add3A_149, %mul3A_150 : i32
          %mul3A_152 = arith.constant 8 : i32
          %mul3A_153 = arith.muli %scan3A_144, %mul3A_152 : i32
          %add3A_154 = arith.constant 1 : i32
          %add3A_155 = arith.addi %mul3A_153, %add3A_154 : i32
          %mul3A_156 = arith.constant 16 : i32
          %mul3A_157 = arith.muli %add3A_155, %mul3A_156 : i32
          %mul3A_158 = arith.constant 8 : i32
          %mul3A_159 = arith.muli %scan3A_144, %mul3A_158 : i32
          %add3A_160 = arith.constant 2 : i32
          %add3A_161 = arith.addi %mul3A_159, %add3A_160 : i32
          %mul3A_162 = arith.constant 16 : i32
          %mul3A_163 = arith.muli %add3A_161, %mul3A_162 : i32
          %mul3A_164 = arith.constant 8 : i32
          %mul3A_165 = arith.muli %scan3A_144, %mul3A_164 : i32
          %add3A_166 = arith.constant 3 : i32
          %add3A_167 = arith.addi %mul3A_165, %add3A_166 : i32
          %mul3A_168 = arith.constant 16 : i32
          %mul3A_169 = arith.muli %add3A_167, %mul3A_168 : i32
          %mul3A_170 = arith.constant 8 : i32
          %mul3A_171 = arith.muli %scan3A_144, %mul3A_170 : i32
          %add3A_172 = arith.constant 4 : i32
          %add3A_173 = arith.addi %mul3A_171, %add3A_172 : i32
          %mul3A_174 = arith.constant 16 : i32
          %mul3A_175 = arith.muli %add3A_173, %mul3A_174 : i32
          %mul3A_176 = arith.constant 8 : i32
          %mul3A_177 = arith.muli %scan3A_144, %mul3A_176 : i32
          %add3A_178 = arith.constant 5 : i32
          %add3A_179 = arith.addi %mul3A_177, %add3A_178 : i32
          %mul3A_180 = arith.constant 16 : i32
          %mul3A_181 = arith.muli %add3A_179, %mul3A_180 : i32
          %mul3A_182 = arith.constant 8 : i32
          %mul3A_183 = arith.muli %scan3A_144, %mul3A_182 : i32
          %add3A_184 = arith.constant 6 : i32
          %add3A_185 = arith.addi %mul3A_183, %add3A_184 : i32
          %mul3A_186 = arith.constant 16 : i32
          %mul3A_187 = arith.muli %add3A_185, %mul3A_186 : i32
          %mul3A_188 = arith.constant 8 : i32
          %mul3A_189 = arith.muli %scan3A_144, %mul3A_188 : i32
          %add3A_190 = arith.constant 7 : i32
          %add3A_191 = arith.addi %mul3A_189, %add3A_190 : i32
          %mul3A_192 = arith.constant 16 : i32
          %mul3A_193 = arith.muli %add3A_191, %mul3A_192 : i32
          %get3A = arith.index_cast %mul3A_151 : i32 to index
          %get3A_194 = tpu.vector_load %arg19[%get3A] {strides = array<i32>} : memref<2048xf32, #tpu.memory_space<vmem>>, vector<16xf32>,
          %get3A_195 = arith.index_cast %mul3A_157 : i32 to index
          %get3A_196 = tpu.vector_load %arg19[%get3A_195] {strides = array<i32>} : memref<2048xf32, #tpu.memory_space<vmem>>, vector<16xf32>,
          %get3A_197 = arith.index_cast %mul3A_163 : i32 to index
          %get3A_198 = tpu.vector_load %arg19[%get3A_197] {strides = array<i32>} : memref<2048xf32, #tpu.memory_space<vmem>>, vector<16xf32>,
          %get3A_199 = arith.index_cast %mul3A_169 : i32 to index
          %get3A_200 = tpu.vector_load %arg19[%get3A_199] {strides = array<i32>} : memref<2048xf32, #tpu.memory_space<vmem>>, vector<16xf32>,
          %get3A_201 = arith.index_cast %mul3A_175 : i32 to index
          %get3A_202 = tpu.vector_load %arg19[%get3A_201] {strides = array<i32>} : memref<2048xf32, #tpu.memory_space<vmem>>, vector<16xf32>,
          %get3A_203 = arith.index_cast %mul3A_181 : i32 to index
          %get3A_204 = tpu.vector_load %arg19[%get3A_203] {strides = array<i32>} : memref<2048xf32, #tpu.memory_space<vmem>>, vector<16xf32>,
          %get3A_205 = arith.index_cast %mul3A_187 : i32 to index
          %get3A_206 = tpu.vector_load %arg19[%get3A_205] {strides = array<i32>} : memref<2048xf32, #tpu.memory_space<vmem>>, vector<16xf32>,
          %get3A_207 = arith.index_cast %mul3A_193 : i32 to index
          %get3A_208 = tpu.vector_load %arg19[%get3A_207] {strides = array<i32>} : memref<2048xf32, #tpu.memory_space<vmem>>, vector<16xf32>,
          %get3A_209 = arith.index_cast %mul3A_151 : i32 to index
          %get3A_210 = tpu.vector_load %arg15[%get3A_209] {strides = array<i32>} : memref<2048xi32, #tpu.memory_space<vmem>>, vector<16xi32>,
          %get3A_211 = arith.index_cast %mul3A_157 : i32 to index
          %get3A_212 = tpu.vector_load %arg15[%get3A_211] {strides = array<i32>} : memref<2048xi32, #tpu.memory_space<vmem>>, vector<16xi32>,
          %get3A_213 = arith.index_cast %mul3A_163 : i32 to index
          %get3A_214 = tpu.vector_load %arg15[%get3A_213] {strides = array<i32>} : memref<2048xi32, #tpu.memory_space<vmem>>, vector<16xi32>,
          %get3A_215 = arith.index_cast %mul3A_169 : i32 to index
          %get3A_216 = tpu.vector_load %arg15[%get3A_215] {strides = array<i32>} : memref<2048xi32, #tpu.memory_space<vmem>>, vector<16xi32>,
          %get3A_217 = arith.index_cast %mul3A_175 : i32 to index
          %get3A_218 = tpu.vector_load %arg15[%get3A_217] {strides = array<i32>} : memref<2048xi32, #tpu.memory_space<vmem>>, vector<16xi32>,
          %get3A_219 = arith.index_cast %mul3A_181 : i32 to index
          %get3A_220 = tpu.vector_load %arg15[%get3A_219] {strides = array<i32>} : memref<2048xi32, #tpu.memory_space<vmem>>, vector<16xi32>,
          %get3A_221 = arith.index_cast %mul3A_187 : i32 to index
          %get3A_222 = tpu.vector_load %arg15[%get3A_221] {strides = array<i32>} : memref<2048xi32, #tpu.memory_space<vmem>>, vector<16xi32>,
          %get3A_223 = arith.index_cast %mul3A_193 : i32 to index
          %get3A_224 = tpu.vector_load %arg15[%get3A_223] {strides = array<i32>} : memref<2048xi32, #tpu.memory_space<vmem>>, vector<16xi32>,
          %get3A_225 = arith.index_cast %mul3A_151 : i32 to index
          %get3A_226 = tpu.vector_load %arg16[%get3A_225] {strides = array<i32>} : memref<2048xi32, #tpu.memory_space<vmem>>, vector<16xi32>,
          %get3A_227 = arith.index_cast %mul3A_157 : i32 to index
          %get3A_228 = tpu.vector_load %arg16[%get3A_227] {strides = array<i32>} : memref<2048xi32, #tpu.memory_space<vmem>>, vector<16xi32>,
          %get3A_229 = arith.index_cast %mul3A_163 : i32 to index
          %get3A_230 = tpu.vector_load %arg16[%get3A_229] {strides = array<i32>} : memref<2048xi32, #tpu.memory_space<vmem>>, vector<16xi32>,
          %get3A_231 = arith.index_cast %mul3A_169 : i32 to index
          %get3A_232 = tpu.vector_load %arg16[%get3A_231] {strides = array<i32>} : memref<2048xi32, #tpu.memory_space<vmem>>, vector<16xi32>,
          %get3A_233 = arith.index_cast %mul3A_175 : i32 to index
          %get3A_234 = tpu.vector_load %arg16[%get3A_233] {strides = array<i32>} : memref<2048xi32, #tpu.memory_space<vmem>>, vector<16xi32>,
          %get3A_235 = arith.index_cast %mul3A_181 : i32 to index
          %get3A_236 = tpu.vector_load %arg16[%get3A_235] {strides = array<i32>} : memref<2048xi32, #tpu.memory_space<vmem>>, vector<16xi32>,
          %get3A_237 = arith.index_cast %mul3A_187 : i32 to index
          %get3A_238 = tpu.vector_load %arg16[%get3A_237] {strides = array<i32>} : memref<2048xi32, #tpu.memory_space<vmem>>, vector<16xi32>,
          %get3A_239 = arith.index_cast %mul3A_193 : i32 to index
          %get3A_240 = tpu.vector_load %arg16[%get3A_239] {strides = array<i32>} : memref<2048xi32, #tpu.memory_space<vmem>>, vector<16xi32>,
          %get3A_241 = arith.index_cast %mul3A_151 : i32 to index
          %get3A_242 = tpu.vector_load %arg17[%get3A_241] {strides = array<i32>} : memref<2048xi32, #tpu.memory_space<vmem>>, vector<16xi32>,
          %get3A_243 = arith.index_cast %mul3A_157 : i32 to index
          %get3A_244 = tpu.vector_load %arg17[%get3A_243] {strides = array<i32>} : memref<2048xi32, #tpu.memory_space<vmem>>, vector<16xi32>,
          %get3A_245 = arith.index_cast %mul3A_163 : i32 to index
          %get3A_246 = tpu.vector_load %arg17[%get3A_245] {strides = array<i32>} : memref<2048xi32, #tpu.memory_space<vmem>>, vector<16xi32>,
          %get3A_247 = arith.index_cast %mul3A_169 : i32 to index
          %get3A_248 = tpu.vector_load %arg17[%get3A_247] {strides = array<i32>} : memref<2048xi32, #tpu.memory_space<vmem>>, vector<16xi32>,
          %get3A_249 = arith.index_cast %mul3A_175 : i32 to index
          %get3A_250 = tpu.vector_load %arg17[%get3A_249] {strides = array<i32>} : memref<2048xi32, #tpu.memory_space<vmem>>, vector<16xi32>,
          %get3A_251 = arith.index_cast %mul3A_181 : i32 to index
          %get3A_252 = tpu.vector_load %arg17[%get3A_251] {strides = array<i32>} : memref<2048xi32, #tpu.memory_space<vmem>>, vector<16xi32>,
          %get3A_253 = arith.index_cast %mul3A_187 : i32 to index
          %get3A_254 = tpu.vector_load %arg17[%get3A_253] {strides = array<i32>} : memref<2048xi32, #tpu.memory_space<vmem>>, vector<16xi32>,
          %get3A_255 = arith.index_cast %mul3A_193 : i32 to index
          %get3A_256 = tpu.vector_load %arg17[%get3A_255] {strides = array<i32>} : memref<2048xi32, #tpu.memory_space<vmem>>, vector<16xi32>,
          %gather3A = tpu.vector_load_idx %arg9[%get3A_210] : memref<81920xf32, #tpu.memory_space<vmem>>[vector<16xi32>], vector<16xf32>,
          %gather3A_257 = tpu.vector_load_idx %arg9[%get3A_212] : memref<81920xf32, #tpu.memory_space<vmem>>[vector<16xi32>], vector<16xf32>,
          %gather3A_258 = tpu.vector_load_idx %arg9[%get3A_214] : memref<81920xf32, #tpu.memory_space<vmem>>[vector<16xi32>], vector<16xf32>,
          %gather3A_259 = tpu.vector_load_idx %arg9[%get3A_216] : memref<81920xf32, #tpu.memory_space<vmem>>[vector<16xi32>], vector<16xf32>,
          %gather3A_260 = tpu.vector_load_idx %arg9[%get3A_218] : memref<81920xf32, #tpu.memory_space<vmem>>[vector<16xi32>], vector<16xf32>,
          %gather3A_261 = tpu.vector_load_idx %arg9[%get3A_220] : memref<81920xf32, #tpu.memory_space<vmem>>[vector<16xi32>], vector<16xf32>,
          %gather3A_262 = tpu.vector_load_idx %arg9[%get3A_222] : memref<81920xf32, #tpu.memory_space<vmem>>[vector<16xi32>], vector<16xf32>,
          %gather3A_263 = tpu.vector_load_idx %arg9[%get3A_224] : memref<81920xf32, #tpu.memory_space<vmem>>[vector<16xi32>], vector<16xf32>,
          %gather3A_264 = tpu.vector_load_idx %arg10[%get3A_226] : memref<6400xf32, #tpu.memory_space<vmem>>[vector<16xi32>], vector<16xf32>,
          %gather3A_265 = tpu.vector_load_idx %arg10[%get3A_228] : memref<6400xf32, #tpu.memory_space<vmem>>[vector<16xi32>], vector<16xf32>,
          %gather3A_266 = tpu.vector_load_idx %arg10[%get3A_230] : memref<6400xf32, #tpu.memory_space<vmem>>[vector<16xi32>], vector<16xf32>,
          %gather3A_267 = tpu.vector_load_idx %arg10[%get3A_232] : memref<6400xf32, #tpu.memory_space<vmem>>[vector<16xi32>], vector<16xf32>,
          %gather3A_268 = tpu.vector_load_idx %arg10[%get3A_234] : memref<6400xf32, #tpu.memory_space<vmem>>[vector<16xi32>], vector<16xf32>,
          %gather3A_269 = tpu.vector_load_idx %arg10[%get3A_236] : memref<6400xf32, #tpu.memory_space<vmem>>[vector<16xi32>], vector<16xf32>,
          %gather3A_270 = tpu.vector_load_idx %arg10[%get3A_238] : memref<6400xf32, #tpu.memory_space<vmem>>[vector<16xi32>], vector<16xf32>,
          %gather3A_271 = tpu.vector_load_idx %arg10[%get3A_240] : memref<6400xf32, #tpu.memory_space<vmem>>[vector<16xi32>], vector<16xf32>,
          %gather3A_272 = tpu.vector_load_idx %arg11[%get3A_242] : memref<6400xf32, #tpu.memory_space<vmem>>[vector<16xi32>], vector<16xf32>,
          %gather3A_273 = tpu.vector_load_idx %arg11[%get3A_244] : memref<6400xf32, #tpu.memory_space<vmem>>[vector<16xi32>], vector<16xf32>,
          %gather3A_274 = tpu.vector_load_idx %arg11[%get3A_246] : memref<6400xf32, #tpu.memory_space<vmem>>[vector<16xi32>], vector<16xf32>,
          %gather3A_275 = tpu.vector_load_idx %arg11[%get3A_248] : memref<6400xf32, #tpu.memory_space<vmem>>[vector<16xi32>], vector<16xf32>,
          %gather3A_276 = tpu.vector_load_idx %arg11[%get3A_250] : memref<6400xf32, #tpu.memory_space<vmem>>[vector<16xi32>], vector<16xf32>,
          %gather3A_277 = tpu.vector_load_idx %arg11[%get3A_252] : memref<6400xf32, #tpu.memory_space<vmem>>[vector<16xi32>], vector<16xf32>,
          %gather3A_278 = tpu.vector_load_idx %arg11[%get3A_254] : memref<6400xf32, #tpu.memory_space<vmem>>[vector<16xi32>], vector<16xf32>,
          %gather3A_279 = tpu.vector_load_idx %arg11[%get3A_256] : memref<6400xf32, #tpu.memory_space<vmem>>[vector<16xi32>], vector<16xf32>,
          %max3A = arith.maximumf %gather3A, %get3A_194 : vector<16xf32>
          tpu.vector_store_idx %arg9[%get3A_210], %max3A : memref<81920xf32, #tpu.memory_space<vmem>>[vector<16xi32>], vector<16xf32>,
          %max3A_280 = arith.maximumf %gather3A_257, %get3A_196 : vector<16xf32>
          tpu.vector_store_idx %arg9[%get3A_212], %max3A_280 : memref<81920xf32, #tpu.memory_space<vmem>>[vector<16xi32>], vector<16xf32>,
          %max3A_281 = arith.maximumf %gather3A_258, %get3A_198 : vector<16xf32>
          tpu.vector_store_idx %arg9[%get3A_214], %max3A_281 : memref<81920xf32, #tpu.memory_space<vmem>>[vector<16xi32>], vector<16xf32>,
          %max3A_282 = arith.maximumf %gather3A_259, %get3A_200 : vector<16xf32>
          tpu.vector_store_idx %arg9[%get3A_216], %max3A_282 : memref<81920xf32, #tpu.memory_space<vmem>>[vector<16xi32>], vector<16xf32>,
          %max3A_283 = arith.maximumf %gather3A_260, %get3A_202 : vector<16xf32>
          tpu.vector_store_idx %arg9[%get3A_218], %max3A_283 : memref<81920xf32, #tpu.memory_space<vmem>>[vector<16xi32>], vector<16xf32>,
          %max3A_284 = arith.maximumf %gather3A_261, %get3A_204 : vector<16xf32>
          tpu.vector_store_idx %arg9[%get3A_220], %max3A_284 : memref<81920xf32, #tpu.memory_space<vmem>>[vector<16xi32>], vector<16xf32>,
          %max3A_285 = arith.maximumf %gather3A_262, %get3A_206 : vector<16xf32>
          tpu.vector_store_idx %arg9[%get3A_222], %max3A_285 : memref<81920xf32, #tpu.memory_space<vmem>>[vector<16xi32>], vector<16xf32>,
          %max3A_286 = arith.maximumf %gather3A_263, %get3A_208 : vector<16xf32>
          tpu.vector_store_idx %arg9[%get3A_224], %max3A_286 : memref<81920xf32, #tpu.memory_space<vmem>>[vector<16xi32>], vector<16xf32>,
          %max3A_287 = arith.maximumf %gather3A_264, %get3A_194 : vector<16xf32>
          tpu.vector_store_idx %arg10[%get3A_226], %max3A_287 : memref<6400xf32, #tpu.memory_space<vmem>>[vector<16xi32>], vector<16xf32>,
          %max3A_288 = arith.maximumf %gather3A_265, %get3A_196 : vector<16xf32>
          tpu.vector_store_idx %arg10[%get3A_228], %max3A_288 : memref<6400xf32, #tpu.memory_space<vmem>>[vector<16xi32>], vector<16xf32>,
          %max3A_289 = arith.maximumf %gather3A_266, %get3A_198 : vector<16xf32>
          tpu.vector_store_idx %arg10[%get3A_230], %max3A_289 : memref<6400xf32, #tpu.memory_space<vmem>>[vector<16xi32>], vector<16xf32>,
          %max3A_290 = arith.maximumf %gather3A_267, %get3A_200 : vector<16xf32>
          tpu.vector_store_idx %arg10[%get3A_232], %max3A_290 : memref<6400xf32, #tpu.memory_space<vmem>>[vector<16xi32>], vector<16xf32>,
          %max3A_291 = arith.maximumf %gather3A_268, %get3A_202 : vector<16xf32>
          tpu.vector_store_idx %arg10[%get3A_234], %max3A_291 : memref<6400xf32, #tpu.memory_space<vmem>>[vector<16xi32>], vector<16xf32>,
          %max3A_292 = arith.maximumf %gather3A_269, %get3A_204 : vector<16xf32>
          tpu.vector_store_idx %arg10[%get3A_236], %max3A_292 : memref<6400xf32, #tpu.memory_space<vmem>>[vector<16xi32>], vector<16xf32>,
          %max3A_293 = arith.maximumf %gather3A_270, %get3A_206 : vector<16xf32>
          tpu.vector_store_idx %arg10[%get3A_238], %max3A_293 : memref<6400xf32, #tpu.memory_space<vmem>>[vector<16xi32>], vector<16xf32>,
          %max3A_294 = arith.maximumf %gather3A_271, %get3A_208 : vector<16xf32>
          tpu.vector_store_idx %arg10[%get3A_240], %max3A_294 : memref<6400xf32, #tpu.memory_space<vmem>>[vector<16xi32>], vector<16xf32>,
          %max3A_295 = arith.maximumf %gather3A_272, %get3A_194 : vector<16xf32>
          tpu.vector_store_idx %arg11[%get3A_242], %max3A_295 : memref<6400xf32, #tpu.memory_space<vmem>>[vector<16xi32>], vector<16xf32>,
          %max3A_296 = arith.maximumf %gather3A_273, %get3A_196 : vector<16xf32>
          tpu.vector_store_idx %arg11[%get3A_244], %max3A_296 : memref<6400xf32, #tpu.memory_space<vmem>>[vector<16xi32>], vector<16xf32>,
          %max3A_297 = arith.maximumf %gather3A_274, %get3A_198 : vector<16xf32>
          tpu.vector_store_idx %arg11[%get3A_246], %max3A_297 : memref<6400xf32, #tpu.memory_space<vmem>>[vector<16xi32>], vector<16xf32>,
          %max3A_298 = arith.maximumf %gather3A_275, %get3A_200 : vector<16xf32>
          tpu.vector_store_idx %arg11[%get3A_248], %max3A_298 : memref<6400xf32, #tpu.memory_space<vmem>>[vector<16xi32>], vector<16xf32>,
          %max3A_299 = arith.maximumf %gather3A_276, %get3A_202 : vector<16xf32>
          tpu.vector_store_idx %arg11[%get3A_250], %max3A_299 : memref<6400xf32, #tpu.memory_space<vmem>>[vector<16xi32>], vector<16xf32>,
          %max3A_300 = arith.maximumf %gather3A_277, %get3A_204 : vector<16xf32>
          tpu.vector_store_idx %arg11[%get3A_252], %max3A_300 : memref<6400xf32, #tpu.memory_space<vmem>>[vector<16xi32>], vector<16xf32>,
          %max3A_301 = arith.maximumf %gather3A_278, %get3A_206 : vector<16xf32>
          tpu.vector_store_idx %arg11[%get3A_254], %max3A_301 : memref<6400xf32, #tpu.memory_space<vmem>>[vector<16xi32>], vector<16xf32>,
          %max3A_302 = arith.maximumf %gather3A_279, %get3A_208 : vector<16xf32>
          tpu.vector_store_idx %arg11[%get3A_256], %max3A_302 : memref<6400xf32, #tpu.memory_space<vmem>>[vector<16xi32>], vector<16xf32>,
          %gather3A_303 = tpu.vector_load_idx %arg9[%get3A_210] : memref<81920xf32, #tpu.memory_space<vmem>>[vector<16xi32>], vector<16xf32>,
          %gather3A_304 = tpu.vector_load_idx %arg9[%get3A_212] : memref<81920xf32, #tpu.memory_space<vmem>>[vector<16xi32>], vector<16xf32>,
          %gather3A_305 = tpu.vector_load_idx %arg9[%get3A_214] : memref<81920xf32, #tpu.memory_space<vmem>>[vector<16xi32>], vector<16xf32>,
          %gather3A_306 = tpu.vector_load_idx %arg9[%get3A_216] : memref<81920xf32, #tpu.memory_space<vmem>>[vector<16xi32>], vector<16xf32>,
          %gather3A_307 = tpu.vector_load_idx %arg9[%get3A_218] : memref<81920xf32, #tpu.memory_space<vmem>>[vector<16xi32>], vector<16xf32>,
          %gather3A_308 = tpu.vector_load_idx %arg9[%get3A_220] : memref<81920xf32, #tpu.memory_space<vmem>>[vector<16xi32>], vector<16xf32>,
          %gather3A_309 = tpu.vector_load_idx %arg9[%get3A_222] : memref<81920xf32, #tpu.memory_space<vmem>>[vector<16xi32>], vector<16xf32>,
          %gather3A_310 = tpu.vector_load_idx %arg9[%get3A_224] : memref<81920xf32, #tpu.memory_space<vmem>>[vector<16xi32>], vector<16xf32>,
          %gather3A_311 = tpu.vector_load_idx %arg10[%get3A_226] : memref<6400xf32, #tpu.memory_space<vmem>>[vector<16xi32>], vector<16xf32>,
          %gather3A_312 = tpu.vector_load_idx %arg10[%get3A_228] : memref<6400xf32, #tpu.memory_space<vmem>>[vector<16xi32>], vector<16xf32>,
          %gather3A_313 = tpu.vector_load_idx %arg10[%get3A_230] : memref<6400xf32, #tpu.memory_space<vmem>>[vector<16xi32>], vector<16xf32>,
          %gather3A_314 = tpu.vector_load_idx %arg10[%get3A_232] : memref<6400xf32, #tpu.memory_space<vmem>>[vector<16xi32>], vector<16xf32>,
          %gather3A_315 = tpu.vector_load_idx %arg10[%get3A_234] : memref<6400xf32, #tpu.memory_space<vmem>>[vector<16xi32>], vector<16xf32>,
          %gather3A_316 = tpu.vector_load_idx %arg10[%get3A_236] : memref<6400xf32, #tpu.memory_space<vmem>>[vector<16xi32>], vector<16xf32>,
          %gather3A_317 = tpu.vector_load_idx %arg10[%get3A_238] : memref<6400xf32, #tpu.memory_space<vmem>>[vector<16xi32>], vector<16xf32>,
          %gather3A_318 = tpu.vector_load_idx %arg10[%get3A_240] : memref<6400xf32, #tpu.memory_space<vmem>>[vector<16xi32>], vector<16xf32>,
          %gather3A_319 = tpu.vector_load_idx %arg11[%get3A_242] : memref<6400xf32, #tpu.memory_space<vmem>>[vector<16xi32>], vector<16xf32>,
          %gather3A_320 = tpu.vector_load_idx %arg11[%get3A_244] : memref<6400xf32, #tpu.memory_space<vmem>>[vector<16xi32>], vector<16xf32>,
          %gather3A_321 = tpu.vector_load_idx %arg11[%get3A_246] : memref<6400xf32, #tpu.memory_space<vmem>>[vector<16xi32>], vector<16xf32>,
          %gather3A_322 = tpu.vector_load_idx %arg11[%get3A_248] : memref<6400xf32, #tpu.memory_space<vmem>>[vector<16xi32>], vector<16xf32>,
          %gather3A_323 = tpu.vector_load_idx %arg11[%get3A_250] : memref<6400xf32, #tpu.memory_space<vmem>>[vector<16xi32>], vector<16xf32>,
          %gather3A_324 = tpu.vector_load_idx %arg11[%get3A_252] : memref<6400xf32, #tpu.memory_space<vmem>>[vector<16xi32>], vector<16xf32>,
          %gather3A_325 = tpu.vector_load_idx %arg11[%get3A_254] : memref<6400xf32, #tpu.memory_space<vmem>>[vector<16xi32>], vector<16xf32>,
          %gather3A_326 = tpu.vector_load_idx %arg11[%get3A_256] : memref<6400xf32, #tpu.memory_space<vmem>>[vector<16xi32>], vector<16xf32>,
          %lt3A_327 = arith.cmpf olt, %gather3A_303, %get3A_194 : vector<16xf32>
          %lt3A_328 = arith.cmpf olt, %gather3A_304, %get3A_196 : vector<16xf32>
          %lt3A_329 = arith.cmpf olt, %gather3A_305, %get3A_198 : vector<16xf32>
          %lt3A_330 = arith.cmpf olt, %gather3A_306, %get3A_200 : vector<16xf32>
          %lt3A_331 = arith.cmpf olt, %gather3A_307, %get3A_202 : vector<16xf32>
          %lt3A_332 = arith.cmpf olt, %gather3A_308, %get3A_204 : vector<16xf32>
          %lt3A_333 = arith.cmpf olt, %gather3A_309, %get3A_206 : vector<16xf32>
          %lt3A_334 = arith.cmpf olt, %gather3A_310, %get3A_208 : vector<16xf32>
          %lt3A_335 = arith.cmpf olt, %gather3A_311, %get3A_194 : vector<16xf32>
          %lt3A_336 = arith.cmpf olt, %gather3A_312, %get3A_196 : vector<16xf32>
          %lt3A_337 = arith.cmpf olt, %gather3A_313, %get3A_198 : vector<16xf32>
          %lt3A_338 = arith.cmpf olt, %gather3A_314, %get3A_200 : vector<16xf32>
          %lt3A_339 = arith.cmpf olt, %gather3A_315, %get3A_202 : vector<16xf32>
          %lt3A_340 = arith.cmpf olt, %gather3A_316, %get3A_204 : vector<16xf32>
          %lt3A_341 = arith.cmpf olt, %gather3A_317, %get3A_206 : vector<16xf32>
          %lt3A_342 = arith.cmpf olt, %gather3A_318, %get3A_208 : vector<16xf32>
          %lt3A_343 = arith.cmpf olt, %gather3A_319, %get3A_194 : vector<16xf32>
          %lt3A_344 = arith.cmpf olt, %gather3A_320, %get3A_196 : vector<16xf32>
          %lt3A_345 = arith.cmpf olt, %gather3A_321, %get3A_198 : vector<16xf32>
          %lt3A_346 = arith.cmpf olt, %gather3A_322, %get3A_200 : vector<16xf32>
          %lt3A_347 = arith.cmpf olt, %gather3A_323, %get3A_202 : vector<16xf32>
          %lt3A_348 = arith.cmpf olt, %gather3A_324, %get3A_204 : vector<16xf32>
          %lt3A_349 = arith.cmpf olt, %gather3A_325, %get3A_206 : vector<16xf32>
          %lt3A_350 = arith.cmpf olt, %gather3A_326, %get3A_208 : vector<16xf32>
          tpu.vector_store_idx %arg9[%get3A_210], %get3A_194 masked %lt3A_327 : memref<81920xf32, #tpu.memory_space<vmem>>[vector<16xi32>], vector<16xf32>, vector<16xi1>
          tpu.vector_store_idx %arg9[%get3A_212], %get3A_196 masked %lt3A_328 : memref<81920xf32, #tpu.memory_space<vmem>>[vector<16xi32>], vector<16xf32>, vector<16xi1>
          tpu.vector_store_idx %arg9[%get3A_214], %get3A_198 masked %lt3A_329 : memref<81920xf32, #tpu.memory_space<vmem>>[vector<16xi32>], vector<16xf32>, vector<16xi1>
          tpu.vector_store_idx %arg9[%get3A_216], %get3A_200 masked %lt3A_330 : memref<81920xf32, #tpu.memory_space<vmem>>[vector<16xi32>], vector<16xf32>, vector<16xi1>
          tpu.vector_store_idx %arg9[%get3A_218], %get3A_202 masked %lt3A_331 : memref<81920xf32, #tpu.memory_space<vmem>>[vector<16xi32>], vector<16xf32>, vector<16xi1>
          tpu.vector_store_idx %arg9[%get3A_220], %get3A_204 masked %lt3A_332 : memref<81920xf32, #tpu.memory_space<vmem>>[vector<16xi32>], vector<16xf32>, vector<16xi1>
          tpu.vector_store_idx %arg9[%get3A_222], %get3A_206 masked %lt3A_333 : memref<81920xf32, #tpu.memory_space<vmem>>[vector<16xi32>], vector<16xf32>, vector<16xi1>
          tpu.vector_store_idx %arg9[%get3A_224], %get3A_208 masked %lt3A_334 : memref<81920xf32, #tpu.memory_space<vmem>>[vector<16xi32>], vector<16xf32>, vector<16xi1>
          tpu.vector_store_idx %arg10[%get3A_226], %get3A_194 masked %lt3A_335 : memref<6400xf32, #tpu.memory_space<vmem>>[vector<16xi32>], vector<16xf32>, vector<16xi1>
          tpu.vector_store_idx %arg10[%get3A_228], %get3A_196 masked %lt3A_336 : memref<6400xf32, #tpu.memory_space<vmem>>[vector<16xi32>], vector<16xf32>, vector<16xi1>
          tpu.vector_store_idx %arg10[%get3A_230], %get3A_198 masked %lt3A_337 : memref<6400xf32, #tpu.memory_space<vmem>>[vector<16xi32>], vector<16xf32>, vector<16xi1>
          tpu.vector_store_idx %arg10[%get3A_232], %get3A_200 masked %lt3A_338 : memref<6400xf32, #tpu.memory_space<vmem>>[vector<16xi32>], vector<16xf32>, vector<16xi1>
          tpu.vector_store_idx %arg10[%get3A_234], %get3A_202 masked %lt3A_339 : memref<6400xf32, #tpu.memory_space<vmem>>[vector<16xi32>], vector<16xf32>, vector<16xi1>
          tpu.vector_store_idx %arg10[%get3A_236], %get3A_204 masked %lt3A_340 : memref<6400xf32, #tpu.memory_space<vmem>>[vector<16xi32>], vector<16xf32>, vector<16xi1>
          tpu.vector_store_idx %arg10[%get3A_238], %get3A_206 masked %lt3A_341 : memref<6400xf32, #tpu.memory_space<vmem>>[vector<16xi32>], vector<16xf32>, vector<16xi1>
          tpu.vector_store_idx %arg10[%get3A_240], %get3A_208 masked %lt3A_342 : memref<6400xf32, #tpu.memory_space<vmem>>[vector<16xi32>], vector<16xf32>, vector<16xi1>
          tpu.vector_store_idx %arg11[%get3A_242], %get3A_194 masked %lt3A_343 : memref<6400xf32, #tpu.memory_space<vmem>>[vector<16xi32>], vector<16xf32>, vector<16xi1>
          tpu.vector_store_idx %arg11[%get3A_244], %get3A_196 masked %lt3A_344 : memref<6400xf32, #tpu.memory_space<vmem>>[vector<16xi32>], vector<16xf32>, vector<16xi1>
          tpu.vector_store_idx %arg11[%get3A_246], %get3A_198 masked %lt3A_345 : memref<6400xf32, #tpu.memory_space<vmem>>[vector<16xi32>], vector<16xf32>, vector<16xi1>
          tpu.vector_store_idx %arg11[%get3A_248], %get3A_200 masked %lt3A_346 : memref<6400xf32, #tpu.memory_space<vmem>>[vector<16xi32>], vector<16xf32>, vector<16xi1>
          tpu.vector_store_idx %arg11[%get3A_250], %get3A_202 masked %lt3A_347 : memref<6400xf32, #tpu.memory_space<vmem>>[vector<16xi32>], vector<16xf32>, vector<16xi1>
          tpu.vector_store_idx %arg11[%get3A_252], %get3A_204 masked %lt3A_348 : memref<6400xf32, #tpu.memory_space<vmem>>[vector<16xi32>], vector<16xf32>, vector<16xi1>
          tpu.vector_store_idx %arg11[%get3A_254], %get3A_206 masked %lt3A_349 : memref<6400xf32, #tpu.memory_space<vmem>>[vector<16xi32>], vector<16xf32>, vector<16xi1>
          tpu.vector_store_idx %arg11[%get3A_256], %get3A_208 masked %lt3A_350 : memref<6400xf32, #tpu.memory_space<vmem>>[vector<16xi32>], vector<16xf32>, vector<16xi1>
          %gather3A_351 = tpu.vector_load_idx %arg9[%get3A_210] : memref<81920xf32, #tpu.memory_space<vmem>>[vector<16xi32>], vector<16xf32>,
          %gather3A_352 = tpu.vector_load_idx %arg9[%get3A_212] : memref<81920xf32, #tpu.memory_space<vmem>>[vector<16xi32>], vector<16xf32>,
          %gather3A_353 = tpu.vector_load_idx %arg9[%get3A_214] : memref<81920xf32, #tpu.memory_space<vmem>>[vector<16xi32>], vector<16xf32>,
          %gather3A_354 = tpu.vector_load_idx %arg9[%get3A_216] : memref<81920xf32, #tpu.memory_space<vmem>>[vector<16xi32>], vector<16xf32>,
          %gather3A_355 = tpu.vector_load_idx %arg9[%get3A_218] : memref<81920xf32, #tpu.memory_space<vmem>>[vector<16xi32>], vector<16xf32>,
          %gather3A_356 = tpu.vector_load_idx %arg9[%get3A_220] : memref<81920xf32, #tpu.memory_space<vmem>>[vector<16xi32>], vector<16xf32>,
          %gather3A_357 = tpu.vector_load_idx %arg9[%get3A_222] : memref<81920xf32, #tpu.memory_space<vmem>>[vector<16xi32>], vector<16xf32>,
          %gather3A_358 = tpu.vector_load_idx %arg9[%get3A_224] : memref<81920xf32, #tpu.memory_space<vmem>>[vector<16xi32>], vector<16xf32>,
          %gather3A_359 = tpu.vector_load_idx %arg10[%get3A_226] : memref<6400xf32, #tpu.memory_space<vmem>>[vector<16xi32>], vector<16xf32>,
          %gather3A_360 = tpu.vector_load_idx %arg10[%get3A_228] : memref<6400xf32, #tpu.memory_space<vmem>>[vector<16xi32>], vector<16xf32>,
          %gather3A_361 = tpu.vector_load_idx %arg10[%get3A_230] : memref<6400xf32, #tpu.memory_space<vmem>>[vector<16xi32>], vector<16xf32>,
          %gather3A_362 = tpu.vector_load_idx %arg10[%get3A_232] : memref<6400xf32, #tpu.memory_space<vmem>>[vector<16xi32>], vector<16xf32>,
          %gather3A_363 = tpu.vector_load_idx %arg10[%get3A_234] : memref<6400xf32, #tpu.memory_space<vmem>>[vector<16xi32>], vector<16xf32>,
          %gather3A_364 = tpu.vector_load_idx %arg10[%get3A_236] : memref<6400xf32, #tpu.memory_space<vmem>>[vector<16xi32>], vector<16xf32>,
          %gather3A_365 = tpu.vector_load_idx %arg10[%get3A_238] : memref<6400xf32, #tpu.memory_space<vmem>>[vector<16xi32>], vector<16xf32>,
          %gather3A_366 = tpu.vector_load_idx %arg10[%get3A_240] : memref<6400xf32, #tpu.memory_space<vmem>>[vector<16xi32>], vector<16xf32>,
          %gather3A_367 = tpu.vector_load_idx %arg11[%get3A_242] : memref<6400xf32, #tpu.memory_space<vmem>>[vector<16xi32>], vector<16xf32>,
          %gather3A_368 = tpu.vector_load_idx %arg11[%get3A_244] : memref<6400xf32, #tpu.memory_space<vmem>>[vector<16xi32>], vector<16xf32>,
          %gather3A_369 = tpu.vector_load_idx %arg11[%get3A_246] : memref<6400xf32, #tpu.memory_space<vmem>>[vector<16xi32>], vector<16xf32>,
          %gather3A_370 = tpu.vector_load_idx %arg11[%get3A_248] : memref<6400xf32, #tpu.memory_space<vmem>>[vector<16xi32>], vector<16xf32>,
          %gather3A_371 = tpu.vector_load_idx %arg11[%get3A_250] : memref<6400xf32, #tpu.memory_space<vmem>>[vector<16xi32>], vector<16xf32>,
          %gather3A_372 = tpu.vector_load_idx %arg11[%get3A_252] : memref<6400xf32, #tpu.memory_space<vmem>>[vector<16xi32>], vector<16xf32>,
          %gather3A_373 = tpu.vector_load_idx %arg11[%get3A_254] : memref<6400xf32, #tpu.memory_space<vmem>>[vector<16xi32>], vector<16xf32>,
          %gather3A_374 = tpu.vector_load_idx %arg11[%get3A_256] : memref<6400xf32, #tpu.memory_space<vmem>>[vector<16xi32>], vector<16xf32>,
          %lt3A_375 = arith.cmpf olt, %gather3A_351, %get3A_194 : vector<16xf32>
          %lt3A_376 = arith.cmpf olt, %gather3A_352, %get3A_196 : vector<16xf32>
          %lt3A_377 = arith.cmpf olt, %gather3A_353, %get3A_198 : vector<16xf32>
          %lt3A_378 = arith.cmpf olt, %gather3A_354, %get3A_200 : vector<16xf32>
          %lt3A_379 = arith.cmpf olt, %gather3A_355, %get3A_202 : vector<16xf32>
          %lt3A_380 = arith.cmpf olt, %gather3A_356, %get3A_204 : vector<16xf32>
          %lt3A_381 = arith.cmpf olt, %gather3A_357, %get3A_206 : vector<16xf32>
          %lt3A_382 = arith.cmpf olt, %gather3A_358, %get3A_208 : vector<16xf32>
          %lt3A_383 = arith.cmpf olt, %gather3A_359, %get3A_194 : vector<16xf32>
          %lt3A_384 = arith.cmpf olt, %gather3A_360, %get3A_196 : vector<16xf32>
          %lt3A_385 = arith.cmpf olt, %gather3A_361, %get3A_198 : vector<16xf32>
          %lt3A_386 = arith.cmpf olt, %gather3A_362, %get3A_200 : vector<16xf32>
          %lt3A_387 = arith.cmpf olt, %gather3A_363, %get3A_202 : vector<16xf32>
          %lt3A_388 = arith.cmpf olt, %gather3A_364, %get3A_204 : vector<16xf32>
          %lt3A_389 = arith.cmpf olt, %gather3A_365, %get3A_206 : vector<16xf32>
          %lt3A_390 = arith.cmpf olt, %gather3A_366, %get3A_208 : vector<16xf32>
          %lt3A_391 = arith.cmpf olt, %gather3A_367, %get3A_194 : vector<16xf32>
          %lt3A_392 = arith.cmpf olt, %gather3A_368, %get3A_196 : vector<16xf32>
          %lt3A_393 = arith.cmpf olt, %gather3A_369, %get3A_198 : vector<16xf32>
          %lt3A_394 = arith.cmpf olt, %gather3A_370, %get3A_200 : vector<16xf32>
          %lt3A_395 = arith.cmpf olt, %gather3A_371, %get3A_202 : vector<16xf32>
          %lt3A_396 = arith.cmpf olt, %gather3A_372, %get3A_204 : vector<16xf32>
          %lt3A_397 = arith.cmpf olt, %gather3A_373, %get3A_206 : vector<16xf32>
          %lt3A_398 = arith.cmpf olt, %gather3A_374, %get3A_208 : vector<16xf32>
          tpu.vector_store_idx %arg9[%get3A_210], %get3A_194 masked %lt3A_375 : memref<81920xf32, #tpu.memory_space<vmem>>[vector<16xi32>], vector<16xf32>, vector<16xi1>
          tpu.vector_store_idx %arg9[%get3A_212], %get3A_196 masked %lt3A_376 : memref<81920xf32, #tpu.memory_space<vmem>>[vector<16xi32>], vector<16xf32>, vector<16xi1>
          tpu.vector_store_idx %arg9[%get3A_214], %get3A_198 masked %lt3A_377 : memref<81920xf32, #tpu.memory_space<vmem>>[vector<16xi32>], vector<16xf32>, vector<16xi1>
          tpu.vector_store_idx %arg9[%get3A_216], %get3A_200 masked %lt3A_378 : memref<81920xf32, #tpu.memory_space<vmem>>[vector<16xi32>], vector<16xf32>, vector<16xi1>
          tpu.vector_store_idx %arg9[%get3A_218], %get3A_202 masked %lt3A_379 : memref<81920xf32, #tpu.memory_space<vmem>>[vector<16xi32>], vector<16xf32>, vector<16xi1>
          tpu.vector_store_idx %arg9[%get3A_220], %get3A_204 masked %lt3A_380 : memref<81920xf32, #tpu.memory_space<vmem>>[vector<16xi32>], vector<16xf32>, vector<16xi1>
          tpu.vector_store_idx %arg9[%get3A_222], %get3A_206 masked %lt3A_381 : memref<81920xf32, #tpu.memory_space<vmem>>[vector<16xi32>], vector<16xf32>, vector<16xi1>
          tpu.vector_store_idx %arg9[%get3A_224], %get3A_208 masked %lt3A_382 : memref<81920xf32, #tpu.memory_space<vmem>>[vector<16xi32>], vector<16xf32>, vector<16xi1>
          tpu.vector_store_idx %arg10[%get3A_226], %get3A_194 masked %lt3A_383 : memref<6400xf32, #tpu.memory_space<vmem>>[vector<16xi32>], vector<16xf32>, vector<16xi1>
          tpu.vector_store_idx %arg10[%get3A_228], %get3A_196 masked %lt3A_384 : memref<6400xf32, #tpu.memory_space<vmem>>[vector<16xi32>], vector<16xf32>, vector<16xi1>
          tpu.vector_store_idx %arg10[%get3A_230], %get3A_198 masked %lt3A_385 : memref<6400xf32, #tpu.memory_space<vmem>>[vector<16xi32>], vector<16xf32>, vector<16xi1>
          tpu.vector_store_idx %arg10[%get3A_232], %get3A_200 masked %lt3A_386 : memref<6400xf32, #tpu.memory_space<vmem>>[vector<16xi32>], vector<16xf32>, vector<16xi1>
          tpu.vector_store_idx %arg10[%get3A_234], %get3A_202 masked %lt3A_387 : memref<6400xf32, #tpu.memory_space<vmem>>[vector<16xi32>], vector<16xf32>, vector<16xi1>
          tpu.vector_store_idx %arg10[%get3A_236], %get3A_204 masked %lt3A_388 : memref<6400xf32, #tpu.memory_space<vmem>>[vector<16xi32>], vector<16xf32>, vector<16xi1>
          tpu.vector_store_idx %arg10[%get3A_238], %get3A_206 masked %lt3A_389 : memref<6400xf32, #tpu.memory_space<vmem>>[vector<16xi32>], vector<16xf32>, vector<16xi1>
          tpu.vector_store_idx %arg10[%get3A_240], %get3A_208 masked %lt3A_390 : memref<6400xf32, #tpu.memory_space<vmem>>[vector<16xi32>], vector<16xf32>, vector<16xi1>
          tpu.vector_store_idx %arg11[%get3A_242], %get3A_194 masked %lt3A_391 : memref<6400xf32, #tpu.memory_space<vmem>>[vector<16xi32>], vector<16xf32>, vector<16xi1>
          tpu.vector_store_idx %arg11[%get3A_244], %get3A_196 masked %lt3A_392 : memref<6400xf32, #tpu.memory_space<vmem>>[vector<16xi32>], vector<16xf32>, vector<16xi1>
          tpu.vector_store_idx %arg11[%get3A_246], %get3A_198 masked %lt3A_393 : memref<6400xf32, #tpu.memory_space<vmem>>[vector<16xi32>], vector<16xf32>, vector<16xi1>
          tpu.vector_store_idx %arg11[%get3A_248], %get3A_200 masked %lt3A_394 : memref<6400xf32, #tpu.memory_space<vmem>>[vector<16xi32>], vector<16xf32>, vector<16xi1>
          tpu.vector_store_idx %arg11[%get3A_250], %get3A_202 masked %lt3A_395 : memref<6400xf32, #tpu.memory_space<vmem>>[vector<16xi32>], vector<16xf32>, vector<16xi1>
          tpu.vector_store_idx %arg11[%get3A_252], %get3A_204 masked %lt3A_396 : memref<6400xf32, #tpu.memory_space<vmem>>[vector<16xi32>], vector<16xf32>, vector<16xi1>
          tpu.vector_store_idx %arg11[%get3A_254], %get3A_206 masked %lt3A_397 : memref<6400xf32, #tpu.memory_space<vmem>>[vector<16xi32>], vector<16xf32>, vector<16xi1>
          tpu.vector_store_idx %arg11[%get3A_256], %get3A_208 masked %lt3A_398 : memref<6400xf32, #tpu.memory_space<vmem>>[vector<16xi32>], vector<16xf32>, vector<16xi1>
          %gather3A_399 = tpu.vector_load_idx %arg9[%get3A_210] : memref<81920xf32, #tpu.memory_space<vmem>>[vector<16xi32>], vector<16xf32>,
          %gather3A_400 = tpu.vector_load_idx %arg9[%get3A_212] : memref<81920xf32, #tpu.memory_space<vmem>>[vector<16xi32>], vector<16xf32>,
          %gather3A_401 = tpu.vector_load_idx %arg9[%get3A_214] : memref<81920xf32, #tpu.memory_space<vmem>>[vector<16xi32>], vector<16xf32>,
          %gather3A_402 = tpu.vector_load_idx %arg9[%get3A_216] : memref<81920xf32, #tpu.memory_space<vmem>>[vector<16xi32>], vector<16xf32>,
          %gather3A_403 = tpu.vector_load_idx %arg9[%get3A_218] : memref<81920xf32, #tpu.memory_space<vmem>>[vector<16xi32>], vector<16xf32>,
          %gather3A_404 = tpu.vector_load_idx %arg9[%get3A_220] : memref<81920xf32, #tpu.memory_space<vmem>>[vector<16xi32>], vector<16xf32>,
          %gather3A_405 = tpu.vector_load_idx %arg9[%get3A_222] : memref<81920xf32, #tpu.memory_space<vmem>>[vector<16xi32>], vector<16xf32>,
          %gather3A_406 = tpu.vector_load_idx %arg9[%get3A_224] : memref<81920xf32, #tpu.memory_space<vmem>>[vector<16xi32>], vector<16xf32>,
          %gather3A_407 = tpu.vector_load_idx %arg10[%get3A_226] : memref<6400xf32, #tpu.memory_space<vmem>>[vector<16xi32>], vector<16xf32>,
          %gather3A_408 = tpu.vector_load_idx %arg10[%get3A_228] : memref<6400xf32, #tpu.memory_space<vmem>>[vector<16xi32>], vector<16xf32>,
          %gather3A_409 = tpu.vector_load_idx %arg10[%get3A_230] : memref<6400xf32, #tpu.memory_space<vmem>>[vector<16xi32>], vector<16xf32>,
          %gather3A_410 = tpu.vector_load_idx %arg10[%get3A_232] : memref<6400xf32, #tpu.memory_space<vmem>>[vector<16xi32>], vector<16xf32>,
          %gather3A_411 = tpu.vector_load_idx %arg10[%get3A_234] : memref<6400xf32, #tpu.memory_space<vmem>>[vector<16xi32>], vector<16xf32>,
          %gather3A_412 = tpu.vector_load_idx %arg10[%get3A_236] : memref<6400xf32, #tpu.memory_space<vmem>>[vector<16xi32>], vector<16xf32>,
          %gather3A_413 = tpu.vector_load_idx %arg10[%get3A_238] : memref<6400xf32, #tpu.memory_space<vmem>>[vector<16xi32>], vector<16xf32>,
          %gather3A_414 = tpu.vector_load_idx %arg10[%get3A_240] : memref<6400xf32, #tpu.memory_space<vmem>>[vector<16xi32>], vector<16xf32>,
          %gather3A_415 = tpu.vector_load_idx %arg11[%get3A_242] : memref<6400xf32, #tpu.memory_space<vmem>>[vector<16xi32>], vector<16xf32>,
          %gather3A_416 = tpu.vector_load_idx %arg11[%get3A_244] : memref<6400xf32, #tpu.memory_space<vmem>>[vector<16xi32>], vector<16xf32>,
          %gather3A_417 = tpu.vector_load_idx %arg11[%get3A_246] : memref<6400xf32, #tpu.memory_space<vmem>>[vector<16xi32>], vector<16xf32>,
          %gather3A_418 = tpu.vector_load_idx %arg11[%get3A_248] : memref<6400xf32, #tpu.memory_space<vmem>>[vector<16xi32>], vector<16xf32>,
          %gather3A_419 = tpu.vector_load_idx %arg11[%get3A_250] : memref<6400xf32, #tpu.memory_space<vmem>>[vector<16xi32>], vector<16xf32>,
          %gather3A_420 = tpu.vector_load_idx %arg11[%get3A_252] : memref<6400xf32, #tpu.memory_space<vmem>>[vector<16xi32>], vector<16xf32>,
          %gather3A_421 = tpu.vector_load_idx %arg11[%get3A_254] : memref<6400xf32, #tpu.memory_space<vmem>>[vector<16xi32>], vector<16xf32>,
          %gather3A_422 = tpu.vector_load_idx %arg11[%get3A_256] : memref<6400xf32, #tpu.memory_space<vmem>>[vector<16xi32>], vector<16xf32>,
          %lt3A_423 = arith.cmpf olt, %gather3A_399, %get3A_194 : vector<16xf32>
          %or3A = arith.ori %scan3A_145, %lt3A_423 : vector<16xi1>
          %lt3A_424 = arith.cmpf olt, %gather3A_400, %get3A_196 : vector<16xf32>
          %or3A_425 = arith.ori %or3A, %lt3A_424 : vector<16xi1>
          %lt3A_426 = arith.cmpf olt, %gather3A_401, %get3A_198 : vector<16xf32>
          %or3A_427 = arith.ori %or3A_425, %lt3A_426 : vector<16xi1>
          %lt3A_428 = arith.cmpf olt, %gather3A_402, %get3A_200 : vector<16xf32>
          %or3A_429 = arith.ori %or3A_427, %lt3A_428 : vector<16xi1>
          %lt3A_430 = arith.cmpf olt, %gather3A_403, %get3A_202 : vector<16xf32>
          %or3A_431 = arith.ori %or3A_429, %lt3A_430 : vector<16xi1>
          %lt3A_432 = arith.cmpf olt, %gather3A_404, %get3A_204 : vector<16xf32>
          %or3A_433 = arith.ori %or3A_431, %lt3A_432 : vector<16xi1>
          %lt3A_434 = arith.cmpf olt, %gather3A_405, %get3A_206 : vector<16xf32>
          %or3A_435 = arith.ori %or3A_433, %lt3A_434 : vector<16xi1>
          %lt3A_436 = arith.cmpf olt, %gather3A_406, %get3A_208 : vector<16xf32>
          %or3A_437 = arith.ori %or3A_435, %lt3A_436 : vector<16xi1>
          %lt3A_438 = arith.cmpf olt, %gather3A_407, %get3A_194 : vector<16xf32>
          %or3A_439 = arith.ori %or3A_437, %lt3A_438 : vector<16xi1>
          %lt3A_440 = arith.cmpf olt, %gather3A_408, %get3A_196 : vector<16xf32>
          %or3A_441 = arith.ori %or3A_439, %lt3A_440 : vector<16xi1>
          %lt3A_442 = arith.cmpf olt, %gather3A_409, %get3A_198 : vector<16xf32>
          %or3A_443 = arith.ori %or3A_441, %lt3A_442 : vector<16xi1>
          %lt3A_444 = arith.cmpf olt, %gather3A_410, %get3A_200 : vector<16xf32>
          %or3A_445 = arith.ori %or3A_443, %lt3A_444 : vector<16xi1>
          %lt3A_446 = arith.cmpf olt, %gather3A_411, %get3A_202 : vector<16xf32>
          %or3A_447 = arith.ori %or3A_445, %lt3A_446 : vector<16xi1>
          %lt3A_448 = arith.cmpf olt, %gather3A_412, %get3A_204 : vector<16xf32>
          %or3A_449 = arith.ori %or3A_447, %lt3A_448 : vector<16xi1>
          %lt3A_450 = arith.cmpf olt, %gather3A_413, %get3A_206 : vector<16xf32>
          %or3A_451 = arith.ori %or3A_449, %lt3A_450 : vector<16xi1>
          %lt3A_452 = arith.cmpf olt, %gather3A_414, %get3A_208 : vector<16xf32>
          %or3A_453 = arith.ori %or3A_451, %lt3A_452 : vector<16xi1>
          %lt3A_454 = arith.cmpf olt, %gather3A_415, %get3A_194 : vector<16xf32>
          %or3A_455 = arith.ori %or3A_453, %lt3A_454 : vector<16xi1>
          %lt3A_456 = arith.cmpf olt, %gather3A_416, %get3A_196 : vector<16xf32>
          %or3A_457 = arith.ori %or3A_455, %lt3A_456 : vector<16xi1>
          %lt3A_458 = arith.cmpf olt, %gather3A_417, %get3A_198 : vector<16xf32>
          %or3A_459 = arith.ori %or3A_457, %lt3A_458 : vector<16xi1>
          %lt3A_460 = arith.cmpf olt, %gather3A_418, %get3A_200 : vector<16xf32>
          %or3A_461 = arith.ori %or3A_459, %lt3A_460 : vector<16xi1>
          %lt3A_462 = arith.cmpf olt, %gather3A_419, %get3A_202 : vector<16xf32>
          %or3A_463 = arith.ori %or3A_461, %lt3A_462 : vector<16xi1>
          %lt3A_464 = arith.cmpf olt, %gather3A_420, %get3A_204 : vector<16xf32>
          %or3A_465 = arith.ori %or3A_463, %lt3A_464 : vector<16xi1>
          %lt3A_466 = arith.cmpf olt, %gather3A_421, %get3A_206 : vector<16xf32>
          %or3A_467 = arith.ori %or3A_465, %lt3A_466 : vector<16xi1>
          %lt3A_468 = arith.cmpf olt, %gather3A_422, %get3A_208 : vector<16xf32>
          %or3A_469 = arith.ori %or3A_467, %lt3A_468 : vector<16xi1>
          scf.yield %or3A_469 : vector<16xi1>
        }
        %scan3A_129 = arith.constant 16 : i32
        %all_reduce_population_count3A_130 = tpu.all_reduce %scan3A_128 {dim = 0 : i64, kind = #tpu.reduction_kind<sum>} : vector<16xi1> -> vector<16xi32>
        %reduce_max3A_131 = arith.constant true
        %reduce_max3A_132 = vector.broadcast %reduce_max3A_131 : i1 to vector<16xi1>
        %reduce_max3A_133 = arith.constant -2147483648 : i32
        %reduce_max3A_134 = vector.broadcast %reduce_max3A_133 : i32 to vector<16xi32>
        %reduce_max3A_135 = arith.xori %all_reduce_population_count3A_130, %reduce_max3A_134 : vector<16xi32>
        %reduce_max3A_136 = tpu.scan <max>, %reduce_max3A_135 masked %reduce_max3A_132 : vector<16xi32>, vector<16xi1> -> vector<16xi32>
        %reduce_max3A_137 = arith.xori %reduce_max3A_136, %reduce_max3A_134 : vector<16xi32>
        %reduce_max3A_138 = vector.extract %reduce_max3A_137[15] : i32 from vector<16xi32>
        %gt3A_139 = arith.constant 0 : i32
        %gt3A_140 = arith.cmpi sgt, %reduce_max3A_138, %gt3A_139 : i32
        %convert_element_type3A_141 = arith.extui %gt3A_140 : i1 to i32
        %cond3A_142 = arith.constant 0 : i32
        %cond3A_143 = arith.cmpi ne, %convert_element_type3A_141, %cond3A_142 : i32
        scf.if %cond3A_143 {
          %scan3A_144 = arith.constant 0 : i32
          %scan3A_145 = arith.constant 0 : i32
          %scan3A_146 = arith.constant 128 : i32
          %scan3A_147 = arith.addi %scan3A_145, %scan3A_146 : i32
          %scan3A_148 = arith.constant 1 : i32
          scf.for %scan3A_150 = %scan3A_145 to %scan3A_147 step %scan3A_148  : i32 {
            %mul3A_151 = arith.constant 16 : i32
            %mul3A_152 = arith.muli %scan3A_150, %mul3A_151 : i32
            %get3A = arith.index_cast %mul3A_152 : i32 to index
            %get3A_153 = tpu.vector_load %arg19[%get3A] {strides = array<i32>} : memref<2048xf32, #tpu.memory_space<vmem>>, vector<16xf32>,
            %get3A_154 = arith.index_cast %mul3A_152 : i32 to index
            %get3A_155 = tpu.vector_load %arg15[%get3A_154] {strides = array<i32>} : memref<2048xi32, #tpu.memory_space<vmem>>, vector<16xi32>,
            %gather3A = tpu.vector_load_idx %arg9[%get3A_155] : memref<81920xf32, #tpu.memory_space<vmem>>[vector<16xi32>], vector<16xf32>,
            %lt3A_156 = arith.cmpf olt, %gather3A, %get3A_153 : vector<16xf32>
            %jit3A = arith.constant 1 : i32
            %jit3A_157 = arith.constant 0 : i32
            %broadcast_in_dim3A_158 = vector.broadcast %jit3A : i32 to vector<16xi32>
            %broadcast_in_dim3A_159 = vector.broadcast %jit3A_157 : i32 to vector<16xi32>
            %select_n3A = arith.select %lt3A_156, %broadcast_in_dim3A_158, %broadcast_in_dim3A_159 : vector<16xi1>, vector<16xi32>
            %while3A = scf.while (%while3A_180 = %select_n3A) : (vector<16xi32>) -> vector<16xi32> {
              %reduce_max3A_181 = arith.constant true
              %reduce_max3A_182 = vector.broadcast %reduce_max3A_181 : i1 to vector<16xi1>
              %reduce_max3A_183 = arith.constant -2147483648 : i32
              %reduce_max3A_184 = vector.broadcast %reduce_max3A_183 : i32 to vector<16xi32>
              %reduce_max3A_185 = arith.xori %while3A_180, %reduce_max3A_184 : vector<16xi32>
              %reduce_max3A_186 = tpu.scan <max>, %reduce_max3A_185 masked %reduce_max3A_182 : vector<16xi32>, vector<16xi1> -> vector<16xi32>
              %reduce_max3A_187 = arith.xori %reduce_max3A_186, %reduce_max3A_184 : vector<16xi32>
              %reduce_max3A_188 = vector.extract %reduce_max3A_187[15] : i32 from vector<16xi32>
              %gt3A_189 = arith.constant 0 : i32
              %gt3A_190 = arith.cmpi sgt, %reduce_max3A_188, %gt3A_189 : i32
              scf.condition(%gt3A_190) %while3A_180 : vector<16xi32>
            } do {
            ^bb0(%while3A_180: vector<16xi32>):
              %gt3A_181 = arith.constant 0 : i32
              %gt3A_182 = vector.broadcast %gt3A_181 : i32 to vector<16xi32>
              %gt3A_183 = arith.cmpi sgt, %while3A_180, %gt3A_182 : vector<16xi32>
              tpu.vector_store_idx %arg9[%get3A_155], %get3A_153 masked %gt3A_183 : memref<81920xf32, #tpu.memory_space<vmem>>[vector<16xi32>], vector<16xf32>, vector<16xi1>
              %gather3A_184 = tpu.vector_load_idx %arg9[%get3A_155] : memref<81920xf32, #tpu.memory_space<vmem>>[vector<16xi32>], vector<16xf32>,
              %lt3A_185 = arith.cmpf olt, %gather3A_184, %get3A_153 : vector<16xf32>
              %jit3A_186 = arith.constant 1 : i32
              %jit3A_187 = arith.constant 0 : i32
              %broadcast_in_dim3A_188 = vector.broadcast %jit3A_186 : i32 to vector<16xi32>
              %broadcast_in_dim3A_189 = vector.broadcast %jit3A_187 : i32 to vector<16xi32>
              %select_n3A_190 = arith.select %lt3A_185, %broadcast_in_dim3A_188, %broadcast_in_dim3A_189 : vector<16xi1>, vector<16xi32>
              scf.yield %select_n3A_190 : vector<16xi32>
            }
            %get3A_160 = arith.index_cast %mul3A_152 : i32 to index
            %get3A_161 = tpu.vector_load %arg16[%get3A_160] {strides = array<i32>} : memref<2048xi32, #tpu.memory_space<vmem>>, vector<16xi32>,
            %gather3A_162 = tpu.vector_load_idx %arg10[%get3A_161] : memref<6400xf32, #tpu.memory_space<vmem>>[vector<16xi32>], vector<16xf32>,
            %lt3A_163 = arith.cmpf olt, %gather3A_162, %get3A_153 : vector<16xf32>
            %jit3A_164 = arith.constant 1 : i32
            %jit3A_165 = arith.constant 0 : i32
            %broadcast_in_dim3A_166 = vector.broadcast %jit3A_164 : i32 to vector<16xi32>
            %broadcast_in_dim3A_167 = vector.broadcast %jit3A_165 : i32 to vector<16xi32>
            %select_n3A_168 = arith.select %lt3A_163, %broadcast_in_dim3A_166, %broadcast_in_dim3A_167 : vector<16xi1>, vector<16xi32>
            %while3A_169 = scf.while (%while3A_180 = %select_n3A_168) : (vector<16xi32>) -> vector<16xi32> {
              %reduce_max3A_181 = arith.constant true
              %reduce_max3A_182 = vector.broadcast %reduce_max3A_181 : i1 to vector<16xi1>
              %reduce_max3A_183 = arith.constant -2147483648 : i32
              %reduce_max3A_184 = vector.broadcast %reduce_max3A_183 : i32 to vector<16xi32>
              %reduce_max3A_185 = arith.xori %while3A_180, %reduce_max3A_184 : vector<16xi32>
              %reduce_max3A_186 = tpu.scan <max>, %reduce_max3A_185 masked %reduce_max3A_182 : vector<16xi32>, vector<16xi1> -> vector<16xi32>
              %reduce_max3A_187 = arith.xori %reduce_max3A_186, %reduce_max3A_184 : vector<16xi32>
              %reduce_max3A_188 = vector.extract %reduce_max3A_187[15] : i32 from vector<16xi32>
              %gt3A_189 = arith.constant 0 : i32
              %gt3A_190 = arith.cmpi sgt, %reduce_max3A_188, %gt3A_189 : i32
              scf.condition(%gt3A_190) %while3A_180 : vector<16xi32>
            } do {
            ^bb0(%while3A_180: vector<16xi32>):
              %gt3A_181 = arith.constant 0 : i32
              %gt3A_182 = vector.broadcast %gt3A_181 : i32 to vector<16xi32>
              %gt3A_183 = arith.cmpi sgt, %while3A_180, %gt3A_182 : vector<16xi32>
              tpu.vector_store_idx %arg10[%get3A_161], %get3A_153 masked %gt3A_183 : memref<6400xf32, #tpu.memory_space<vmem>>[vector<16xi32>], vector<16xf32>, vector<16xi1>
              %gather3A_184 = tpu.vector_load_idx %arg10[%get3A_161] : memref<6400xf32, #tpu.memory_space<vmem>>[vector<16xi32>], vector<16xf32>,
              %lt3A_185 = arith.cmpf olt, %gather3A_184, %get3A_153 : vector<16xf32>
              %jit3A_186 = arith.constant 1 : i32
              %jit3A_187 = arith.constant 0 : i32
              %broadcast_in_dim3A_188 = vector.broadcast %jit3A_186 : i32 to vector<16xi32>
              %broadcast_in_dim3A_189 = vector.broadcast %jit3A_187 : i32 to vector<16xi32>
              %select_n3A_190 = arith.select %lt3A_185, %broadcast_in_dim3A_188, %broadcast_in_dim3A_189 : vector<16xi1>, vector<16xi32>
              scf.yield %select_n3A_190 : vector<16xi32>
            }
            %get3A_170 = arith.index_cast %mul3A_152 : i32 to index
            %get3A_171 = tpu.vector_load %arg17[%get3A_170] {strides = array<i32>} : memref<2048xi32, #tpu.memory_space<vmem>>, vector<16xi32>,
            %gather3A_172 = tpu.vector_load_idx %arg11[%get3A_171] : memref<6400xf32, #tpu.memory_space<vmem>>[vector<16xi32>], vector<16xf32>,
            %lt3A_173 = arith.cmpf olt, %gather3A_172, %get3A_153 : vector<16xf32>
            %jit3A_174 = arith.constant 1 : i32
            %jit3A_175 = arith.constant 0 : i32
            %broadcast_in_dim3A_176 = vector.broadcast %jit3A_174 : i32 to vector<16xi32>
            %broadcast_in_dim3A_177 = vector.broadcast %jit3A_175 : i32 to vector<16xi32>
            %select_n3A_178 = arith.select %lt3A_173, %broadcast_in_dim3A_176, %broadcast_in_dim3A_177 : vector<16xi1>, vector<16xi32>
            %while3A_179 = scf.while (%while3A_180 = %select_n3A_178) : (vector<16xi32>) -> vector<16xi32> {
              %reduce_max3A_181 = arith.constant true
              %reduce_max3A_182 = vector.broadcast %reduce_max3A_181 : i1 to vector<16xi1>
              %reduce_max3A_183 = arith.constant -2147483648 : i32
              %reduce_max3A_184 = vector.broadcast %reduce_max3A_183 : i32 to vector<16xi32>
              %reduce_max3A_185 = arith.xori %while3A_180, %reduce_max3A_184 : vector<16xi32>
              %reduce_max3A_186 = tpu.scan <max>, %reduce_max3A_185 masked %reduce_max3A_182 : vector<16xi32>, vector<16xi1> -> vector<16xi32>
              %reduce_max3A_187 = arith.xori %reduce_max3A_186, %reduce_max3A_184 : vector<16xi32>
              %reduce_max3A_188 = vector.extract %reduce_max3A_187[15] : i32 from vector<16xi32>
              %gt3A_189 = arith.constant 0 : i32
              %gt3A_190 = arith.cmpi sgt, %reduce_max3A_188, %gt3A_189 : i32
              scf.condition(%gt3A_190) %while3A_180 : vector<16xi32>
            } do {
            ^bb0(%while3A_180: vector<16xi32>):
              %gt3A_181 = arith.constant 0 : i32
              %gt3A_182 = vector.broadcast %gt3A_181 : i32 to vector<16xi32>
              %gt3A_183 = arith.cmpi sgt, %while3A_180, %gt3A_182 : vector<16xi32>
              tpu.vector_store_idx %arg11[%get3A_171], %get3A_153 masked %gt3A_183 : memref<6400xf32, #tpu.memory_space<vmem>>[vector<16xi32>], vector<16xf32>, vector<16xi1>
              %gather3A_184 = tpu.vector_load_idx %arg11[%get3A_171] : memref<6400xf32, #tpu.memory_space<vmem>>[vector<16xi32>], vector<16xf32>,
              %lt3A_185 = arith.cmpf olt, %gather3A_184, %get3A_153 : vector<16xf32>
              %jit3A_186 = arith.constant 1 : i32
              %jit3A_187 = arith.constant 0 : i32
              %broadcast_in_dim3A_188 = vector.broadcast %jit3A_186 : i32 to vector<16xi32>
              %broadcast_in_dim3A_189 = vector.broadcast %jit3A_187 : i32 to vector<16xi32>
              %select_n3A_190 = arith.select %lt3A_185, %broadcast_in_dim3A_188, %broadcast_in_dim3A_189 : vector<16xi1>, vector<16xi32>
              scf.yield %select_n3A_190 : vector<16xi32>
            }
          }
          %scan3A_149 = arith.constant 128 : i32
        } else {
        }
      }
      %scan3A_55 = arith.constant 16 : i32
      %mul3A_56 = arith.constant 81920 : i32
      %mul3A_57 = arith.muli %add3A_9, %mul3A_56 : i32
      "tpu.region"() ({
        %run_scoped3A = tpu.sem_alloc : memref<!tpu.dma_semaphore, #tpu.memory_space<semaphore_mem>>
        %dma_start3A_62 = tpu.memref_slice %arg6[%mul3A_57] : memref<10485760xf32, #tpu.memory_space<hbm>> -> memref<81920xf32, #tpu.memory_space<hbm>>
        %dma_start3A_63 = tpu.memref_slice %arg6[%mul3A_57] : memref<10485760xf32, #tpu.memory_space<hbm>> -> memref<81920xf32, #tpu.memory_space<hbm>>
        tpu.enqueue_dma source(%arg9 : memref<81920xf32, #tpu.memory_space<vmem>>) target(%dma_start3A_63 : memref<81920xf32, #tpu.memory_space<hbm>>) target_semaphore(%run_scoped3A : memref<!tpu.dma_semaphore, #tpu.memory_space<semaphore_mem>>)
        %dma_wait3A = tpu.memref_slice %arg6[%mul3A_57] : memref<10485760xf32, #tpu.memory_space<hbm>> -> memref<81920xf32, #tpu.memory_space<hbm>>
        %dma_wait3A_64 = tpu.memref_slice %arg6[%mul3A_57] : memref<10485760xf32, #tpu.memory_space<hbm>> -> memref<81920xf32, #tpu.memory_space<hbm>>
        tpu.wait_dma2 semaphore(%run_scoped3A : memref<!tpu.dma_semaphore, #tpu.memory_space<semaphore_mem>>) src(%arg9 : memref<81920xf32, #tpu.memory_space<vmem>>) dst(%dma_wait3A_64 : memref<81920xf32, #tpu.memory_space<hbm>>)
        tpu.yield
      }) : () -> ()
      %mul3A_58 = arith.constant 6400 : i32
      %mul3A_59 = arith.muli %add3A_9, %mul3A_58 : i32
      "tpu.region"() ({
        %run_scoped3A = tpu.sem_alloc : memref<!tpu.dma_semaphore, #tpu.memory_space<semaphore_mem>>
        %dma_start3A_62 = tpu.memref_slice %arg7[%mul3A_59] : memref<819200xf32, #tpu.memory_space<hbm>> -> memref<6400xf32, #tpu.memory_space<hbm>>
        %dma_start3A_63 = tpu.memref_slice %arg7[%mul3A_59] : memref<819200xf32, #tpu.memory_space<hbm>> -> memref<6400xf32, #tpu.memory_space<hbm>>
        tpu.enqueue_dma source(%arg10 : memref<6400xf32, #tpu.memory_space<vmem>>) target(%dma_start3A_63 : memref<6400xf32, #tpu.memory_space<hbm>>) target_semaphore(%run_scoped3A : memref<!tpu.dma_semaphore, #tpu.memory_space<semaphore_mem>>)
        %dma_wait3A = tpu.memref_slice %arg7[%mul3A_59] : memref<819200xf32, #tpu.memory_space<hbm>> -> memref<6400xf32, #tpu.memory_space<hbm>>
        %dma_wait3A_64 = tpu.memref_slice %arg7[%mul3A_59] : memref<819200xf32, #tpu.memory_space<hbm>> -> memref<6400xf32, #tpu.memory_space<hbm>>
        tpu.wait_dma2 semaphore(%run_scoped3A : memref<!tpu.dma_semaphore, #tpu.memory_space<semaphore_mem>>) src(%arg10 : memref<6400xf32, #tpu.memory_space<vmem>>) dst(%dma_wait3A_64 : memref<6400xf32, #tpu.memory_space<hbm>>)
        tpu.yield
      }) : () -> ()
      %mul3A_60 = arith.constant 6400 : i32
      %mul3A_61 = arith.muli %add3A_9, %mul3A_60 : i32
      "tpu.region"() ({
        %run_scoped3A = tpu.sem_alloc : memref<!tpu.dma_semaphore, #tpu.memory_space<semaphore_mem>>
        %dma_start3A_62 = tpu.memref_slice %arg8[%mul3A_61] : memref<819200xf32, #tpu.memory_space<hbm>> -> memref<6400xf32, #tpu.memory_space<hbm>>
        %dma_start3A_63 = tpu.memref_slice %arg8[%mul3A_61] : memref<819200xf32, #tpu.memory_space<hbm>> -> memref<6400xf32, #tpu.memory_space<hbm>>
        tpu.enqueue_dma source(%arg11 : memref<6400xf32, #tpu.memory_space<vmem>>) target(%dma_start3A_63 : memref<6400xf32, #tpu.memory_space<hbm>>) target_semaphore(%run_scoped3A : memref<!tpu.dma_semaphore, #tpu.memory_space<semaphore_mem>>)
        %dma_wait3A = tpu.memref_slice %arg8[%mul3A_61] : memref<819200xf32, #tpu.memory_space<hbm>> -> memref<6400xf32, #tpu.memory_space<hbm>>
        %dma_wait3A_64 = tpu.memref_slice %arg8[%mul3A_61] : memref<819200xf32, #tpu.memory_space<hbm>> -> memref<6400xf32, #tpu.memory_space<hbm>>
        tpu.wait_dma2 semaphore(%run_scoped3A : memref<!tpu.dma_semaphore, #tpu.memory_space<semaphore_mem>>) src(%arg11 : memref<6400xf32, #tpu.memory_space<vmem>>) dst(%dma_wait3A_64 : memref<6400xf32, #tpu.memory_space<hbm>>)
        tpu.yield
      }) : () -> ()
    }
    %scan3A_5 = arith.constant 4 : i32
    return
  }
}

module attributes {stable_mosaic.version = 14 : i64} {
  func.func @_moments_body(%arg0: i32, %arg1: memref<8192x8xf32, #tpu.memory_space<vmem>>, %arg2: memref<1x8xf32, #tpu.memory_space<vmem>>, %arg3: memref<8x8xf32, #tpu.memory_space<vmem>>, %arg4: memref<1x8xf32, #tpu.memory_space<vmem>>, %arg5: memref<8x8xf32, #tpu.memory_space<vmem>>) attributes {dimension_semantics = [#tpu.dimension_semantics<arbitrary>], iteration_bounds = array<i64: 8>, scalar_prefetch = 0 : i64, scratch_operands = 2 : i64, tpu.core_type = #tpu.core_type<tc>, window_params = [{transform_indices = @transform_0, window_bounds = array<i64: 8192, 8>}, {pipeline_mode = #tpu.pipeline_mode<synchronous>, transform_indices = @transform_1, window_bounds = array<i64: 1, 8>}, {pipeline_mode = #tpu.pipeline_mode<synchronous>, transform_indices = @transform_2, window_bounds = array<i64: 8, 8>}]} {
    %get3A = arith.constant 0 : index
    %get3A_0 = arith.constant 0 : index
    %get3A_1 = vector.load %arg1[%get3A, %get3A_0] : memref<8192x8xf32, #tpu.memory_space<vmem>>, vector<8192x8xf32>
    %eq3A = arith.constant 0 : i32
    %eq3A_2 = arith.cmpi eq, %arg0, %eq3A : i32
    %convert_element_type3A = arith.extui %eq3A_2 : i1 to i32
    %cond3A = arith.constant 0 : i32
    %cond3A_3 = arith.cmpi ne, %convert_element_type3A, %cond3A : i32
    scf.if %cond3A_3 {
      %broadcast_in_dim3A_23 = arith.constant 0.000000e+00 : f32
      %broadcast_in_dim3A_24 = vector.broadcast %broadcast_in_dim3A_23 : f32 to vector<1x8xf32>
      %swap3A_25 = arith.constant 0 : index
      %swap3A_26 = arith.constant 0 : index
      %swap3A_27 = vector.load %arg4[%swap3A_25, %swap3A_26] : memref<1x8xf32, #tpu.memory_space<vmem>>, vector<1x8xf32>
      tpu.vector_store %arg4[%swap3A_25, %swap3A_26], %broadcast_in_dim3A_24 {strides = array<i32>} : memref<1x8xf32, #tpu.memory_space<vmem>>, vector<1x8xf32>,
      %broadcast_in_dim3A_28 = arith.constant 0.000000e+00 : f32
      %broadcast_in_dim3A_29 = vector.broadcast %broadcast_in_dim3A_28 : f32 to vector<8x8xf32>
      %swap3A_30 = arith.constant 0 : index
      %swap3A_31 = arith.constant 0 : index
      %swap3A_32 = vector.load %arg5[%swap3A_30, %swap3A_31] : memref<8x8xf32, #tpu.memory_space<vmem>>, vector<8x8xf32>
      tpu.vector_store %arg5[%swap3A_30, %swap3A_31], %broadcast_in_dim3A_29 {strides = array<i32>} : memref<8x8xf32, #tpu.memory_space<vmem>>, vector<8x8xf32>,
    } else {
    }
    %get3A_4 = arith.constant 0 : index
    %get3A_5 = arith.constant 0 : index
    %get3A_6 = vector.load %arg4[%get3A_4, %get3A_5] : memref<1x8xf32, #tpu.memory_space<vmem>>, vector<1x8xf32>
    %reduce_sum3A = arith.constant dense<0.000000e+00> : vector<8xf32>
    %reduce_sum3A_7 = vector.multi_reduction <add>, %get3A_1, %reduce_sum3A [0] : vector<8192x8xf32> to vector<8xf32>
    %broadcast_in_dim3A = vector.shape_cast %reduce_sum3A_7 : vector<8xf32> to vector<1x8xf32>
    %add3A = arith.addf %get3A_6, %broadcast_in_dim3A : vector<1x8xf32>
    %swap3A = arith.constant 0 : index
    %swap3A_8 = arith.constant 0 : index
    %swap3A_9 = vector.load %arg4[%swap3A, %swap3A_8] : memref<1x8xf32, #tpu.memory_space<vmem>>, vector<1x8xf32>
    tpu.vector_store %arg4[%swap3A, %swap3A_8], %add3A {strides = array<i32>} : memref<1x8xf32, #tpu.memory_space<vmem>>, vector<1x8xf32>,
    %get3A_10 = arith.constant 0 : index
    %get3A_11 = arith.constant 0 : index
    %get3A_12 = vector.load %arg5[%get3A_10, %get3A_11] : memref<8x8xf32, #tpu.memory_space<vmem>>, vector<8x8xf32>
    %dot_general3A = arith.constant dense<0.000000e+00> : vector<8x8xf32>
    %dot_general3A_13 = tpu.matmul %get3A_1, %get3A_1, %dot_general3A {dimension_numbers = #tpu.dot_dimension_numbers<[0], [0], [1], [1], [0, 1, 1, 1], [], []>, transpose_lhs_hint = false} : vector<8192x8xf32>, vector<8192x8xf32>, vector<8x8xf32> -> vector<8x8xf32>
    %add3A_14 = arith.addf %get3A_12, %dot_general3A_13 : vector<8x8xf32>
    %swap3A_15 = arith.constant 0 : index
    %swap3A_16 = arith.constant 0 : index
    %swap3A_17 = vector.load %arg5[%swap3A_15, %swap3A_16] : memref<8x8xf32, #tpu.memory_space<vmem>>, vector<8x8xf32>
    tpu.vector_store %arg5[%swap3A_15, %swap3A_16], %add3A_14 {strides = array<i32>} : memref<8x8xf32, #tpu.memory_space<vmem>>, vector<8x8xf32>,
    %eq3A_18 = arith.constant 7 : i32
    %eq3A_19 = arith.cmpi eq, %arg0, %eq3A_18 : i32
    %convert_element_type3A_20 = arith.extui %eq3A_19 : i1 to i32
    %cond3A_21 = arith.constant 0 : i32
    %cond3A_22 = arith.cmpi ne, %convert_element_type3A_20, %cond3A_21 : i32
    scf.if %cond3A_22 {
      %get3A_23 = arith.constant 0 : index
      %get3A_24 = arith.constant 0 : index
      %get3A_25 = vector.load %arg4[%get3A_23, %get3A_24] : memref<1x8xf32, #tpu.memory_space<vmem>>, vector<1x8xf32>
      %swap3A_26 = arith.constant 0 : index
      %swap3A_27 = arith.constant 0 : index
      %swap3A_28 = vector.load %arg2[%swap3A_26, %swap3A_27] : memref<1x8xf32, #tpu.memory_space<vmem>>, vector<1x8xf32>
      tpu.vector_store %arg2[%swap3A_26, %swap3A_27], %get3A_25 {strides = array<i32>} : memref<1x8xf32, #tpu.memory_space<vmem>>, vector<1x8xf32>,
      %get3A_29 = arith.constant 0 : index
      %get3A_30 = arith.constant 0 : index
      %get3A_31 = vector.load %arg5[%get3A_29, %get3A_30] : memref<8x8xf32, #tpu.memory_space<vmem>>, vector<8x8xf32>
      %swap3A_32 = arith.constant 0 : index
      %swap3A_33 = arith.constant 0 : index
      %swap3A_34 = vector.load %arg3[%swap3A_32, %swap3A_33] : memref<8x8xf32, #tpu.memory_space<vmem>>, vector<8x8xf32>
      tpu.vector_store %arg3[%swap3A_32, %swap3A_33], %get3A_31 {strides = array<i32>} : memref<8x8xf32, #tpu.memory_space<vmem>>, vector<8x8xf32>,
    } else {
    }
    return
  }
  func.func @transform_0(%arg0: i32) -> (i32, i32) {
    %c0_i32 = arith.constant 0 : i32
    %c0_i32_0 = arith.constant 0 : i32
    return %arg0, %c0_i32 : i32, i32
  }
  func.func @transform_1(%arg0: i32) -> (i32, i32) {
    %c0_i32 = arith.constant 0 : i32
    %c0_i32_0 = arith.constant 0 : i32
    %c0_i32_1 = arith.constant 0 : i32
    return %c0_i32, %c0_i32_0 : i32, i32
  }
  func.func @transform_2(%arg0: i32) -> (i32, i32) {
    %c0_i32 = arith.constant 0 : i32
    %c0_i32_0 = arith.constant 0 : i32
    %c0_i32_1 = arith.constant 0 : i32
    return %c0_i32, %c0_i32_0 : i32, i32
  }
}

module attributes {stable_mosaic.version = 14 : i64} {
  func.func @_mlp1_moments_body(%arg0: i32, %arg1: memref<8192x8xf32, #tpu.memory_space<vmem>>, %arg2: memref<8x64xf32, #tpu.memory_space<vmem>>, %arg3: memref<1x64xf32, #tpu.memory_space<vmem>>, %arg4: memref<1x64xf32, #tpu.memory_space<vmem>>, %arg5: memref<64x64xf32, #tpu.memory_space<vmem>>, %arg6: memref<1x64xf32, #tpu.memory_space<vmem>>, %arg7: memref<64x64xf32, #tpu.memory_space<vmem>>) attributes {dimension_semantics = [#tpu.dimension_semantics<arbitrary>], iteration_bounds = array<i64: 8>, scalar_prefetch = 0 : i64, scratch_operands = 2 : i64, tpu.core_type = #tpu.core_type<tc>, window_params = [{transform_indices = @transform_0, window_bounds = array<i64: 8192, 8>}, {pipeline_mode = #tpu.pipeline_mode<synchronous>, transform_indices = @transform_1, window_bounds = array<i64: 8, 64>}, {pipeline_mode = #tpu.pipeline_mode<synchronous>, transform_indices = @transform_2, window_bounds = array<i64: 1, 64>}, {pipeline_mode = #tpu.pipeline_mode<synchronous>, transform_indices = @transform_3, window_bounds = array<i64: 1, 64>}, {pipeline_mode = #tpu.pipeline_mode<synchronous>, transform_indices = @transform_4, window_bounds = array<i64: 64, 64>}]} {
    %get3A = arith.constant 0 : index
    %get3A_0 = arith.constant 0 : index
    %get3A_1 = vector.load %arg1[%get3A, %get3A_0] : memref<8192x8xf32, #tpu.memory_space<vmem>>, vector<8192x8xf32>
    %get3A_2 = arith.constant 0 : index
    %get3A_3 = arith.constant 0 : index
    %get3A_4 = vector.load %arg2[%get3A_2, %get3A_3] : memref<8x64xf32, #tpu.memory_space<vmem>>, vector<8x64xf32>
    %dot_general3A = arith.constant dense<0.000000e+00> : vector<8192x64xf32>
    %dot_general3A_5 = tpu.matmul %get3A_1, %get3A_4, %dot_general3A {dimension_numbers = #tpu.dot_dimension_numbers<[1], [0], [0], [1], [0, 0, 1, 1], [], []>, transpose_lhs_hint = false} : vector<8192x8xf32>, vector<8x64xf32>, vector<8192x64xf32> -> vector<8192x64xf32>
    %get3A_6 = arith.constant 0 : index
    %get3A_7 = arith.constant 0 : index
    %get3A_8 = vector.load %arg3[%get3A_6, %get3A_7] : memref<1x64xf32, #tpu.memory_space<vmem>>, vector<1x64xf32>
    %add3A = vector.broadcast %get3A_8 : vector<1x64xf32> to vector<8192x64xf32>
    %add3A_9 = arith.addf %dot_general3A_5, %add3A : vector<8192x64xf32>
    %max3A = arith.constant 0.000000e+00 : f32
    %max3A_10 = vector.broadcast %max3A : f32 to vector<8192x64xf32>
    %max3A_11 = arith.maximumf %add3A_9, %max3A_10 : vector<8192x64xf32>
    %eq3A = arith.constant 0 : i32
    %eq3A_12 = arith.cmpi eq, %arg0, %eq3A : i32
    %convert_element_type3A = arith.extui %eq3A_12 : i1 to i32
    %cond3A = arith.constant 0 : i32
    %cond3A_13 = arith.cmpi ne, %convert_element_type3A, %cond3A : i32
    scf.if %cond3A_13 {
      %broadcast_in_dim3A_35 = arith.constant 0.000000e+00 : f32
      %broadcast_in_dim3A_36 = vector.broadcast %broadcast_in_dim3A_35 : f32 to vector<1x64xf32>
      %swap3A_37 = arith.constant 0 : index
      %swap3A_38 = arith.constant 0 : index
      %swap3A_39 = vector.load %arg6[%swap3A_37, %swap3A_38] : memref<1x64xf32, #tpu.memory_space<vmem>>, vector<1x64xf32>
      tpu.vector_store %arg6[%swap3A_37, %swap3A_38], %broadcast_in_dim3A_36 {strides = array<i32>} : memref<1x64xf32, #tpu.memory_space<vmem>>, vector<1x64xf32>,
      %broadcast_in_dim3A_40 = arith.constant 0.000000e+00 : f32
      %broadcast_in_dim3A_41 = vector.broadcast %broadcast_in_dim3A_40 : f32 to vector<64x64xf32>
      %swap3A_42 = arith.constant 0 : index
      %swap3A_43 = arith.constant 0 : index
      %swap3A_44 = vector.load %arg7[%swap3A_42, %swap3A_43] : memref<64x64xf32, #tpu.memory_space<vmem>>, vector<64x64xf32>
      tpu.vector_store %arg7[%swap3A_42, %swap3A_43], %broadcast_in_dim3A_41 {strides = array<i32>} : memref<64x64xf32, #tpu.memory_space<vmem>>, vector<64x64xf32>,
    } else {
    }
    %get3A_14 = arith.constant 0 : index
    %get3A_15 = arith.constant 0 : index
    %get3A_16 = vector.load %arg6[%get3A_14, %get3A_15] : memref<1x64xf32, #tpu.memory_space<vmem>>, vector<1x64xf32>
    %reduce_sum3A = arith.constant dense<0.000000e+00> : vector<64xf32>
    %reduce_sum3A_17 = vector.multi_reduction <add>, %max3A_11, %reduce_sum3A [0] : vector<8192x64xf32> to vector<64xf32>
    %broadcast_in_dim3A = vector.shape_cast %reduce_sum3A_17 : vector<64xf32> to vector<1x64xf32>
    %add3A_18 = arith.addf %get3A_16, %broadcast_in_dim3A : vector<1x64xf32>
    %swap3A = arith.constant 0 : index
    %swap3A_19 = arith.constant 0 : index
    %swap3A_20 = vector.load %arg6[%swap3A, %swap3A_19] : memref<1x64xf32, #tpu.memory_space<vmem>>, vector<1x64xf32>
    tpu.vector_store %arg6[%swap3A, %swap3A_19], %add3A_18 {strides = array<i32>} : memref<1x64xf32, #tpu.memory_space<vmem>>, vector<1x64xf32>,
    %get3A_21 = arith.constant 0 : index
    %get3A_22 = arith.constant 0 : index
    %get3A_23 = vector.load %arg7[%get3A_21, %get3A_22] : memref<64x64xf32, #tpu.memory_space<vmem>>, vector<64x64xf32>
    %dot_general3A_24 = arith.constant dense<0.000000e+00> : vector<64x64xf32>
    %dot_general3A_25 = tpu.matmul %max3A_11, %max3A_11, %dot_general3A_24 {dimension_numbers = #tpu.dot_dimension_numbers<[0], [0], [1], [1], [0, 1, 1, 1], [], []>, transpose_lhs_hint = false} : vector<8192x64xf32>, vector<8192x64xf32>, vector<64x64xf32> -> vector<64x64xf32>
    %add3A_26 = arith.addf %get3A_23, %dot_general3A_25 : vector<64x64xf32>
    %swap3A_27 = arith.constant 0 : index
    %swap3A_28 = arith.constant 0 : index
    %swap3A_29 = vector.load %arg7[%swap3A_27, %swap3A_28] : memref<64x64xf32, #tpu.memory_space<vmem>>, vector<64x64xf32>
    tpu.vector_store %arg7[%swap3A_27, %swap3A_28], %add3A_26 {strides = array<i32>} : memref<64x64xf32, #tpu.memory_space<vmem>>, vector<64x64xf32>,
    %eq3A_30 = arith.constant 7 : i32
    %eq3A_31 = arith.cmpi eq, %arg0, %eq3A_30 : i32
    %convert_element_type3A_32 = arith.extui %eq3A_31 : i1 to i32
    %cond3A_33 = arith.constant 0 : i32
    %cond3A_34 = arith.cmpi ne, %convert_element_type3A_32, %cond3A_33 : i32
    scf.if %cond3A_34 {
      %get3A_35 = arith.constant 0 : index
      %get3A_36 = arith.constant 0 : index
      %get3A_37 = vector.load %arg6[%get3A_35, %get3A_36] : memref<1x64xf32, #tpu.memory_space<vmem>>, vector<1x64xf32>
      %swap3A_38 = arith.constant 0 : index
      %swap3A_39 = arith.constant 0 : index
      %swap3A_40 = vector.load %arg4[%swap3A_38, %swap3A_39] : memref<1x64xf32, #tpu.memory_space<vmem>>, vector<1x64xf32>
      tpu.vector_store %arg4[%swap3A_38, %swap3A_39], %get3A_37 {strides = array<i32>} : memref<1x64xf32, #tpu.memory_space<vmem>>, vector<1x64xf32>,
      %get3A_41 = arith.constant 0 : index
      %get3A_42 = arith.constant 0 : index
      %get3A_43 = vector.load %arg7[%get3A_41, %get3A_42] : memref<64x64xf32, #tpu.memory_space<vmem>>, vector<64x64xf32>
      %swap3A_44 = arith.constant 0 : index
      %swap3A_45 = arith.constant 0 : index
      %swap3A_46 = vector.load %arg5[%swap3A_44, %swap3A_45] : memref<64x64xf32, #tpu.memory_space<vmem>>, vector<64x64xf32>
      tpu.vector_store %arg5[%swap3A_44, %swap3A_45], %get3A_43 {strides = array<i32>} : memref<64x64xf32, #tpu.memory_space<vmem>>, vector<64x64xf32>,
    } else {
    }
    return
  }
  func.func @transform_0(%arg0: i32) -> (i32, i32) {
    %c0_i32 = arith.constant 0 : i32
    %c0_i32_0 = arith.constant 0 : i32
    return %arg0, %c0_i32 : i32, i32
  }
  func.func @transform_1(%arg0: i32) -> (i32, i32) {
    %c0_i32 = arith.constant 0 : i32
    %c0_i32_0 = arith.constant 0 : i32
    %c0_i32_1 = arith.constant 0 : i32
    return %c0_i32, %c0_i32_0 : i32, i32
  }
  func.func @transform_2(%arg0: i32) -> (i32, i32) {
    %c0_i32 = arith.constant 0 : i32
    %c0_i32_0 = arith.constant 0 : i32
    %c0_i32_1 = arith.constant 0 : i32
    return %c0_i32, %c0_i32_0 : i32, i32
  }
  func.func @transform_3(%arg0: i32) -> (i32, i32) {
    %c0_i32 = arith.constant 0 : i32
    %c0_i32_0 = arith.constant 0 : i32
    %c0_i32_1 = arith.constant 0 : i32
    return %c0_i32, %c0_i32_0 : i32, i32
  }
  func.func @transform_4(%arg0: i32) -> (i32, i32) {
    %c0_i32 = arith.constant 0 : i32
    %c0_i32_0 = arith.constant 0 : i32
    %c0_i32_1 = arith.constant 0 : i32
    return %c0_i32, %c0_i32_0 : i32, i32
  }
}

module attributes {stable_mosaic.version = 14 : i64} {
  func.func @_mlp2_moments_body(%arg0: i32, %arg1: memref<8192x8xf32, #tpu.memory_space<vmem>>, %arg2: memref<8x64xf32, #tpu.memory_space<vmem>>, %arg3: memref<1x64xf32, #tpu.memory_space<vmem>>, %arg4: memref<64x128xf32, #tpu.memory_space<vmem>>, %arg5: memref<1x128xf32, #tpu.memory_space<vmem>>, %arg6: memref<1x128xf32, #tpu.memory_space<vmem>>, %arg7: memref<128x128xf32, #tpu.memory_space<vmem>>, %arg8: memref<1x128xf32, #tpu.memory_space<vmem>>, %arg9: memref<128x128xf32, #tpu.memory_space<vmem>>) attributes {dimension_semantics = [#tpu.dimension_semantics<arbitrary>], iteration_bounds = array<i64: 8>, scalar_prefetch = 0 : i64, scratch_operands = 2 : i64, tpu.core_type = #tpu.core_type<tc>, window_params = [{transform_indices = @transform_0, window_bounds = array<i64: 8192, 8>}, {pipeline_mode = #tpu.pipeline_mode<synchronous>, transform_indices = @transform_1, window_bounds = array<i64: 8, 64>}, {pipeline_mode = #tpu.pipeline_mode<synchronous>, transform_indices = @transform_2, window_bounds = array<i64: 1, 64>}, {pipeline_mode = #tpu.pipeline_mode<synchronous>, transform_indices = @transform_3, window_bounds = array<i64: 64, 128>}, {pipeline_mode = #tpu.pipeline_mode<synchronous>, transform_indices = @transform_4, window_bounds = array<i64: 1, 128>}, {pipeline_mode = #tpu.pipeline_mode<synchronous>, transform_indices = @transform_5, window_bounds = array<i64: 1, 128>}, {pipeline_mode = #tpu.pipeline_mode<synchronous>, transform_indices = @transform_6, window_bounds = array<i64: 128, 128>}]} {
    %get3A = arith.constant 0 : index
    %get3A_0 = arith.constant 0 : index
    %get3A_1 = vector.load %arg1[%get3A, %get3A_0] : memref<8192x8xf32, #tpu.memory_space<vmem>>, vector<8192x8xf32>
    %get3A_2 = arith.constant 0 : index
    %get3A_3 = arith.constant 0 : index
    %get3A_4 = vector.load %arg2[%get3A_2, %get3A_3] : memref<8x64xf32, #tpu.memory_space<vmem>>, vector<8x64xf32>
    %dot_general3A = arith.constant dense<0.000000e+00> : vector<8192x64xf32>
    %dot_general3A_5 = tpu.matmul %get3A_1, %get3A_4, %dot_general3A {dimension_numbers = #tpu.dot_dimension_numbers<[1], [0], [0], [1], [0, 0, 1, 1], [], []>, transpose_lhs_hint = false} : vector<8192x8xf32>, vector<8x64xf32>, vector<8192x64xf32> -> vector<8192x64xf32>
    %get3A_6 = arith.constant 0 : index
    %get3A_7 = arith.constant 0 : index
    %get3A_8 = vector.load %arg3[%get3A_6, %get3A_7] : memref<1x64xf32, #tpu.memory_space<vmem>>, vector<1x64xf32>
    %add3A = vector.broadcast %get3A_8 : vector<1x64xf32> to vector<8192x64xf32>
    %add3A_9 = arith.addf %dot_general3A_5, %add3A : vector<8192x64xf32>
    %max3A = arith.constant 0.000000e+00 : f32
    %max3A_10 = vector.broadcast %max3A : f32 to vector<8192x64xf32>
    %max3A_11 = arith.maximumf %add3A_9, %max3A_10 : vector<8192x64xf32>
    %get3A_12 = arith.constant 0 : index
    %get3A_13 = arith.constant 0 : index
    %get3A_14 = vector.load %arg4[%get3A_12, %get3A_13] : memref<64x128xf32, #tpu.memory_space<vmem>>, vector<64x128xf32>
    %dot_general3A_15 = arith.constant dense<0.000000e+00> : vector<8192x128xf32>
    %dot_general3A_16 = tpu.matmul %max3A_11, %get3A_14, %dot_general3A_15 {dimension_numbers = #tpu.dot_dimension_numbers<[1], [0], [0], [1], [0, 0, 1, 1], [], []>, transpose_lhs_hint = false} : vector<8192x64xf32>, vector<64x128xf32>, vector<8192x128xf32> -> vector<8192x128xf32>
    %get3A_17 = arith.constant 0 : index
    %get3A_18 = arith.constant 0 : index
    %get3A_19 = vector.load %arg5[%get3A_17, %get3A_18] : memref<1x128xf32, #tpu.memory_space<vmem>>, vector<1x128xf32>
    %add3A_20 = vector.broadcast %get3A_19 : vector<1x128xf32> to vector<8192x128xf32>
    %add3A_21 = arith.addf %dot_general3A_16, %add3A_20 : vector<8192x128xf32>
    %max3A_22 = arith.constant 0.000000e+00 : f32
    %max3A_23 = vector.broadcast %max3A_22 : f32 to vector<8192x128xf32>
    %max3A_24 = arith.maximumf %add3A_21, %max3A_23 : vector<8192x128xf32>
    %eq3A = arith.constant 0 : i32
    %eq3A_25 = arith.cmpi eq, %arg0, %eq3A : i32
    %convert_element_type3A = arith.extui %eq3A_25 : i1 to i32
    %cond3A = arith.constant 0 : i32
    %cond3A_26 = arith.cmpi ne, %convert_element_type3A, %cond3A : i32
    scf.if %cond3A_26 {
      %broadcast_in_dim3A_48 = arith.constant 0.000000e+00 : f32
      %broadcast_in_dim3A_49 = vector.broadcast %broadcast_in_dim3A_48 : f32 to vector<1x128xf32>
      %swap3A_50 = arith.constant 0 : index
      %swap3A_51 = arith.constant 0 : index
      %swap3A_52 = vector.load %arg8[%swap3A_50, %swap3A_51] : memref<1x128xf32, #tpu.memory_space<vmem>>, vector<1x128xf32>
      tpu.vector_store %arg8[%swap3A_50, %swap3A_51], %broadcast_in_dim3A_49 {strides = array<i32>} : memref<1x128xf32, #tpu.memory_space<vmem>>, vector<1x128xf32>,
      %broadcast_in_dim3A_53 = arith.constant 0.000000e+00 : f32
      %broadcast_in_dim3A_54 = vector.broadcast %broadcast_in_dim3A_53 : f32 to vector<128x128xf32>
      %swap3A_55 = arith.constant 0 : index
      %swap3A_56 = arith.constant 0 : index
      %swap3A_57 = vector.load %arg9[%swap3A_55, %swap3A_56] : memref<128x128xf32, #tpu.memory_space<vmem>>, vector<128x128xf32>
      tpu.vector_store %arg9[%swap3A_55, %swap3A_56], %broadcast_in_dim3A_54 {strides = array<i32>} : memref<128x128xf32, #tpu.memory_space<vmem>>, vector<128x128xf32>,
    } else {
    }
    %get3A_27 = arith.constant 0 : index
    %get3A_28 = arith.constant 0 : index
    %get3A_29 = vector.load %arg8[%get3A_27, %get3A_28] : memref<1x128xf32, #tpu.memory_space<vmem>>, vector<1x128xf32>
    %reduce_sum3A = arith.constant dense<0.000000e+00> : vector<128xf32>
    %reduce_sum3A_30 = vector.multi_reduction <add>, %max3A_24, %reduce_sum3A [0] : vector<8192x128xf32> to vector<128xf32>
    %broadcast_in_dim3A = vector.shape_cast %reduce_sum3A_30 : vector<128xf32> to vector<1x128xf32>
    %add3A_31 = arith.addf %get3A_29, %broadcast_in_dim3A : vector<1x128xf32>
    %swap3A = arith.constant 0 : index
    %swap3A_32 = arith.constant 0 : index
    %swap3A_33 = vector.load %arg8[%swap3A, %swap3A_32] : memref<1x128xf32, #tpu.memory_space<vmem>>, vector<1x128xf32>
    tpu.vector_store %arg8[%swap3A, %swap3A_32], %add3A_31 {strides = array<i32>} : memref<1x128xf32, #tpu.memory_space<vmem>>, vector<1x128xf32>,
    %get3A_34 = arith.constant 0 : index
    %get3A_35 = arith.constant 0 : index
    %get3A_36 = vector.load %arg9[%get3A_34, %get3A_35] : memref<128x128xf32, #tpu.memory_space<vmem>>, vector<128x128xf32>
    %dot_general3A_37 = arith.constant dense<0.000000e+00> : vector<128x128xf32>
    %dot_general3A_38 = tpu.matmul %max3A_24, %max3A_24, %dot_general3A_37 {dimension_numbers = #tpu.dot_dimension_numbers<[0], [0], [1], [1], [0, 1, 1, 1], [], []>, transpose_lhs_hint = false} : vector<8192x128xf32>, vector<8192x128xf32>, vector<128x128xf32> -> vector<128x128xf32>
    %add3A_39 = arith.addf %get3A_36, %dot_general3A_38 : vector<128x128xf32>
    %swap3A_40 = arith.constant 0 : index
    %swap3A_41 = arith.constant 0 : index
    %swap3A_42 = vector.load %arg9[%swap3A_40, %swap3A_41] : memref<128x128xf32, #tpu.memory_space<vmem>>, vector<128x128xf32>
    tpu.vector_store %arg9[%swap3A_40, %swap3A_41], %add3A_39 {strides = array<i32>} : memref<128x128xf32, #tpu.memory_space<vmem>>, vector<128x128xf32>,
    %eq3A_43 = arith.constant 7 : i32
    %eq3A_44 = arith.cmpi eq, %arg0, %eq3A_43 : i32
    %convert_element_type3A_45 = arith.extui %eq3A_44 : i1 to i32
    %cond3A_46 = arith.constant 0 : i32
    %cond3A_47 = arith.cmpi ne, %convert_element_type3A_45, %cond3A_46 : i32
    scf.if %cond3A_47 {
      %get3A_48 = arith.constant 0 : index
      %get3A_49 = arith.constant 0 : index
      %get3A_50 = vector.load %arg8[%get3A_48, %get3A_49] : memref<1x128xf32, #tpu.memory_space<vmem>>, vector<1x128xf32>
      %swap3A_51 = arith.constant 0 : index
      %swap3A_52 = arith.constant 0 : index
      %swap3A_53 = vector.load %arg6[%swap3A_51, %swap3A_52] : memref<1x128xf32, #tpu.memory_space<vmem>>, vector<1x128xf32>
      tpu.vector_store %arg6[%swap3A_51, %swap3A_52], %get3A_50 {strides = array<i32>} : memref<1x128xf32, #tpu.memory_space<vmem>>, vector<1x128xf32>,
      %get3A_54 = arith.constant 0 : index
      %get3A_55 = arith.constant 0 : index
      %get3A_56 = vector.load %arg9[%get3A_54, %get3A_55] : memref<128x128xf32, #tpu.memory_space<vmem>>, vector<128x128xf32>
      %swap3A_57 = arith.constant 0 : index
      %swap3A_58 = arith.constant 0 : index
      %swap3A_59 = vector.load %arg7[%swap3A_57, %swap3A_58] : memref<128x128xf32, #tpu.memory_space<vmem>>, vector<128x128xf32>
      tpu.vector_store %arg7[%swap3A_57, %swap3A_58], %get3A_56 {strides = array<i32>} : memref<128x128xf32, #tpu.memory_space<vmem>>, vector<128x128xf32>,
    } else {
    }
    return
  }
  func.func @transform_0(%arg0: i32) -> (i32, i32) {
    %c0_i32 = arith.constant 0 : i32
    %c0_i32_0 = arith.constant 0 : i32
    return %arg0, %c0_i32 : i32, i32
  }
  func.func @transform_1(%arg0: i32) -> (i32, i32) {
    %c0_i32 = arith.constant 0 : i32
    %c0_i32_0 = arith.constant 0 : i32
    %c0_i32_1 = arith.constant 0 : i32
    return %c0_i32, %c0_i32_0 : i32, i32
  }
  func.func @transform_2(%arg0: i32) -> (i32, i32) {
    %c0_i32 = arith.constant 0 : i32
    %c0_i32_0 = arith.constant 0 : i32
    %c0_i32_1 = arith.constant 0 : i32
    return %c0_i32, %c0_i32_0 : i32, i32
  }
  func.func @transform_3(%arg0: i32) -> (i32, i32) {
    %c0_i32 = arith.constant 0 : i32
    %c0_i32_0 = arith.constant 0 : i32
    %c0_i32_1 = arith.constant 0 : i32
    return %c0_i32, %c0_i32_0 : i32, i32
  }
  func.func @transform_4(%arg0: i32) -> (i32, i32) {
    %c0_i32 = arith.constant 0 : i32
    %c0_i32_0 = arith.constant 0 : i32
    %c0_i32_1 = arith.constant 0 : i32
    return %c0_i32, %c0_i32_0 : i32, i32
  }
  func.func @transform_5(%arg0: i32) -> (i32, i32) {
    %c0_i32 = arith.constant 0 : i32
    %c0_i32_0 = arith.constant 0 : i32
    %c0_i32_1 = arith.constant 0 : i32
    return %c0_i32, %c0_i32_0 : i32, i32
  }
  func.func @transform_6(%arg0: i32) -> (i32, i32) {
    %c0_i32 = arith.constant 0 : i32
    %c0_i32_0 = arith.constant 0 : i32
    %c0_i32_1 = arith.constant 0 : i32
    return %c0_i32, %c0_i32_0 : i32, i32
  }
}

module attributes {stable_mosaic.version = 14 : i64} {
  func.func @_proc_body(%arg0: i32, %arg1: memref<2048x8xf32, #tpu.memory_space<vmem>>, %arg2: memref<2048x768xf32, #tpu.memory_space<vmem>>, %arg3: memref<8x2048xi32, #tpu.memory_space<vmem>>, %arg4: memref<8x64xf32, #tpu.memory_space<vmem>>, %arg5: memref<1x64xf32, #tpu.memory_space<vmem>>, %arg6: memref<64x128xf32, #tpu.memory_space<vmem>>, %arg7: memref<1x128xf32, #tpu.memory_space<vmem>>, %arg8: memref<128x256xf32, #tpu.memory_space<vmem>>, %arg9: memref<1x256xf32, #tpu.memory_space<vmem>>, %arg10: memref<256x128xf32, #tpu.memory_space<vmem>>, %arg11: memref<1x128xf32, #tpu.memory_space<vmem>>, %arg12: memref<768x128xf32, #tpu.memory_space<vmem>>, %arg13: memref<1x128xf32, #tpu.memory_space<vmem>>, %arg14: memref<128x2048xf32, #tpu.memory_space<vmem>>, %arg15: memref<8x2048xi32, #tpu.memory_space<vmem>>) attributes {dimension_semantics = [#tpu.dimension_semantics<arbitrary>], iteration_bounds = array<i64: 32>, scalar_prefetch = 0 : i64, scratch_operands = 0 : i64, tpu.core_type = #tpu.core_type<tc>, window_params = [{transform_indices = @transform_0, window_bounds = array<i64: 2048, 8>}, {transform_indices = @transform_1, window_bounds = array<i64: 2048, 768>}, {transform_indices = @transform_2, window_bounds = array<i64: 8, 2048>}, {pipeline_mode = #tpu.pipeline_mode<synchronous>, transform_indices = @transform_3, window_bounds = array<i64: 8, 64>}, {pipeline_mode = #tpu.pipeline_mode<synchronous>, transform_indices = @transform_4, window_bounds = array<i64: 1, 64>}, {pipeline_mode = #tpu.pipeline_mode<synchronous>, transform_indices = @transform_5, window_bounds = array<i64: 64, 128>}, {pipeline_mode = #tpu.pipeline_mode<synchronous>, transform_indices = @transform_6, window_bounds = array<i64: 1, 128>}, {pipeline_mode = #tpu.pipeline_mode<synchronous>, transform_indices = @transform_7, window_bounds = array<i64: 128, 256>}, {pipeline_mode = #tpu.pipeline_mode<synchronous>, transform_indices = @transform_8, window_bounds = array<i64: 1, 256>}, {pipeline_mode = #tpu.pipeline_mode<synchronous>, transform_indices = @transform_9, window_bounds = array<i64: 256, 128>}, {pipeline_mode = #tpu.pipeline_mode<synchronous>, transform_indices = @transform_10, window_bounds = array<i64: 1, 128>}, {pipeline_mode = #tpu.pipeline_mode<synchronous>, transform_indices = @transform_11, window_bounds = array<i64: 768, 128>}, {pipeline_mode = #tpu.pipeline_mode<synchronous>, transform_indices = @transform_12, window_bounds = array<i64: 1, 128>}, {transform_indices = @transform_13, window_bounds = array<i64: 128, 2048>}, {transform_indices = @transform_14, window_bounds = array<i64: 8, 2048>}]} {
    %get3A = arith.constant 0 : index
    %get3A_0 = arith.constant 0 : index
    %get3A_1 = vector.load %arg1[%get3A, %get3A_0] : memref<2048x8xf32, #tpu.memory_space<vmem>>, vector<2048x8xf32>
    %get3A_2 = arith.constant 0 : index
    %get3A_3 = arith.constant 0 : index
    %get3A_4 = vector.load %arg4[%get3A_2, %get3A_3] : memref<8x64xf32, #tpu.memory_space<vmem>>, vector<8x64xf32>
    %dot_general3A = arith.constant dense<0.000000e+00> : vector<2048x64xf32>
    %dot_general3A_5 = tpu.matmul %get3A_1, %get3A_4, %dot_general3A {dimension_numbers = #tpu.dot_dimension_numbers<[1], [0], [0], [1], [0, 0, 1, 1], [], []>, transpose_lhs_hint = false} : vector<2048x8xf32>, vector<8x64xf32>, vector<2048x64xf32> -> vector<2048x64xf32>
    %get3A_6 = arith.constant 0 : index
    %get3A_7 = arith.constant 0 : index
    %get3A_8 = vector.load %arg5[%get3A_6, %get3A_7] : memref<1x64xf32, #tpu.memory_space<vmem>>, vector<1x64xf32>
    %add3A = vector.broadcast %get3A_8 : vector<1x64xf32> to vector<2048x64xf32>
    %add3A_9 = arith.addf %dot_general3A_5, %add3A : vector<2048x64xf32>
    %max3A = arith.constant 0.000000e+00 : f32
    %max3A_10 = vector.broadcast %max3A : f32 to vector<2048x64xf32>
    %max3A_11 = arith.maximumf %add3A_9, %max3A_10 : vector<2048x64xf32>
    %get3A_12 = arith.constant 0 : index
    %get3A_13 = arith.constant 0 : index
    %get3A_14 = vector.load %arg6[%get3A_12, %get3A_13] : memref<64x128xf32, #tpu.memory_space<vmem>>, vector<64x128xf32>
    %dot_general3A_15 = arith.constant dense<0.000000e+00> : vector<2048x128xf32>
    %dot_general3A_16 = tpu.matmul %max3A_11, %get3A_14, %dot_general3A_15 {dimension_numbers = #tpu.dot_dimension_numbers<[1], [0], [0], [1], [0, 0, 1, 1], [], []>, transpose_lhs_hint = false} : vector<2048x64xf32>, vector<64x128xf32>, vector<2048x128xf32> -> vector<2048x128xf32>
    %get3A_17 = arith.constant 0 : index
    %get3A_18 = arith.constant 0 : index
    %get3A_19 = vector.load %arg7[%get3A_17, %get3A_18] : memref<1x128xf32, #tpu.memory_space<vmem>>, vector<1x128xf32>
    %add3A_20 = vector.broadcast %get3A_19 : vector<1x128xf32> to vector<2048x128xf32>
    %add3A_21 = arith.addf %dot_general3A_16, %add3A_20 : vector<2048x128xf32>
    %max3A_22 = arith.constant 0.000000e+00 : f32
    %max3A_23 = vector.broadcast %max3A_22 : f32 to vector<2048x128xf32>
    %max3A_24 = arith.maximumf %add3A_21, %max3A_23 : vector<2048x128xf32>
    %get3A_25 = arith.constant 0 : index
    %get3A_26 = arith.constant 0 : index
    %get3A_27 = vector.load %arg8[%get3A_25, %get3A_26] : memref<128x256xf32, #tpu.memory_space<vmem>>, vector<128x256xf32>
    %dot_general3A_28 = arith.constant dense<0.000000e+00> : vector<2048x256xf32>
    %dot_general3A_29 = tpu.matmul %max3A_24, %get3A_27, %dot_general3A_28 {dimension_numbers = #tpu.dot_dimension_numbers<[1], [0], [0], [1], [0, 0, 1, 1], [], []>, transpose_lhs_hint = false} : vector<2048x128xf32>, vector<128x256xf32>, vector<2048x256xf32> -> vector<2048x256xf32>
    %get3A_30 = arith.constant 0 : index
    %get3A_31 = arith.constant 0 : index
    %get3A_32 = vector.load %arg9[%get3A_30, %get3A_31] : memref<1x256xf32, #tpu.memory_space<vmem>>, vector<1x256xf32>
    %add3A_33 = vector.broadcast %get3A_32 : vector<1x256xf32> to vector<2048x256xf32>
    %add3A_34 = arith.addf %dot_general3A_29, %add3A_33 : vector<2048x256xf32>
    %max3A_35 = arith.constant 0.000000e+00 : f32
    %max3A_36 = vector.broadcast %max3A_35 : f32 to vector<2048x256xf32>
    %max3A_37 = arith.maximumf %add3A_34, %max3A_36 : vector<2048x256xf32>
    %get3A_38 = arith.constant 0 : index
    %get3A_39 = arith.constant 0 : index
    %get3A_40 = vector.load %arg10[%get3A_38, %get3A_39] : memref<256x128xf32, #tpu.memory_space<vmem>>, vector<256x128xf32>
    %dot_general3A_41 = arith.constant dense<0.000000e+00> : vector<2048x128xf32>
    %dot_general3A_42 = tpu.matmul %max3A_37, %get3A_40, %dot_general3A_41 {dimension_numbers = #tpu.dot_dimension_numbers<[1], [0], [0], [1], [0, 0, 1, 1], [], []>, transpose_lhs_hint = false} : vector<2048x256xf32>, vector<256x128xf32>, vector<2048x128xf32> -> vector<2048x128xf32>
    %get3A_43 = arith.constant 0 : index
    %get3A_44 = arith.constant 0 : index
    %get3A_45 = vector.load %arg11[%get3A_43, %get3A_44] : memref<1x128xf32, #tpu.memory_space<vmem>>, vector<1x128xf32>
    %add3A_46 = vector.broadcast %get3A_45 : vector<1x128xf32> to vector<2048x128xf32>
    %add3A_47 = arith.addf %dot_general3A_42, %add3A_46 : vector<2048x128xf32>
    %get3A_48 = arith.constant 0 : index
    %get3A_49 = arith.constant 0 : index
    %get3A_50 = vector.load %arg2[%get3A_48, %get3A_49] : memref<2048x768xf32, #tpu.memory_space<vmem>>, vector<2048x768xf32>
    %get3A_51 = arith.constant 0 : index
    %get3A_52 = arith.constant 0 : index
    %get3A_53 = vector.load %arg12[%get3A_51, %get3A_52] : memref<768x128xf32, #tpu.memory_space<vmem>>, vector<768x128xf32>
    %dot_general3A_54 = arith.constant dense<0.000000e+00> : vector<2048x128xf32>
    %dot_general3A_55 = tpu.matmul %get3A_50, %get3A_53, %dot_general3A_54 {dimension_numbers = #tpu.dot_dimension_numbers<[1], [0], [0], [1], [0, 0, 1, 1], [], []>, transpose_lhs_hint = false} : vector<2048x768xf32>, vector<768x128xf32>, vector<2048x128xf32> -> vector<2048x128xf32>
    %add3A_56 = arith.addf %add3A_47, %dot_general3A_55 : vector<2048x128xf32>
    %get3A_57 = arith.constant 0 : index
    %get3A_58 = arith.constant 0 : index
    %get3A_59 = vector.load %arg13[%get3A_57, %get3A_58] : memref<1x128xf32, #tpu.memory_space<vmem>>, vector<1x128xf32>
    %add3A_60 = vector.broadcast %get3A_59 : vector<1x128xf32> to vector<2048x128xf32>
    %add3A_61 = arith.addf %add3A_56, %add3A_60 : vector<2048x128xf32>
    %transpose3A = tpu.transpose %add3A_61, [1, 0] : vector<2048x128xf32> -> vector<128x2048xf32>
    %swap3A = arith.constant 0 : index
    %swap3A_62 = arith.constant 0 : index
    %swap3A_63 = vector.load %arg14[%swap3A, %swap3A_62] : memref<128x2048xf32, #tpu.memory_space<vmem>>, vector<128x2048xf32>
    tpu.vector_store %arg14[%swap3A, %swap3A_62], %transpose3A {strides = array<i32>} : memref<128x2048xf32, #tpu.memory_space<vmem>>, vector<128x2048xf32>,
    %get3A_64 = arith.constant 0 : index
    %get3A_65 = arith.constant 0 : index
    %get3A_66 = vector.load %arg3[%get3A_64, %get3A_65] : memref<8x2048xi32, #tpu.memory_space<vmem>>, vector<1x2048xi32>
    %get3A_67 = arith.constant 1 : index
    %get3A_68 = arith.constant 0 : index
    %get3A_69 = vector.load %arg3[%get3A_67, %get3A_68] : memref<8x2048xi32, #tpu.memory_space<vmem>>, vector<1x2048xi32>
    %get3A_70 = arith.constant 2 : index
    %get3A_71 = arith.constant 0 : index
    %get3A_72 = vector.load %arg3[%get3A_70, %get3A_71] : memref<8x2048xi32, #tpu.memory_space<vmem>>, vector<1x2048xi32>
    %get3A_73 = arith.constant 3 : index
    %get3A_74 = arith.constant 0 : index
    %get3A_75 = vector.load %arg3[%get3A_73, %get3A_74] : memref<8x2048xi32, #tpu.memory_space<vmem>>, vector<1x2048xi32>
    %mul3A = arith.constant 41 : i32
    %mul3A_76 = vector.broadcast %mul3A : i32 to vector<1x2048xi32>
    %mul3A_77 = arith.muli %get3A_66, %mul3A_76 : vector<1x2048xi32>
    %shift_right_arithmetic3A = arith.constant 10 : i32
    %shift_right_arithmetic3A_78 = vector.broadcast %shift_right_arithmetic3A : i32 to vector<1x2048xi32>
    %shift_right_arithmetic3A_79 = arith.shrsi %mul3A_77, %shift_right_arithmetic3A_78 : vector<1x2048xi32>
    %mul3A_80 = arith.constant 41 : i32
    %mul3A_81 = vector.broadcast %mul3A_80 : i32 to vector<1x2048xi32>
    %mul3A_82 = arith.muli %get3A_69, %mul3A_81 : vector<1x2048xi32>
    %shift_right_arithmetic3A_83 = arith.constant 10 : i32
    %shift_right_arithmetic3A_84 = vector.broadcast %shift_right_arithmetic3A_83 : i32 to vector<1x2048xi32>
    %shift_right_arithmetic3A_85 = arith.shrsi %mul3A_82, %shift_right_arithmetic3A_84 : vector<1x2048xi32>
    %shift_right_arithmetic3A_86 = arith.constant 1 : i32
    %shift_right_arithmetic3A_87 = vector.broadcast %shift_right_arithmetic3A_86 : i32 to vector<1x2048xi32>
    %shift_right_arithmetic3A_88 = arith.shrsi %get3A_72, %shift_right_arithmetic3A_87 : vector<1x2048xi32>
    %mul3A_89 = arith.constant 100 : i32
    %mul3A_90 = vector.broadcast %mul3A_89 : i32 to vector<1x2048xi32>
    %mul3A_91 = arith.muli %get3A_75, %mul3A_90 : vector<1x2048xi32>
    %add3A_92 = arith.addi %mul3A_91, %get3A_66 : vector<1x2048xi32>
    %mul3A_93 = arith.constant 100 : i32
    %mul3A_94 = vector.broadcast %mul3A_93 : i32 to vector<1x2048xi32>
    %mul3A_95 = arith.muli %add3A_92, %mul3A_94 : vector<1x2048xi32>
    %add3A_96 = arith.addi %mul3A_95, %get3A_69 : vector<1x2048xi32>
    %mul3A_97 = arith.constant 100 : i32
    %mul3A_98 = vector.broadcast %mul3A_97 : i32 to vector<1x2048xi32>
    %mul3A_99 = arith.muli %get3A_75, %mul3A_98 : vector<1x2048xi32>
    %add3A_100 = arith.addi %mul3A_99, %get3A_69 : vector<1x2048xi32>
    %mul3A_101 = arith.constant 8 : i32
    %mul3A_102 = vector.broadcast %mul3A_101 : i32 to vector<1x2048xi32>
    %mul3A_103 = arith.muli %add3A_100, %mul3A_102 : vector<1x2048xi32>
    %add3A_104 = arith.addi %mul3A_103, %get3A_72 : vector<1x2048xi32>
    %mul3A_105 = arith.constant 100 : i32
    %mul3A_106 = vector.broadcast %mul3A_105 : i32 to vector<1x2048xi32>
    %mul3A_107 = arith.muli %get3A_75, %mul3A_106 : vector<1x2048xi32>
    %add3A_108 = arith.addi %mul3A_107, %get3A_66 : vector<1x2048xi32>
    %mul3A_109 = arith.constant 8 : i32
    %mul3A_110 = vector.broadcast %mul3A_109 : i32 to vector<1x2048xi32>
    %mul3A_111 = arith.muli %add3A_108, %mul3A_110 : vector<1x2048xi32>
    %add3A_112 = arith.addi %mul3A_111, %get3A_72 : vector<1x2048xi32>
    %mul3A_113 = arith.constant 20480 : i32
    %mul3A_114 = vector.broadcast %mul3A_113 : i32 to vector<1x2048xi32>
    %mul3A_115 = arith.muli %shift_right_arithmetic3A_88, %mul3A_114 : vector<1x2048xi32>
    %add3A_116 = arith.addi %mul3A_115, %add3A_96 : vector<1x2048xi32>
    %mul3A_117 = arith.constant 1600 : i32
    %mul3A_118 = vector.broadcast %mul3A_117 : i32 to vector<1x2048xi32>
    %mul3A_119 = arith.muli %shift_right_arithmetic3A_79, %mul3A_118 : vector<1x2048xi32>
    %add3A_120 = arith.addi %mul3A_119, %add3A_104 : vector<1x2048xi32>
    %mul3A_121 = arith.constant 1600 : i32
    %mul3A_122 = vector.broadcast %mul3A_121 : i32 to vector<1x2048xi32>
    %mul3A_123 = arith.muli %shift_right_arithmetic3A_85, %mul3A_122 : vector<1x2048xi32>
    %add3A_124 = arith.addi %mul3A_123, %add3A_112 : vector<1x2048xi32>
    %broadcast_in_dim3A = arith.constant 0 : i32
    %broadcast_in_dim3A_125 = vector.broadcast %broadcast_in_dim3A : i32 to vector<1x2048xi32>
    %concatenate3A = tpu.concatenate %add3A_116, %add3A_120, %add3A_124, %broadcast_in_dim3A_125, %broadcast_in_dim3A_125, %broadcast_in_dim3A_125, %broadcast_in_dim3A_125, %broadcast_in_dim3A_125 in 0 : vector<1x2048xi32>, vector<1x2048xi32>, vector<1x2048xi32>, vector<1x2048xi32>, vector<1x2048xi32>, vector<1x2048xi32>, vector<1x2048xi32>, vector<1x2048xi32> -> vector<8x2048xi32>
    %swap3A_126 = arith.constant 0 : index
    %swap3A_127 = arith.constant 0 : index
    %swap3A_128 = vector.load %arg15[%swap3A_126, %swap3A_127] : memref<8x2048xi32, #tpu.memory_space<vmem>>, vector<8x2048xi32>
    tpu.vector_store %arg15[%swap3A_126, %swap3A_127], %concatenate3A {strides = array<i32>} : memref<8x2048xi32, #tpu.memory_space<vmem>>, vector<8x2048xi32>,
    return
  }
  func.func @transform_0(%arg0: i32) -> (i32, i32) {
    %c0_i32 = arith.constant 0 : i32
    %c0_i32_0 = arith.constant 0 : i32
    return %arg0, %c0_i32 : i32, i32
  }
  func.func @transform_1(%arg0: i32) -> (i32, i32) {
    %c0_i32 = arith.constant 0 : i32
    %c0_i32_0 = arith.constant 0 : i32
    return %arg0, %c0_i32 : i32, i32
  }
  func.func @transform_2(%arg0: i32) -> (i32, i32) {
    %c0_i32 = arith.constant 0 : i32
    %c0_i32_0 = arith.constant 0 : i32
    return %c0_i32, %arg0 : i32, i32
  }
  func.func @transform_3(%arg0: i32) -> (i32, i32) {
    %c0_i32 = arith.constant 0 : i32
    %c0_i32_0 = arith.constant 0 : i32
    %c0_i32_1 = arith.constant 0 : i32
    return %c0_i32, %c0_i32_0 : i32, i32
  }
  func.func @transform_4(%arg0: i32) -> (i32, i32) {
    %c0_i32 = arith.constant 0 : i32
    %c0_i32_0 = arith.constant 0 : i32
    %c0_i32_1 = arith.constant 0 : i32
    return %c0_i32, %c0_i32_0 : i32, i32
  }
  func.func @transform_5(%arg0: i32) -> (i32, i32) {
    %c0_i32 = arith.constant 0 : i32
    %c0_i32_0 = arith.constant 0 : i32
    %c0_i32_1 = arith.constant 0 : i32
    return %c0_i32, %c0_i32_0 : i32, i32
  }
  func.func @transform_6(%arg0: i32) -> (i32, i32) {
    %c0_i32 = arith.constant 0 : i32
    %c0_i32_0 = arith.constant 0 : i32
    %c0_i32_1 = arith.constant 0 : i32
    return %c0_i32, %c0_i32_0 : i32, i32
  }
  func.func @transform_7(%arg0: i32) -> (i32, i32) {
    %c0_i32 = arith.constant 0 : i32
    %c0_i32_0 = arith.constant 0 : i32
    %c0_i32_1 = arith.constant 0 : i32
    return %c0_i32, %c0_i32_0 : i32, i32
  }
  func.func @transform_8(%arg0: i32) -> (i32, i32) {
    %c0_i32 = arith.constant 0 : i32
    %c0_i32_0 = arith.constant 0 : i32
    %c0_i32_1 = arith.constant 0 : i32
    return %c0_i32, %c0_i32_0 : i32, i32
  }
  func.func @transform_9(%arg0: i32) -> (i32, i32) {
    %c0_i32 = arith.constant 0 : i32
    %c0_i32_0 = arith.constant 0 : i32
    %c0_i32_1 = arith.constant 0 : i32
    return %c0_i32, %c0_i32_0 : i32, i32
  }
  func.func @transform_10(%arg0: i32) -> (i32, i32) {
    %c0_i32 = arith.constant 0 : i32
    %c0_i32_0 = arith.constant 0 : i32
    %c0_i32_1 = arith.constant 0 : i32
    return %c0_i32, %c0_i32_0 : i32, i32
  }
  func.func @transform_11(%arg0: i32) -> (i32, i32) {
    %c0_i32 = arith.constant 0 : i32
    %c0_i32_0 = arith.constant 0 : i32
    %c0_i32_1 = arith.constant 0 : i32
    return %c0_i32, %c0_i32_0 : i32, i32
  }
  func.func @transform_12(%arg0: i32) -> (i32, i32) {
    %c0_i32 = arith.constant 0 : i32
    %c0_i32_0 = arith.constant 0 : i32
    %c0_i32_1 = arith.constant 0 : i32
    return %c0_i32, %c0_i32_0 : i32, i32
  }
  func.func @transform_13(%arg0: i32) -> (i32, i32) {
    %c0_i32 = arith.constant 0 : i32
    %c0_i32_0 = arith.constant 0 : i32
    return %c0_i32, %arg0 : i32, i32
  }
  func.func @transform_14(%arg0: i32) -> (i32, i32) {
    %c0_i32 = arith.constant 0 : i32
    %c0_i32_0 = arith.constant 0 : i32
    return %c0_i32, %arg0 : i32, i32
  }
}

module attributes {stable_mosaic.version = 14 : i64} {
  func.func @_plane_mlp_body(%arg0: i32, %arg1: memref<128x4x2048xf32, #tpu.memory_space<vmem>>, %arg2: memref<128x512xf32, #tpu.memory_space<vmem>>, %arg3: memref<128x1xf32, #tpu.memory_space<vmem>>, %arg4: memref<128x128xf32, #tpu.memory_space<vmem>>, %arg5: memref<128x1xf32, #tpu.memory_space<vmem>>, %arg6: memref<128x2048xf32, #tpu.memory_space<vmem>>) attributes {dimension_semantics = [#tpu.dimension_semantics<arbitrary>], iteration_bounds = array<i64: 10>, scalar_prefetch = 0 : i64, scratch_operands = 0 : i64, tpu.core_type = #tpu.core_type<tc>, window_params = [{transform_indices = @transform_0, window_bounds = array<i64: 128, 4, 2048>}, {pipeline_mode = #tpu.pipeline_mode<synchronous>, transform_indices = @transform_1, window_bounds = array<i64: 128, 512>}, {pipeline_mode = #tpu.pipeline_mode<synchronous>, transform_indices = @transform_2, window_bounds = array<i64: 128, 1>}, {pipeline_mode = #tpu.pipeline_mode<synchronous>, transform_indices = @transform_3, window_bounds = array<i64: 128, 128>}, {pipeline_mode = #tpu.pipeline_mode<synchronous>, transform_indices = @transform_4, window_bounds = array<i64: 128, 1>}, {transform_indices = @transform_5, window_bounds = array<i64: 128, 2048>}]} {
    %get3A = arith.constant 0 : index
    %get3A_0 = arith.constant 0 : index
    %get3A_1 = arith.constant 0 : index
    %get3A_2 = vector.load %arg1[%get3A, %get3A_0, %get3A_1] : memref<128x4x2048xf32, #tpu.memory_space<vmem>>, vector<128x4x2048xf32>
    %reshape3A = vector.shape_cast %get3A_2 : vector<128x4x2048xf32> to vector<512x2048xf32>
    %lt3A = arith.constant -1.000000e+29 : f32
    %lt3A_3 = vector.broadcast %lt3A : f32 to vector<512x2048xf32>
    %lt3A_4 = arith.cmpf olt, %reshape3A, %lt3A_3 : vector<512x2048xf32>
    %jit3A = arith.constant 0.000000e+00 : f32
    %broadcast_in_dim3A = vector.broadcast %jit3A : f32 to vector<512x2048xf32>
    %select_n3A = arith.select %lt3A_4, %broadcast_in_dim3A, %reshape3A : vector<512x2048xi1>, vector<512x2048xf32>
    %get3A_5 = arith.constant 0 : index
    %get3A_6 = arith.constant 0 : index
    %get3A_7 = vector.load %arg2[%get3A_5, %get3A_6] : memref<128x512xf32, #tpu.memory_space<vmem>>, vector<128x512xf32>
    %dot_general3A = arith.constant dense<0.000000e+00> : vector<128x2048xf32>
    %dot_general3A_8 = tpu.matmul %get3A_7, %select_n3A, %dot_general3A {dimension_numbers = #tpu.dot_dimension_numbers<[1], [0], [0], [1], [0, 0, 1, 1], [], []>, transpose_lhs_hint = false} : vector<128x512xf32>, vector<512x2048xf32>, vector<128x2048xf32> -> vector<128x2048xf32>
    %get3A_9 = arith.constant 0 : index
    %get3A_10 = arith.constant 0 : index
    %get3A_11 = vector.load %arg3[%get3A_9, %get3A_10] : memref<128x1xf32, #tpu.memory_space<vmem>>, vector<128x1xf32>
    %add3A = vector.broadcast %get3A_11 : vector<128x1xf32> to vector<128x2048xf32>
    %add3A_12 = arith.addf %dot_general3A_8, %add3A : vector<128x2048xf32>
    %max3A = arith.constant 0.000000e+00 : f32
    %max3A_13 = vector.broadcast %max3A : f32 to vector<128x2048xf32>
    %max3A_14 = arith.maximumf %add3A_12, %max3A_13 : vector<128x2048xf32>
    %get3A_15 = arith.constant 0 : index
    %get3A_16 = arith.constant 0 : index
    %get3A_17 = vector.load %arg4[%get3A_15, %get3A_16] : memref<128x128xf32, #tpu.memory_space<vmem>>, vector<128x128xf32>
    %dot_general3A_18 = arith.constant dense<0.000000e+00> : vector<128x2048xf32>
    %dot_general3A_19 = tpu.matmul %get3A_17, %max3A_14, %dot_general3A_18 {dimension_numbers = #tpu.dot_dimension_numbers<[1], [0], [0], [1], [0, 0, 1, 1], [], []>, transpose_lhs_hint = false} : vector<128x128xf32>, vector<128x2048xf32>, vector<128x2048xf32> -> vector<128x2048xf32>
    %get3A_20 = arith.constant 0 : index
    %get3A_21 = arith.constant 0 : index
    %get3A_22 = vector.load %arg5[%get3A_20, %get3A_21] : memref<128x1xf32, #tpu.memory_space<vmem>>, vector<128x1xf32>
    %add3A_23 = vector.broadcast %get3A_22 : vector<128x1xf32> to vector<128x2048xf32>
    %add3A_24 = arith.addf %dot_general3A_19, %add3A_23 : vector<128x2048xf32>
    %swap3A = arith.constant 0 : index
    %swap3A_25 = arith.constant 0 : index
    %swap3A_26 = vector.load %arg6[%swap3A, %swap3A_25] : memref<128x2048xf32, #tpu.memory_space<vmem>>, vector<128x2048xf32>
    tpu.vector_store %arg6[%swap3A, %swap3A_25], %add3A_24 {strides = array<i32>} : memref<128x2048xf32, #tpu.memory_space<vmem>>, vector<128x2048xf32>,
    return
  }
  func.func @transform_0(%arg0: i32) -> (i32, i32, i32) {
    %c0_i32 = arith.constant 0 : i32
    %c0_i32_0 = arith.constant 0 : i32
    %c0_i32_1 = arith.constant 0 : i32
    return %c0_i32, %c0_i32_0, %arg0 : i32, i32, i32
  }
  func.func @transform_1(%arg0: i32) -> (i32, i32) {
    %c0_i32 = arith.constant 0 : i32
    %c0_i32_0 = arith.constant 0 : i32
    %c0_i32_1 = arith.constant 0 : i32
    return %c0_i32, %c0_i32_0 : i32, i32
  }
  func.func @transform_2(%arg0: i32) -> (i32, i32) {
    %c0_i32 = arith.constant 0 : i32
    %c0_i32_0 = arith.constant 0 : i32
    %c0_i32_1 = arith.constant 0 : i32
    return %c0_i32, %c0_i32_0 : i32, i32
  }
  func.func @transform_3(%arg0: i32) -> (i32, i32) {
    %c0_i32 = arith.constant 0 : i32
    %c0_i32_0 = arith.constant 0 : i32
    %c0_i32_1 = arith.constant 0 : i32
    return %c0_i32, %c0_i32_0 : i32, i32
  }
  func.func @transform_4(%arg0: i32) -> (i32, i32) {
    %c0_i32 = arith.constant 0 : i32
    %c0_i32_0 = arith.constant 0 : i32
    %c0_i32_1 = arith.constant 0 : i32
    return %c0_i32, %c0_i32_0 : i32, i32
  }
  func.func @transform_5(%arg0: i32) -> (i32, i32) {
    %c0_i32 = arith.constant 0 : i32
    %c0_i32_0 = arith.constant 0 : i32
    return %c0_i32, %arg0 : i32, i32
  }
}

module attributes {stable_mosaic.version = 14 : i64} {
  func.func @_plane_mlp_body(%arg0: i32, %arg1: memref<128x4x1600xf32, #tpu.memory_space<vmem>>, %arg2: memref<128x512xf32, #tpu.memory_space<vmem>>, %arg3: memref<128x1xf32, #tpu.memory_space<vmem>>, %arg4: memref<128x128xf32, #tpu.memory_space<vmem>>, %arg5: memref<128x1xf32, #tpu.memory_space<vmem>>, %arg6: memref<128x1600xf32, #tpu.memory_space<vmem>>) attributes {dimension_semantics = [#tpu.dimension_semantics<arbitrary>], iteration_bounds = array<i64: 1>, scalar_prefetch = 0 : i64, scratch_operands = 0 : i64, tpu.core_type = #tpu.core_type<tc>, window_params = [{transform_indices = @transform_0, window_bounds = array<i64: 128, 4, 1600>}, {pipeline_mode = #tpu.pipeline_mode<synchronous>, transform_indices = @transform_1, window_bounds = array<i64: 128, 512>}, {pipeline_mode = #tpu.pipeline_mode<synchronous>, transform_indices = @transform_2, window_bounds = array<i64: 128, 1>}, {pipeline_mode = #tpu.pipeline_mode<synchronous>, transform_indices = @transform_3, window_bounds = array<i64: 128, 128>}, {pipeline_mode = #tpu.pipeline_mode<synchronous>, transform_indices = @transform_4, window_bounds = array<i64: 128, 1>}, {transform_indices = @transform_5, window_bounds = array<i64: 128, 1600>}]} {
    %get3A = arith.constant 0 : index
    %get3A_0 = arith.constant 0 : index
    %get3A_1 = arith.constant 0 : index
    %get3A_2 = vector.load %arg1[%get3A, %get3A_0, %get3A_1] : memref<128x4x1600xf32, #tpu.memory_space<vmem>>, vector<128x4x1600xf32>
    %reshape3A = vector.shape_cast %get3A_2 : vector<128x4x1600xf32> to vector<512x1600xf32>
    %lt3A = arith.constant -1.000000e+29 : f32
    %lt3A_3 = vector.broadcast %lt3A : f32 to vector<512x1600xf32>
    %lt3A_4 = arith.cmpf olt, %reshape3A, %lt3A_3 : vector<512x1600xf32>
    %jit3A = arith.constant 0.000000e+00 : f32
    %broadcast_in_dim3A = vector.broadcast %jit3A : f32 to vector<512x1600xf32>
    %select_n3A = arith.select %lt3A_4, %broadcast_in_dim3A, %reshape3A : vector<512x1600xi1>, vector<512x1600xf32>
    %get3A_5 = arith.constant 0 : index
    %get3A_6 = arith.constant 0 : index
    %get3A_7 = vector.load %arg2[%get3A_5, %get3A_6] : memref<128x512xf32, #tpu.memory_space<vmem>>, vector<128x512xf32>
    %dot_general3A = arith.constant dense<0.000000e+00> : vector<128x1600xf32>
    %dot_general3A_8 = tpu.matmul %get3A_7, %select_n3A, %dot_general3A {dimension_numbers = #tpu.dot_dimension_numbers<[1], [0], [0], [1], [0, 0, 1, 1], [], []>, transpose_lhs_hint = false} : vector<128x512xf32>, vector<512x1600xf32>, vector<128x1600xf32> -> vector<128x1600xf32>
    %get3A_9 = arith.constant 0 : index
    %get3A_10 = arith.constant 0 : index
    %get3A_11 = vector.load %arg3[%get3A_9, %get3A_10] : memref<128x1xf32, #tpu.memory_space<vmem>>, vector<128x1xf32>
    %add3A = vector.broadcast %get3A_11 : vector<128x1xf32> to vector<128x1600xf32>
    %add3A_12 = arith.addf %dot_general3A_8, %add3A : vector<128x1600xf32>
    %max3A = arith.constant 0.000000e+00 : f32
    %max3A_13 = vector.broadcast %max3A : f32 to vector<128x1600xf32>
    %max3A_14 = arith.maximumf %add3A_12, %max3A_13 : vector<128x1600xf32>
    %get3A_15 = arith.constant 0 : index
    %get3A_16 = arith.constant 0 : index
    %get3A_17 = vector.load %arg4[%get3A_15, %get3A_16] : memref<128x128xf32, #tpu.memory_space<vmem>>, vector<128x128xf32>
    %dot_general3A_18 = arith.constant dense<0.000000e+00> : vector<128x1600xf32>
    %dot_general3A_19 = tpu.matmul %get3A_17, %max3A_14, %dot_general3A_18 {dimension_numbers = #tpu.dot_dimension_numbers<[1], [0], [0], [1], [0, 0, 1, 1], [], []>, transpose_lhs_hint = false} : vector<128x128xf32>, vector<128x1600xf32>, vector<128x1600xf32> -> vector<128x1600xf32>
    %get3A_20 = arith.constant 0 : index
    %get3A_21 = arith.constant 0 : index
    %get3A_22 = vector.load %arg5[%get3A_20, %get3A_21] : memref<128x1xf32, #tpu.memory_space<vmem>>, vector<128x1xf32>
    %add3A_23 = vector.broadcast %get3A_22 : vector<128x1xf32> to vector<128x1600xf32>
    %add3A_24 = arith.addf %dot_general3A_19, %add3A_23 : vector<128x1600xf32>
    %swap3A = arith.constant 0 : index
    %swap3A_25 = arith.constant 0 : index
    %swap3A_26 = vector.load %arg6[%swap3A, %swap3A_25] : memref<128x1600xf32, #tpu.memory_space<vmem>>, vector<128x1600xf32>
    tpu.vector_store %arg6[%swap3A, %swap3A_25], %add3A_24 {strides = array<i32>} : memref<128x1600xf32, #tpu.memory_space<vmem>>, vector<128x1600xf32>,
    return
  }
  func.func @transform_0(%arg0: i32) -> (i32, i32, i32) {
    %c0_i32 = arith.constant 0 : i32
    %c0_i32_0 = arith.constant 0 : i32
    %c0_i32_1 = arith.constant 0 : i32
    return %c0_i32, %c0_i32_0, %arg0 : i32, i32, i32
  }
  func.func @transform_1(%arg0: i32) -> (i32, i32) {
    %c0_i32 = arith.constant 0 : i32
    %c0_i32_0 = arith.constant 0 : i32
    %c0_i32_1 = arith.constant 0 : i32
    return %c0_i32, %c0_i32_0 : i32, i32
  }
  func.func @transform_2(%arg0: i32) -> (i32, i32) {
    %c0_i32 = arith.constant 0 : i32
    %c0_i32_0 = arith.constant 0 : i32
    %c0_i32_1 = arith.constant 0 : i32
    return %c0_i32, %c0_i32_0 : i32, i32
  }
  func.func @transform_3(%arg0: i32) -> (i32, i32) {
    %c0_i32 = arith.constant 0 : i32
    %c0_i32_0 = arith.constant 0 : i32
    %c0_i32_1 = arith.constant 0 : i32
    return %c0_i32, %c0_i32_0 : i32, i32
  }
  func.func @transform_4(%arg0: i32) -> (i32, i32) {
    %c0_i32 = arith.constant 0 : i32
    %c0_i32_0 = arith.constant 0 : i32
    %c0_i32_1 = arith.constant 0 : i32
    return %c0_i32, %c0_i32_0 : i32, i32
  }
  func.func @transform_5(%arg0: i32) -> (i32, i32) {
    %c0_i32 = arith.constant 0 : i32
    %c0_i32_0 = arith.constant 0 : i32
    return %c0_i32, %arg0 : i32, i32
  }
}

</mosaic_0001>

<sc_bundles>
// kernel: kernel.10.cloned.1.call-start
scs
__scs_entry_jumppad:
0x0: {  	(pc) =	sbr.rel $0x88, $3  }
0x1: {  	(tag) =	ssettag $0x0;
	lr =	simm.s32 $0x1  }
0x2: {  	[smem:$0x3F80] =	sst lr;
	_ =	strace $0xD0000000  }
0x3: {  	_ = 	snop  }
0x4: {  	_ = 	snop  }
0x5: {  	_ = 	snop  }
0x6: {  	_ = 	snop  }
0x7: {  	_ = 	snop  }
__scs_overlays_trampoline_lowered:
0x8: {  	[smem:$0x3F8F] =	sst s0  }
0x9: {  	[smem:$0x3F90] =	sst s1  }
0xa: {  	[smem:$0x3F91] =	sst s2  }
0xb: {  	[smem:$0x3F92] =	sst s3  }
0xc: {  	[smem:$0x3F93] =	sst s4  }
0xd: {  	[smem:$0x3F94] =	sst s5  }
0xe: {  	[smem:$0x3F95] =	sst s6  }
0xf: {  	[smem:$0x3F96] =	sst s7  }
0x10: {  	[smem:$0x3F97] =	sst s8  }
0x11: {  	[smem:$0x3F98] =	sst s9;
	s0 =	simm.s32 @!p0 $0x0  }
0x12: {  	s1 =	sld [smem:$0x3F7E];
	s0 =	simm.s32 @p0 $0x1  }
0x13: {  	[smem:$0x3F99] =	sst s0;
	s0 =	simm.s32 @!p1 $0x0  }
0x14: {  	s2 =	sld [smem:$0x3F7D];
	s0 =	simm.s32 @p1 $0x1  }
0x15: {  	[smem:$0x3F9A] =	sst s0;
	s0 =	simm.s32 @!p2 $0x0  }
0x16: {  	s3 =	sld [smem:$0x3FDB];
	s0 =	simm.s32 @p2 $0x1  }
0x17: {  	s4 =	simm.s32 $0x1BF5;
	[smem:$0x3F9C] =	sst s0  }
0x18: {  	s0 =	sld [smem:$0x3F7F];
	_ =	swait.ge [sflag:s4], $0x0  }
0x19: {  	s7 =	sld [smem:$0x3F80]  }
0x1a: {  	s8 =	sadd.s32 $0xFFFFE003, lr  }
0x1b: {  	s9 =	sadd.s32 $0xFFFFFEF7, lr;
	s5 =	simm.s32 $0xFFFFFFFF;
	p2 =	slt.u32 s8, $0xFFFFF086  }
0x1c: {  	p1 =	slt.u32 s9, $0xF7A;
	s5 =	simm.s32 @!p2 $0x0  }
0x1d: {  	s5 =	simm.s32 @p1 $0x1;
	p0 =	seq.s32 s7, s2  }
0x1e: {  	s7 =	smul.u32 @!p0 $0xF7A, s2;
	p2 =	seq.s32 @!p0 s5, $0x0  }
0x1f: {  	s9 =	smul.u32 $0xF7A, s1;
	s8 =	simm.s32 @!p0 $0x1BF5;
	p2 =	por !p2, p0  }
0x20: {  	[sflag:s8] =	ssyncset.s32 @!p0 $0xFFFFF086;
	s6 =	sadd.s32 @!p0 s3, s7;
	s7 =	simm.s32 @!p0 $0x108  }
0x21: {  	s3 =	sadd.s32 s3, s9;
	s6 =	sadd.s32 @!p0 $0x88, s6;
	s7 =	simm.s32 @p2 $0x1082  }
0x22: {  	[simem:s7], [sflag:s8] =	dma.local @!p0 [hbm:s6], $0xF7A  }
0x23: {  	s9 =	sor.u32 $0xD0000000, s2;
	s6 =	simm.s32 $0x108;
	_ =	swait.ge @!p0 [sflag:s8], $0x0  }
0x24: {  	s3 =	sadd.s32 $0x88, s3;
	s6 =	simm.s32 @!p1 $0x1082;
	[sflag:s4] =	ssyncset.s32 $0xFFFFF086  }
0x25: {  	[simem:s6], [sflag:s4] =	dma.local [hbm:s3], $0xF7A  }
0x26: {  	[smem:$0x3F80] =	sst s1;
	(tag) =	ssettag s2;
	_ =	strace s9  }
0x27: {  	s1 =	sld [smem:$0x3F90]  }
0x28: {  	s2 =	sld [smem:$0x3F91]  }
0x29: {  	s4 =	sld [smem:$0x3F93]  }
0x2a: {  	p0 =	seq.s32 s5, $0x0;
	s5 =	sld [smem:$0x3F94]  }
0x2b: {  	s6 =	sld [smem:$0x3F95]  }
0x2c: {  	s7 =	sld [smem:$0x3F96]  }
0x2d: {  	s3 =	simm.s32 $0x108;
	s8 =	sld [smem:$0x3F97]  }
0x2e: {  	s3 =	simm.s32 @!p0 $0x1082;
	s9 =	sld [smem:$0x3F98]  }
0x2f: {  	lr =	sadd.s32 s0, s3;
	s0 =	sld [smem:$0x3F8F]  }
0x30: {  	s3 =	sld [smem:$0x3F92]  }
0x31: {  	[smem:$0x3F9B] =	sst s10  }
0x32: {  	s10 =	sld [smem:$0x3F99];
	_ =	sdelay $0x3  }
0x33: {  	p0 =	seq.s32 s10, $0x1;
	s10 =	sld [smem:$0x3F9B];
	_ =	sdelay $0x3  }
0x34: {  	[smem:$0x3F9B] =	sst s10  }
0x35: {  	s10 =	sld [smem:$0x3F9A];
	_ =	sdelay $0x3  }
0x36: {  	p1 =	seq.s32 s10, $0x1;
	s10 =	sld [smem:$0x3F9B];
	_ =	sdelay $0x3  }
0x37: {  	[smem:$0x3F9B] =	sst s10  }
0x38: {  	s10 =	sld [smem:$0x3F9C]  }
0x39: {  	_ = 	snop;
	(pc) =	sbr.ind lr, $3  }
0x3a: {  	_ = 	snop  }
0x3b: {  	_ = 	snop  }
0x3c: {  	p2 =	seq.s32 s10, $0x1;
	s10 =	sld [smem:$0x3F9B]  }
0x3d: {  	_ =	shalt  }
0x3e: {  	_ =	shalt  }
0x3f: {  	_ =	shalt  }
0x40: {  	_ =	shalt  }
0x41: {  	_ =	shalt  }
0x42: {  	_ =	shalt  }
0x43: {  	_ =	shalt  }
0x44: {  	_ =	shalt  }
0x45: {  	_ =	shalt  }
0x46: {  	_ =	shalt  }
0x47: {  	_ =	shalt  }
0x48: {  	_ =	shalt  }
0x49: {  	_ =	shalt  }
0x4a: {  	_ =	shalt  }
0x4b: {  	_ =	shalt  }
0x4c: {  	_ =	shalt  }
0x4d: {  	_ =	shalt  }
0x4e: {  	_ =	shalt  }
0x4f: {  	_ =	shalt  }
0x50: {  	_ =	shalt  }
0x51: {  	_ =	shalt  }
0x52: {  	_ =	shalt  }
0x53: {  	_ =	shalt  }
0x54: {  	_ =	shalt  }
0x55: {  	_ =	shalt  }
0x56: {  	_ =	shalt  }
0x57: {  	_ =	shalt  }
0x58: {  	_ =	shalt  }
0x59: {  	_ =	shalt  }
0x5a: {  	_ =	shalt  }
0x5b: {  	_ =	shalt  }
0x5c: {  	_ =	shalt  }
0x5d: {  	_ =	shalt  }
0x5e: {  	_ =	shalt  }
0x5f: {  	_ =	shalt  }
0x60: {  	_ =	shalt  }
0x61: {  	_ =	shalt  }
0x62: {  	_ =	shalt  }
0x63: {  	_ =	shalt  }
0x64: {  	_ =	shalt  }
0x65: {  	_ =	shalt  }
0x66: {  	_ =	shalt  }
0x67: {  	_ =	shalt  }
0x68: {  	_ =	shalt  }
0x69: {  	_ =	shalt  }
0x6a: {  	_ =	shalt  }
0x6b: {  	_ =	shalt  }
0x6c: {  	_ =	shalt  }
0x6d: {  	_ =	shalt  }
0x6e: {  	_ =	shalt  }
0x6f: {  	_ =	shalt  }
0x70: {  	_ =	shalt  }
0x71: {  	_ =	shalt  }
0x72: {  	_ =	shalt  }
0x73: {  	_ =	shalt  }
0x74: {  	_ =	shalt  }
0x75: {  	_ =	shalt  }
0x76: {  	_ =	shalt  }
0x77: {  	_ =	shalt  }
0x78: {  	_ =	shalt  }
0x79: {  	_ =	shalt  }
0x7a: {  	_ =	shalt  }
0x7b: {  	_ =	shalt  }
0x7c: {  	_ =	shalt  }
0x7d: {  	_ =	shalt  }
0x7e: {  	_ =	shalt  }
0x7f: {  	_ =	shalt  }
0x80: {  	_ =	shalt  }
0x81: {  	_ =	shalt  }
0x82: {  	_ =	shalt  }
0x83: {  	_ =	shalt  }
0x84: {  	_ =	shalt  }
0x85: {  	_ =	shalt  }
0x86: {  	_ =	shalt  }
0x87: {  	_ =	shalt  }
.Lfunc_end0:
.L_simem_size_0:
called_computation.1_lowered:
.L_overlay_start_0:
0x88: {  	s2 =	sld [smem:$0x3FD9]  }
0x89: {  	s3 =	sld [smem:$0x3FFE];
	_ =	sdelay $0x1  }
0x8a: {  	s1 =	srdreg.scid  }
0x8b: {  	s0 =	sand.u32 $0x1, s1  }
0x8c: {  	s14 =	sshll.u32 s0, $0xA;
	s2 =	sadd.s32 s3, s2  }
0x8d: {  	s2 =	sadd.s32 s2, s14  }
0x8e: {  	[smem:$0x3FA7] =	sst s2  }
0x8f: {  	_ = 	snop  }
0x90: {  	s2 =	sld [smem:$0x3FD0];
	_ =	sdelay $0x2  }
0x91: {  	s15 =	simm.s32 $0xA;
	s4 =	simm.s32 $0x10  }
0x92: {  	[smem:s4], [sflag:s15] =	dma.local [hbm:s2], $0x1  }
0x93: {  	_ =	swait.eq [sflag:s15], $0x1  }
0x94: {  	s16 =	sld [smem:$0x10];
	[sflag:s15] =	ssyncset.done $0x0  }
0x95: {  	s17 =	sld [smem:$0x11];
	[sflag:s15] =	ssyncadd.s32 $0xFFFFFFFF  }
0x96: {  	s18 =	sld [smem:$0x12];
	(tm) =	ssettm $0x1  }
0x97: {  	s5 =	sld [smem:$0x3FFB];
	_ =	sdelay $0x3  }
0x98: {  	_ =	strace s5  }
0x99: {  	s5 =	sld [smem:$0x3FFC];
	_ =	sdelay $0x3  }
0x9a: {  	_ =	strace s5  }
0x9b: {  	s5 =	sld [smem:$0x3FFD];
	_ =	sdelay $0x3  }
0x9c: {  	_ =	strace s5  }
0x9d: {  	_ =	strace $0x8FFFFFFF  }
0x9e: {  	s19 =	sld [smem:$0x3FDB];
	_ =	sdelay $0x1  }
0x9f: {  	s6 =	simm.s32 $_scs_section_size  }
0xa0: {  	s7 =	simm.s32 $_size__tile_overlayer_lowered;
	s8 =	simm.s32 $_tile_overlayer_lowered  }
0xa1: {  	s22 =	simm.s32 $0x1BFF;
	s21 =	sshll.u32 s8, $0x1;
	s5 =	sadd.s32 s6, s19  }
0xa2: {  	s9 =	simm.s32 $0x0;
	s20 =	sshll.u32 s7, $0x1;
	s7 =	sadd.s32 s21, s5  }
0xa3: {  	[timem:s9], [sflag:s22] =	dma.local [hbm:s7], s20  }
0xa4: {  	_ =	swait.ge [sflag:s22], s20  }
0xa5: {  	s6 =	ssub.s32 $0x0, s20;
	[sflag:s22] =	ssyncset.done $0x0  }
0xa6: {  	[sflag:s22] =	ssyncadd.s32 s6;
	_ =	sdelay $0x1  }
0xa7: {  	s23 =	simm.s32 $0x1B8B  }
0xa8: {  	_ =	swait.ge [sflag:s23], $0x1  }
0xa9: {  	[sflag:s23] =	ssyncset.done $0x0  }
0xaa: {  	s25 =	simm.s32 $0x1B8E;
	s24 =	sld [smem:$0x3FFE];
	[sflag:s23] =	ssyncadd.s32 $0xFFFFFFFF  }
0xab: {  	s26 =	simm.s32 $execute0_lowered;
	[smem:$0x3FD2] =	sst s25  }
0xac: {  	s7 =	sshll.u32 s26, $0x1;
	_ =	strace $0x80000049;
	[dreg:$0x1] =	wrdreg $0xFFFFFFFF  }
0xad: {  	s28 =	simm.s32 $_size_execute0_lowered;
	s5 =	sadd.s32 s5, s7;
	[dreg:$0x0] =	wrdreg $0x0  }
0xae: {  	s7 =	sshll.u32 s28, $0x1;
	[dreg:$0x2] =	wrdreg s5  }
0xaf: {  	[dreg:$0x3] =	wrdreg s7  }
0xb0: {  	[dreg:$0x4] =	wrdreg $0xC0  }
0xb1: {  	_ =	task [dreg:s9], $0x5FFFF  }
0xb2: {  	[dreg:$0x1] =	wrdreg $0xFFFFFFFF  }
0xb3: {  	[dreg:$0x0] =	wrdreg $0x60  }
0xb4: {  	[dreg:$0x2] =	wrdreg s16  }
0xb5: {  	[dreg:$0x3] =	wrdreg s17  }
0xb6: {  	[dreg:$0x4] =	wrdreg s18  }
0xb7: {  	[dreg:$0x5] =	wrdreg s24  }
0xb8: {  	[dreg:$0x6] =	wrdreg $0x9  }
0xb9: {  	_ =	task.clear_ibuf [dreg:s9], $0x7FFFF;
	_ =	strace $0x90000049  }
0xba: {  	s29 =	simm.s32 $0x9;
	_ =	strace $0x8000004B  }
0xbb: {  	_ =	swait.ge [sflag:s29], $0x1  }
0xbc: {  	[sflag:s29] =	ssyncadd.s32 $0xFFFFFFFF  }
0xbd: {  	_ =	strace $0x9000004B  }
0xbe: {  	_ =	sfence  }
0xbf: {  	s30 =	sld [smem:$0x0];
	_ =	sdelay $0x2  }
0xc0: {  	s31 =	sshll.u32 s1, $0xD;
	s1 =	sshrl.u32 s1, $0x2  }
0xc1: {  	s3 =	sand.u32 $0x4000, s31;
	s1 =	sadd.s32 s1, s30  }
0xc2: {  	s0 =	sor.u32 s3, s0;
	s1 =	sshll.u32 s1, $0x11  }
0xc3: {  	s0 =	sor.u32 s1, s0  }
0xc4: {  	s0 =	sadd.s32 $0x8F2B, s0  }
0xc5: {  	[sflag:s0] =	ssyncadd.remote.s32 $0x1  }
0xc6: {  	_ =	sfence.sel $0xFFFF  }
0xc7: {  	[dreg:$0x0] =	wrdreg $0xFFFFFFFF;
	(pc) =	sbr.abs _section_cstart, $3  }
0xc8: {  	[dreg:$0x1] =	wrdreg $0xFFFFFFFF  }
0xc9: {  	_ =	task.clear_ibuf [dreg:s9], $0x2FFFF;
	_ =	strace $0x9FFFFFFF  }
0xca: {  	(tm) =	ssettm $0x7FFFFFFF  }
0xcb: {  	_ =	shalt  }
tec
execute0_lowered:
.L_overlay_start_1:
0x0: {  	(tag) =	ssettag $0x1  }
0x1: {  	s1 =	rddreg [dreg:$0x0]  }
0x2: {  	s2 =	rddreg [dreg:$0x1]  }
0x3: {  	s3 =	rddreg [dreg:$0x2]  }
0x4: {  	s0 =	rddreg [dreg:$0x3]  }
0x5: {  	s4 =	simm.s32 $0x0;
	s5 =	srdreg.scid;
	s12 =	stileid.u32  }
0x6: {  	s15 =	simm.s32 $0x18200;
	s16 =	simm.s32 $0x1A200;
	s17 =	simm.s32 $0x18A00  }
0x7: {  	s18 =	simm.s32 $0x19200;
	s19 =	simm.s32 $0x19A00;
	s20 =	simm.s32 $0x1AA00  }
0x8: {  	s21 =	simm.s32 $0x1;
	s22 =	simm.s32 $0x14000;
	s23 =	simm.s32 $0x15900  }
0x9: {  	s24 =	simm.s32 $0x2;
	s25 =	simm.s32 $0x3;
	s5 =	sand.u32 $0x1, s5  }
.Ltmp0:
0xa: {  	s30 =	simm.s32 $0x0;
	s6 =	ssub.s32 $0x2, s5;
	(pc) =	sbr.rel .LBB2_1-.Ltmp0, $4  }
0xb: {  	[smem:$0x7FF] =	sst s4;
	s7 =	sadd.s32 $0x104A00, s0;
	s11 =	sshrl.u32 s6, $0x1  }
0xc: {  	s8 =	sadd.s32 $0x204A00, s0;
	s9 =	sadd.s32 $0x4A00, s0;
	s31 =	ssub.s32 s6, s11  }
0xd: {  	s10 =	sadd.s32 $0x1DA00, s0;
	_ =	strace $0x8000004A;
	s0 =	smax.u32 s31, $0x1  }
0xe: {  	v0 =	vimm.f32 $-1.000000020e+30;
	vm0 =	vmxor vm0, vm0;
	v1 =	vimm.s32 $0x0;
	s11 =	sshll.u32 s12, $0x1;
	s6 =	simm.s32 $0x0;
	[dreg:$0x5] =	wrdreg s0  }
.LBB2_31:
0xf: {  	s6 =	rddreg [dreg:$0x6]  }
0x10: {  	s0 =	rddreg [dreg:$0x5];
	s6 =	sadd.s32 $0x1, s6  }
0x11: {  	p0 =	sne.s32 s6, s0  }
.Ltmp1:
0x12: {  	_ = 	snop;
	(pc) =	sbr.rel @!p0 .LBB2_32-.Ltmp1, $1  }
0x13: {  	_ =	sdelay $0x3  }
.LBB2_1:
.Ltmp2:
0x14: {  	(pc) =	sbr.rel .LBB2_2-.Ltmp2, $2  }
0x15: {  	_ =	sdelay $0x2  }
0x16: {  	[dreg:$0x6] =	wrdreg s6;
	s28 =	simm.s32 $0x0  }
.LBB2_30:
0x17: {  	s0 =	smul.u32 $0x2800, s29;
	_ =	sdelay $0x1  }
0x18: {  	s0 =	sadd.s32 s8, s0  }
0x19: {  	[hbm4b:s0+s4] =	stream.linear.scatter [tilespmem:s4], [sflag:$0x3], $0x14000, $0x38;
	[tilespmem:$0x1B200] =	vst v63  }
0x1a: {  	s31 =	smul.u32 $0x320, s29;
	_ =	swait.ge [sflag:s25], $0x14000  }
0x1b: {  	[sflag:s25] =	ssyncset.done $0x0  }
0x1c: {  	s6 =	sadd.s32 s9, s31;
	[sflag:s25] =	ssyncadd.s32 $0xFFFEC000  }
0x1d: {  	[hbm4b:s6+s4] =	stream.linear.scatter [tilespmem:s22], [sflag:$0x3], $0x1900, $0x38;
	[tilespmem:$0x1B200] =	vst v63  }
0x1e: {  	s28 =	sadd.s32 $0x1, s28;
	_ =	swait.ge [sflag:s25], $0x1900  }
0x1f: {  	p0 =	sne.s32 s28, $0x4;
	[sflag:s25] =	ssyncset.done $0x0  }
.Ltmp3:
0x20: {  	s0 =	sadd.s32 s10, s31;
	[sflag:s25] =	ssyncadd.s32 $0xFFFFE700;
	(pc) =	sbr.rel @!p0 .LBB2_31-.Ltmp3, $4  }
0x21: {  	[hbm4b:s0+s4] =	stream.linear.scatter [tilespmem:s23], [sflag:$0x3], $0x1900, $0x38;
	[tilespmem:$0x1B200] =	vst v63  }
0x22: {  	_ =	swait.ge [sflag:s25], $0x1900  }
0x23: {  	[sflag:s25] =	ssyncset.done $0x0  }
0x24: {  	[sflag:s25] =	ssyncadd.s32 $0xFFFFE700  }
.LBB2_2:
0x25: {  	s0 =	simm.s32 $0x0;
	s6 =	simm.s32 $0x200  }
.LBB2_3:
0x26: {  	p0 =	sne.s32 s6, $0x4FE00;
	[tilespmem:s0+$0x70] =	vst v0  }
0x27: {  	[tilespmem:s0+$0x0] =	vst v0  }
0x28: {  	[tilespmem:s0+$0x10] =	vst v0  }
.Ltmp4:
0x29: {  	[tilespmem:s0+$0x20] =	vst v0;
	(pc) =	sbr.rel @p0 .LBB2_3-.Ltmp4, $4  }
0x2a: {  	[tilespmem:s0+$0x30] =	vst v0  }
0x2b: {  	[tilespmem:s0+$0x40] =	vst v0  }
0x2c: {  	[tilespmem:s0+$0x50] =	vst v0  }
0x2d: {  	[tilespmem:s0+$0x60] =	vst v0;
	s0 =	sshra.s32 s6, $0x2;
	s6 =	sadd.s32 $0x200, s6  }
0x2e: {  	[tilespmem:s0+$0x70] =	vst v0  }
0x2f: {  	[tilespmem:s0+$0x0] =	vst v0  }
0x30: {  	[tilespmem:s0+$0x10] =	vst v0  }
0x31: {  	[tilespmem:s0+$0x20] =	vst v0  }
0x32: {  	[tilespmem:s0+$0x30] =	vst v0  }
0x33: {  	[tilespmem:s0+$0x40] =	vst v0  }
0x34: {  	[tilespmem:s0+$0x50] =	vst v0  }
0x35: {  	[tilespmem:s0+$0x60] =	vst v0;
	s0 =	simm.s32 $0x0;
	s6 =	simm.s32 $0x200  }
.LBB2_5:
0x36: {  	p0 =	sne.s32 s6, $0x6200;
	[tilespmem:s0+$0x14070] =	vst v0  }
0x37: {  	[tilespmem:s0+$0x14000] =	vst v0  }
0x38: {  	[tilespmem:s0+$0x14010] =	vst v0  }
.Ltmp5:
0x39: {  	[tilespmem:s0+$0x14020] =	vst v0;
	(pc) =	sbr.rel @p0 .LBB2_5-.Ltmp5, $4  }
0x3a: {  	[tilespmem:s0+$0x14030] =	vst v0  }
0x3b: {  	[tilespmem:s0+$0x14040] =	vst v0  }
0x3c: {  	[tilespmem:s0+$0x14050] =	vst v0  }
0x3d: {  	[tilespmem:s0+$0x14060] =	vst v0;
	s0 =	sshra.s32 s6, $0x2;
	s6 =	sadd.s32 $0x200, s6  }
0x3e: {  	[tilespmem:s0+$0x14070] =	vst v0  }
0x3f: {  	[tilespmem:s0+$0x14000] =	vst v0  }
0x40: {  	[tilespmem:s0+$0x14010] =	vst v0  }
0x41: {  	[tilespmem:s0+$0x14020] =	vst v0  }
0x42: {  	[tilespmem:s0+$0x14030] =	vst v0  }
0x43: {  	[tilespmem:s0+$0x14040] =	vst v0  }
0x44: {  	[tilespmem:s0+$0x14050] =	vst v0  }
0x45: {  	[tilespmem:s0+$0x14060] =	vst v0;
	s0 =	simm.s32 $0x0;
	s6 =	simm.s32 $0x200  }
.LBB2_7:
0x46: {  	p0 =	sne.s32 s6, $0x6200;
	[tilespmem:s0+$0x15970] =	vst v0  }
0x47: {  	[tilespmem:s0+$0x15900] =	vst v0  }
0x48: {  	[tilespmem:s0+$0x15910] =	vst v0  }
.Ltmp6:
0x49: {  	[tilespmem:s0+$0x15920] =	vst v0;
	(pc) =	sbr.rel @p0 .LBB2_7-.Ltmp6, $4  }
0x4a: {  	[tilespmem:s0+$0x15930] =	vst v0  }
0x4b: {  	[tilespmem:s0+$0x15940] =	vst v0  }
0x4c: {  	[tilespmem:s0+$0x15950] =	vst v0  }
0x4d: {  	[tilespmem:s0+$0x15960] =	vst v0;
	s0 =	sshra.s32 s6, $0x2;
	s6 =	sadd.s32 $0x200, s6  }
0x4e: {  	[tilespmem:s0+$0x15970] =	vst v0  }
0x4f: {  	[tilespmem:s0+$0x15900] =	vst v0  }
0x50: {  	[tilespmem:s0+$0x15910] =	vst v0  }
0x51: {  	[tilespmem:s0+$0x15920] =	vst v0  }
0x52: {  	[tilespmem:s0+$0x15930] =	vst v0  }
0x53: {  	[tilespmem:s0+$0x15940] =	vst v0  }
0x54: {  	[tilespmem:s0+$0x15950] =	vst v0  }
0x55: {  	[tilespmem:s0+$0x15960] =	vst v0;
	s14 =	sshll.u32 s28, $0x5;
	s6 =	simm.s32 $0x17200  }
0x56: {  	[tilespmem:s6], [sflag:$0x1] =	stream.linear.gather [hbm4b:s1+s30], $0x800, $0x38;
	[tilespmem:$0x1B200] =	vst v63  }
0x57: {  	s0 =	sor.u32 s14, s11  }
0x58: {  	s26 =	simm.s32 $0x17A00;
	s29 =	sor.u32 s5, s0  }
0x59: {  	[tilespmem:s26], [sflag:$0x1] =	stream.linear.gather [hbm4b:s2+s30], $0x800, $0x38;
	[tilespmem:$0x1B200] =	vst v63  }
.Ltmp7:
0x5a: {  	s0 =	sshll.u32 s29, $0xD;
	(pc) =	sbr.rel .LBB2_9-.Ltmp7, $4  }
0x5b: {  	[tilespmem:s15], [sflag:$0x1] =	stream.linear.gather [hbm4b:s3+s30], $0x800, $0x38;
	[tilespmem:$0x1B200] =	vst v63  }
0x5c: {  	s0 =	sadd.s32 s7, s0  }
0x5d: {  	[tilespmem:s16], [sflag:$0x1] =	stream.linear.gather [hbm4b:s0+s30], $0x800, $0x38;
	[tilespmem:$0x1B200] =	vst v63  }
0x5e: {  	s31 =	sshll.u32 s29, $0x10;
	s0 =	simm.s32 $0x0  }
.LBB2_29:
0x5f: {  	s0 =	sadd.s32 $0x1, s0  }
0x60: {  	p0 =	sne.s32 s0, $0x10  }
.Ltmp8:
0x61: {  	_ = 	snop;
	(pc) =	sbr.rel @!p0 .LBB2_30-.Ltmp8, $1  }
0x62: {  	_ =	sdelay $0x3  }
.LBB2_9:
0x63: {  	s6 =	sshll.u32 s0, $0xC  }
0x64: {  	s12 =	sor.u32 $0x800, s6  }
0x65: {  	s26 =	sshrl.u32 s12, $0x3  }
0x66: {  	s13 =	sadd.s32 s1, s26  }
0x67: {  	[tilespmem:s17], [sflag:$0x2] =	stream.linear.gather [hbm4b:s13+s30], $0x800, $0x38;
	[tilespmem:$0x1B200] =	vst v63  }
0x68: {  	s12 =	sor.u32 s31, s12;
	s14 =	sadd.s32 s2, s26  }
0x69: {  	[tilespmem:s18], [sflag:$0x2] =	stream.linear.gather [hbm4b:s14+s30], $0x800, $0x38;
	[tilespmem:$0x1B200] =	vst v63  }
0x6a: {  	s26 =	sadd.s32 s3, s26;
	s12 =	sshrl.u32 s12, $0x3  }
0x6b: {  	[tilespmem:s19], [sflag:$0x2] =	stream.linear.gather [hbm4b:s26+s30], $0x800, $0x38;
	[tilespmem:$0x1B200] =	vst v63  }
0x6c: {  	s12 =	sadd.s32 s7, s12  }
0x6d: {  	[tilespmem:s20], [sflag:$0x2] =	stream.linear.gather [hbm4b:s12+s30], $0x800, $0x38;
	[tilespmem:$0x1B200] =	vst v63  }
0x6e: {  	_ =	swait.ge [sflag:s21], $0x800  }
0x6f: {  	[sflag:s21] =	ssyncset.done $0x0  }
0x70: {  	[sflag:s21] =	ssyncadd.s32 $0xFFFFF800  }
0x71: {  	_ =	swait.ge [sflag:s21], $0x800  }
0x72: {  	[sflag:s21] =	ssyncset.done $0x0  }
0x73: {  	[sflag:s21] =	ssyncadd.s32 $0xFFFFF800  }
0x74: {  	_ =	swait.ge [sflag:s21], $0x800  }
0x75: {  	[sflag:s21] =	ssyncset.done $0x0  }
0x76: {  	[sflag:s21] =	ssyncadd.s32 $0xFFFFF800  }
0x77: {  	_ =	swait.ge [sflag:s21], $0x800  }
0x78: {  	[sflag:s21] =	ssyncset.done $0x0  }
0x79: {  	vm1 =	vmmov vm0;
	s12 =	simm.s32 $0x0;
	[sflag:s21] =	ssyncadd.s32 $0xFFFFF800  }
.LBB2_10:
0x7a: {  	s13 =	sshra.s32 s12, $0x2  }
0x7b: {  	v9 =	vld [tilespmem:s13+$0x1A200]  }
0x7c: {  	v8 =	vld [tilespmem:s13+$0x1A210]  }
0x7d: {  	v7 =	vld [tilespmem:s13+$0x1A220]  }
0x7e: {  	v6 =	vld [tilespmem:s13+$0x1A230]  }
0x7f: {  	v5 =	vld [tilespmem:s13+$0x1A240]  }
0x80: {  	v4 =	vld [tilespmem:s13+$0x1A250]  }
0x81: {  	v3 =	vld [tilespmem:s13+$0x1A260]  }
0x82: {  	v2 =	vld [tilespmem:s13+$0x1A270]  }
0x83: {  	v27 =	vld [tilespmem:s13+$0x17200]  }
0x84: {  	v28 =	vld [tilespmem:s13+$0x17210]  }
0x85: {  	v29 =	vld [tilespmem:s13+$0x17220]  }
0x86: {  	v30 =	vld [tilespmem:s13+$0x17230]  }
0x87: {  	v31 =	vld [tilespmem:s13+$0x17240]  }
0x88: {  	v32 =	vld [tilespmem:s13+$0x17250]  }
0x89: {  	v33 =	vld [tilespmem:s13+$0x17260]  }
0x8a: {  	v26 =	vld [tilespmem:s13+$0x17270]  }
0x8b: {  	v25 =	vld [tilespmem:s13+$0x17A00]  }
0x8c: {  	v24 =	vld [tilespmem:s13+$0x17A10]  }
0x8d: {  	v23 =	vld [tilespmem:s13+$0x17A20]  }
0x8e: {  	v22 =	vld [tilespmem:s13+$0x17A30]  }
0x8f: {  	v21 =	vld [tilespmem:s13+$0x17A40]  }
0x90: {  	v20 =	vld [tilespmem:s13+$0x17A50]  }
0x91: {  	v19 =	vld [tilespmem:s13+$0x17A60]  }
0x92: {  	v18 =	vld [tilespmem:s13+$0x17A70]  }
0x93: {  	v17 =	vld [tilespmem:s13+$0x18200]  }
0x94: {  	v16 =	vld [tilespmem:s13+$0x18210]  }
0x95: {  	v15 =	vld [tilespmem:s13+$0x18220]  }
0x96: {  	v14 =	vld [tilespmem:s13+$0x18230]  }
0x97: {  	v13 =	vld [tilespmem:s13+$0x18240]  }
0x98: {  	v12 =	vld [tilespmem:s13+$0x18250]  }
0x99: {  	v11 =	vld [tilespmem:s13+$0x18260]  }
0x9a: {  	v10 =	vld [tilespmem:s13+$0x18270]  }
0x9b: {  	v34 =	vld.idx.msk [tilespmem:v27+s4+$0x0], $0xffff  }
0x9c: {  	v35 =	vld.idx.msk [tilespmem:v28+s4+$0x0], $0xffff  }
0x9d: {  	v36 =	vld.idx.msk [tilespmem:v29+s4+$0x0], $0xffff  }
0x9e: {  	v37 =	vld.idx.msk [tilespmem:v30+s4+$0x0], $0xffff  }
0x9f: {  	v38 =	vld.idx.msk [tilespmem:v31+s4+$0x0], $0xffff  }
0xa0: {  	v39 =	vld.idx.msk [tilespmem:v32+s4+$0x0], $0xffff  }
0xa1: {  	v40 =	vld.idx.msk [tilespmem:v33+s4+$0x0], $0xffff  }
0xa2: {  	v41 =	vld.idx.msk [tilespmem:v26+s4+$0x0], $0xffff  }
0xa3: {  	v42 =	vld.idx.msk [tilespmem:v25+s22+$0x0], $0xffff  }
0xa4: {  	v43 =	vld.idx.msk [tilespmem:v24+s22+$0x0], $0xffff  }
0xa5: {  	v44 =	vld.idx.msk [tilespmem:v23+s22+$0x0], $0xffff  }
0xa6: {  	v45 =	vld.idx.msk [tilespmem:v22+s22+$0x0], $0xffff  }
0xa7: {  	v46 =	vld.idx.msk [tilespmem:v21+s22+$0x0], $0xffff  }
0xa8: {  	v47 =	vld.idx.msk [tilespmem:v20+s22+$0x0], $0xffff  }
0xa9: {  	v48 =	vld.idx.msk [tilespmem:v19+s22+$0x0], $0xffff  }
0xaa: {  	v49 =	vld.idx.msk [tilespmem:v18+s22+$0x0], $0xffff  }
0xab: {  	v50 =	vld.idx.msk [tilespmem:v17+s23+$0x0], $0xffff  }
0xac: {  	v51 =	vld.idx.msk [tilespmem:v16+s23+$0x0], $0xffff  }
0xad: {  	v52 =	vld.idx.msk [tilespmem:v15+s23+$0x0], $0xffff  }
0xae: {  	v53 =	vld.idx.msk [tilespmem:v14+s23+$0x0], $0xffff  }
0xaf: {  	v54 =	vld.idx.msk [tilespmem:v13+s23+$0x0], $0xffff  }
0xb0: {  	v55 =	vld.idx.msk [tilespmem:v12+s23+$0x0], $0xffff  }
0xb1: {  	v56 =	vld.idx.msk [tilespmem:v11+s23+$0x0], $0xffff;
	v34 =	vmax.f32 v34, v9  }
0xb2: {  	v57 =	vld.idx.msk [tilespmem:v10+s23+$0x0], $0xffff;
	v61 =	vmax.f32 v35, v8;
	[tilespmem:v27+s4+$0x0] =	vst.idx.msk $0xffff, v34  }
0xb3: {  	v62 =	vmax.f32 v36, v7;
	[tilespmem:v28+s4+$0x0] =	vst.idx.msk $0xffff, v61  }
0xb4: {  	v63 =	vmax.f32 v37, v6;
	[tilespmem:v29+s4+$0x0] =	vst.idx.msk $0xffff, v62  }
0xb5: {  	v36 =	vmax.f32 v38, v5;
	[tilespmem:v30+s4+$0x0] =	vst.idx.msk $0xffff, v63  }
0xb6: {  	v37 =	vmax.f32 v39, v4;
	[tilespmem:v31+s4+$0x0] =	vst.idx.msk $0xffff, v36  }
0xb7: {  	v38 =	vmax.f32 v40, v3;
	[tilespmem:v32+s4+$0x0] =	vst.idx.msk $0xffff, v37  }
0xb8: {  	v39 =	vmax.f32 v41, v2;
	[tilespmem:v33+s4+$0x0] =	vst.idx.msk $0xffff, v38  }
0xb9: {  	v40 =	vmax.f32 v42, v9;
	[tilespmem:v26+s4+$0x0] =	vst.idx.msk $0xffff, v39  }
0xba: {  	v41 =	vmax.f32 v43, v8;
	[tilespmem:v25+s22+$0x0] =	vst.idx.msk $0xffff, v40  }
0xbb: {  	v42 =	vmax.f32 v44, v7;
	[tilespmem:v24+s22+$0x0] =	vst.idx.msk $0xffff, v41  }
0xbc: {  	v43 =	vmax.f32 v45, v6;
	[tilespmem:v23+s22+$0x0] =	vst.idx.msk $0xffff, v42  }
0xbd: {  	v44 =	vmax.f32 v46, v5;
	[tilespmem:v22+s22+$0x0] =	vst.idx.msk $0xffff, v43  }
0xbe: {  	v45 =	vmax.f32 v47, v4;
	[tilespmem:v21+s22+$0x0] =	vst.idx.msk $0xffff, v44  }
0xbf: {  	v46 =	vmax.f32 v48, v3;
	[tilespmem:v20+s22+$0x0] =	vst.idx.msk $0xffff, v45  }
0xc0: {  	v47 =	vmax.f32 v49, v2;
	[tilespmem:v19+s22+$0x0] =	vst.idx.msk $0xffff, v46  }
0xc1: {  	v48 =	vmax.f32 v50, v9;
	[tilespmem:v18+s22+$0x0] =	vst.idx.msk $0xffff, v47  }
0xc2: {  	v49 =	vmax.f32 v51, v8;
	[tilespmem:v17+s23+$0x0] =	vst.idx.msk $0xffff, v48  }
0xc3: {  	v50 =	vmax.f32 v52, v7;
	[tilespmem:v16+s23+$0x0] =	vst.idx.msk $0xffff, v49  }
0xc4: {  	v51 =	vmax.f32 v53, v6;
	[tilespmem:v15+s23+$0x0] =	vst.idx.msk $0xffff, v50  }
0xc5: {  	v52 =	vmax.f32 v54, v5;
	[tilespmem:v14+s23+$0x0] =	vst.idx.msk $0xffff, v51  }
0xc6: {  	v53 =	vmax.f32 v55, v4;
	[tilespmem:v13+s23+$0x0] =	vst.idx.msk $0xffff, v52  }
0xc7: {  	v54 =	vmax.f32 v56, v3;
	[tilespmem:v12+s23+$0x0] =	vst.idx.msk $0xffff, v53  }
0xc8: {  	v55 =	vmax.f32 v57, v2;
	[tilespmem:v11+s23+$0x0] =	vst.idx.msk $0xffff, v54  }
0xc9: {  	[tilespmem:v10+s23+$0x0] =	vst.idx.msk $0xffff, v55  }
0xca: {  	v34 =	vld.idx.msk [tilespmem:v27+s4+$0x0], $0xffff  }
0xcb: {  	v35 =	vld.idx.msk [tilespmem:v28+s4+$0x0], $0xffff  }
0xcc: {  	v36 =	vld.idx.msk [tilespmem:v29+s4+$0x0], $0xffff  }
0xcd: {  	v37 =	vld.idx.msk [tilespmem:v30+s4+$0x0], $0xffff  }
0xce: {  	v56 =	vld.idx.msk [tilespmem:v31+s4+$0x0], $0xffff  }
0xcf: {  	v39 =	vld.idx.msk [tilespmem:v32+s4+$0x0], $0xffff  }
0xd0: {  	v40 =	vld.idx.msk [tilespmem:v33+s4+$0x0], $0xffff  }
0xd1: {  	v41 =	vld.idx.msk [tilespmem:v26+s4+$0x0], $0xffff  }
0xd2: {  	v42 =	vld.idx.msk [tilespmem:v25+s22+$0x0], $0xffff  }
0xd3: {  	v43 =	vld.idx.msk [tilespmem:v24+s22+$0x0], $0xffff  }
0xd4: {  	v44 =	vld.idx.msk [tilespmem:v23+s22+$0x0], $0xffff  }
0xd5: {  	v45 =	vld.idx.msk [tilespmem:v22+s22+$0x0], $0xffff  }
0xd6: {  	v46 =	vld.idx.msk [tilespmem:v21+s22+$0x0], $0xffff  }
0xd7: {  	v57 =	vld.idx.msk [tilespmem:v20+s22+$0x0], $0xffff  }
0xd8: {  	v58 =	vld.idx.msk [tilespmem:v19+s22+$0x0], $0xffff  }
0xd9: {  	v59 =	vld.idx.msk [tilespmem:v18+s22+$0x0], $0xffff  }
0xda: {  	v60 =	vld.idx.msk [tilespmem:v17+s23+$0x0], $0xffff  }
0xdb: {  	v61 =	vld.idx.msk [tilespmem:v16+s23+$0x0], $0xffff;
	vm2 =	vlt.f32 v34, v9  }
0xdc: {  	v62 =	vld.idx.msk [tilespmem:v15+s23+$0x0], $0xffff;
	vm3 =	vlt.f32 v35, v8  }
0xdd: {  	v63 =	vld.idx.msk [tilespmem:v14+s23+$0x0], $0xffff;
	vm4 =	vlt.f32 v36, v7  }
0xde: {  	v53 =	vld.idx.msk [tilespmem:v13+s23+$0x0], $0xffff;
	vm5 =	vlt.f32 v37, v6  }
0xdf: {  	v54 =	vld.idx.msk [tilespmem:v12+s23+$0x0], $0xffff;
	vm6 =	vlt.f32 v56, v5  }
0xe0: {  	v55 =	vld.idx.msk [tilespmem:v11+s23+$0x0], $0xffff;
	vm7 =	vlt.f32 v39, v4  }
0xe1: {  	v56 =	vld.idx.msk [tilespmem:v10+s23+$0x0], $0xffff;
	[tilespmem:v27+s4+$0x0] =	vst.idx.msk vm2, v9;
	vm2 =	vlt.f32 v40, v3  }
0xe2: {  	[tilespmem:v28+s4+$0x0] =	vst.idx.msk vm3, v8;
	vm3 =	vlt.f32 v41, v2  }
0xe3: {  	vm9 =	vlt.f32 v42, v9;
	[tilespmem:v29+s4+$0x0] =	vst.idx.msk vm4, v7  }
0xe4: {  	vm10 =	vlt.f32 v43, v8;
	[tilespmem:v30+s4+$0x0] =	vst.idx.msk vm5, v6  }
0xe5: {  	vm11 =	vlt.f32 v44, v7;
	[tilespmem:v31+s4+$0x0] =	vst.idx.msk vm6, v5  }
0xe6: {  	vm12 =	vlt.f32 v45, v6;
	[tilespmem:v32+s4+$0x0] =	vst.idx.msk vm7, v4  }
0xe7: {  	[tilespmem:v33+s4+$0x0] =	vst.idx.msk vm2, v3;
	vm2 =	vlt.f32 v46, v5  }
0xe8: {  	[tilespmem:v26+s4+$0x0] =	vst.idx.msk vm3, v2;
	vm3 =	vlt.f32 v57, v4  }
0xe9: {  	vm13 =	vlt.f32 v58, v3;
	[tilespmem:v25+s22+$0x0] =	vst.idx.msk vm9, v9  }
0xea: {  	vm14 =	vlt.f32 v59, v2;
	[tilespmem:v24+s22+$0x0] =	vst.idx.msk vm10, v8  }
0xeb: {  	vm15 =	vlt.f32 v60, v9;
	[tilespmem:v23+s22+$0x0] =	vst.idx.msk vm11, v7  }
0xec: {  	vm9 =	vlt.f32 v61, v8;
	[tilespmem:v22+s22+$0x0] =	vst.idx.msk vm12, v6  }
0xed: {  	[tilespmem:v21+s22+$0x0] =	vst.idx.msk vm2, v5;
	vm2 =	vlt.f32 v62, v7  }
0xee: {  	[tilespmem:v20+s22+$0x0] =	vst.idx.msk vm3, v4;
	vm3 =	vlt.f32 v63, v6  }
0xef: {  	vm10 =	vlt.f32 v53, v5;
	[tilespmem:v19+s22+$0x0] =	vst.idx.msk vm13, v3  }
0xf0: {  	vm11 =	vlt.f32 v54, v4;
	[tilespmem:v18+s22+$0x0] =	vst.idx.msk vm14, v2  }
0xf1: {  	vm12 =	vlt.f32 v55, v3;
	[tilespmem:v17+s23+$0x0] =	vst.idx.msk vm15, v9  }
0xf2: {  	vm13 =	vlt.f32 v56, v2;
	[tilespmem:v16+s23+$0x0] =	vst.idx.msk vm9, v8  }
0xf3: {  	[tilespmem:v15+s23+$0x0] =	vst.idx.msk vm2, v7  }
0xf4: {  	[tilespmem:v14+s23+$0x0] =	vst.idx.msk vm3, v6  }
0xf5: {  	[tilespmem:v13+s23+$0x0] =	vst.idx.msk vm10, v5  }
0xf6: {  	[tilespmem:v12+s23+$0x0] =	vst.idx.msk vm11, v4  }
0xf7: {  	[tilespmem:v11+s23+$0x0] =	vst.idx.msk vm12, v3  }
0xf8: {  	[tilespmem:v10+s23+$0x0] =	vst.idx.msk vm13, v2  }
0xf9: {  	v57 =	vld.idx.msk [tilespmem:v27+s4+$0x0], $0xffff  }
0xfa: {  	v58 =	vld.idx.msk [tilespmem:v28+s4+$0x0], $0xffff  }
0xfb: {  	v59 =	vld.idx.msk [tilespmem:v29+s4+$0x0], $0xffff  }
0xfc: {  	v60 =	vld.idx.msk [tilespmem:v30+s4+$0x0], $0xffff  }
0xfd: {  	v61 =	vld.idx.msk [tilespmem:v31+s4+$0x0], $0xffff  }
0xfe: {  	v39 =	vld.idx.msk [tilespmem:v32+s4+$0x0], $0xffff  }
0xff: {  	v40 =	vld.idx.msk [tilespmem:v33+s4+$0x0], $0xffff  }
0x100: {  	v41 =	vld.idx.msk [tilespmem:v26+s4+$0x0], $0xffff  }
0x101: {  	v42 =	vld.idx.msk [tilespmem:v25+s22+$0x0], $0xffff  }
0x102: {  	v43 =	vld.idx.msk [tilespmem:v24+s22+$0x0], $0xffff  }
0x103: {  	v44 =	vld.idx.msk [tilespmem:v23+s22+$0x0], $0xffff  }
0x104: {  	v45 =	vld.idx.msk [tilespmem:v22+s22+$0x0], $0xffff  }
0x105: {  	v46 =	vld.idx.msk [tilespmem:v21+s22+$0x0], $0xffff  }
0x106: {  	v47 =	vld.idx.msk [tilespmem:v20+s22+$0x0], $0xffff  }
0x107: {  	v48 =	vld.idx.msk [tilespmem:v19+s22+$0x0], $0xffff  }
0x108: {  	v49 =	vld.idx.msk [tilespmem:v18+s22+$0x0], $0xffff  }
0x109: {  	v62 =	vld.idx.msk [tilespmem:v17+s23+$0x0], $0xffff  }
0x10a: {  	v63 =	vld.idx.msk [tilespmem:v16+s23+$0x0], $0xffff;
	vm2 =	vlt.f32 v57, v9  }
0x10b: {  	v56 =	vld.idx.msk [tilespmem:v15+s23+$0x0], $0xffff;
	vm3 =	vlt.f32 v58, v8  }
0x10c: {  	v57 =	vld.idx.msk [tilespmem:v14+s23+$0x0], $0xffff;
	vm14 =	vlt.f32 v59, v7  }
0x10d: {  	v58 =	vld.idx.msk [tilespmem:v13+s23+$0x0], $0xffff;
	vm15 =	vlt.f32 v60, v6  }
0x10e: {  	v59 =	vld.idx.msk [tilespmem:v12+s23+$0x0], $0xffff;
	vm9 =	vlt.f32 v61, v5  }
0x10f: {  	v60 =	vld.idx.msk [tilespmem:v11+s23+$0x0], $0xffff;
	vm10 =	vlt.f32 v39, v4  }
0x110: {  	v61 =	vld.idx.msk [tilespmem:v10+s23+$0x0], $0xffff;
	[tilespmem:v27+s4+$0x0] =	vst.idx.msk vm2, v9;
	vm2 =	vlt.f32 v40, v3  }
0x111: {  	[tilespmem:v28+s4+$0x0] =	vst.idx.msk vm3, v8;
	vm3 =	vlt.f32 v41, v2  }
0x112: {  	vm11 =	vlt.f32 v42, v9;
	[tilespmem:v29+s4+$0x0] =	vst.idx.msk vm14, v7  }
0x113: {  	vm12 =	vlt.f32 v43, v8;
	[tilespmem:v30+s4+$0x0] =	vst.idx.msk vm15, v6  }
0x114: {  	vm13 =	vlt.f32 v44, v7;
	[tilespmem:v31+s4+$0x0] =	vst.idx.msk vm9, v5  }
0x115: {  	vm14 =	vlt.f32 v45, v6;
	[tilespmem:v32+s4+$0x0] =	vst.idx.msk vm10, v4  }
0x116: {  	[tilespmem:v33+s4+$0x0] =	vst.idx.msk vm2, v3;
	vm2 =	vlt.f32 v46, v5  }
0x117: {  	[tilespmem:v26+s4+$0x0] =	vst.idx.msk vm3, v2;
	vm3 =	vlt.f32 v47, v4  }
0x118: {  	vm15 =	vlt.f32 v48, v3;
	[tilespmem:v25+s22+$0x0] =	vst.idx.msk vm11, v9  }
0x119: {  	vm9 =	vlt.f32 v49, v2;
	[tilespmem:v24+s22+$0x0] =	vst.idx.msk vm12, v8  }
0x11a: {  	vm10 =	vlt.f32 v62, v9;
	[tilespmem:v23+s22+$0x0] =	vst.idx.msk vm13, v7  }
0x11b: {  	vm11 =	vlt.f32 v63, v8;
	[tilespmem:v22+s22+$0x0] =	vst.idx.msk vm14, v6  }
0x11c: {  	[tilespmem:v21+s22+$0x0] =	vst.idx.msk vm2, v5;
	vm2 =	vlt.f32 v56, v7  }
0x11d: {  	[tilespmem:v20+s22+$0x0] =	vst.idx.msk vm3, v4;
	vm3 =	vlt.f32 v57, v6  }
0x11e: {  	vm12 =	vlt.f32 v58, v5;
	[tilespmem:v19+s22+$0x0] =	vst.idx.msk vm15, v3  }
0x11f: {  	vm13 =	vlt.f32 v59, v4;
	[tilespmem:v18+s22+$0x0] =	vst.idx.msk vm9, v2  }
0x120: {  	vm14 =	vlt.f32 v60, v3;
	[tilespmem:v17+s23+$0x0] =	vst.idx.msk vm10, v9  }
0x121: {  	vm15 =	vlt.f32 v61, v2;
	[tilespmem:v16+s23+$0x0] =	vst.idx.msk vm11, v8  }
0x122: {  	[tilespmem:v15+s23+$0x0] =	vst.idx.msk vm2, v7  }
0x123: {  	[tilespmem:v14+s23+$0x0] =	vst.idx.msk vm3, v6  }
0x124: {  	[tilespmem:v13+s23+$0x0] =	vst.idx.msk vm12, v5  }
0x125: {  	[tilespmem:v12+s23+$0x0] =	vst.idx.msk vm13, v4  }
0x126: {  	[tilespmem:v11+s23+$0x0] =	vst.idx.msk vm14, v3  }
0x127: {  	[tilespmem:v10+s23+$0x0] =	vst.idx.msk vm15, v2  }
0x128: {  	v27 =	vld.idx.msk [tilespmem:v27+s4+$0x0], $0xffff  }
0x129: {  	v28 =	vld.idx.msk [tilespmem:v28+s4+$0x0], $0xffff  }
0x12a: {  	v29 =	vld.idx.msk [tilespmem:v29+s4+$0x0], $0xffff  }
0x12b: {  	v30 =	vld.idx.msk [tilespmem:v30+s4+$0x0], $0xffff  }
0x12c: {  	v31 =	vld.idx.msk [tilespmem:v31+s4+$0x0], $0xffff  }
0x12d: {  	v32 =	vld.idx.msk [tilespmem:v32+s4+$0x0], $0xffff  }
0x12e: {  	v33 =	vld.idx.msk [tilespmem:v33+s4+$0x0], $0xffff;
	vm2 =	vlt.f32 v27, v9;
	vm3 =	vlt.f32 v28, v8  }
0x12f: {  	v26 =	vld.idx.msk [tilespmem:v26+s4+$0x0], $0xffff;
	vm2 =	vmor vm2, vm3;
	vm3 =	vlt.f32 v29, v7  }
0x130: {  	v25 =	vld.idx.msk [tilespmem:v25+s22+$0x0], $0xffff;
	vm2 =	vmor vm2, vm3;
	vm3 =	vlt.f32 v30, v6  }
0x131: {  	v24 =	vld.idx.msk [tilespmem:v24+s22+$0x0], $0xffff;
	vm2 =	vmor vm2, vm3;
	vm3 =	vlt.f32 v31, v5  }
0x132: {  	v23 =	vld.idx.msk [tilespmem:v23+s22+$0x0], $0xffff;
	vm2 =	vmor vm2, vm3;
	vm3 =	vlt.f32 v32, v4  }
0x133: {  	v22 =	vld.idx.msk [tilespmem:v22+s22+$0x0], $0xffff;
	vm2 =	vmor vm2, vm3;
	vm3 =	vlt.f32 v33, v3  }
0x134: {  	v21 =	vld.idx.msk [tilespmem:v21+s22+$0x0], $0xffff;
	vm2 =	vmor vm2, vm3;
	vm3 =	vlt.f32 v26, v2  }
0x135: {  	v20 =	vld.idx.msk [tilespmem:v20+s22+$0x0], $0xffff;
	vm2 =	vmor vm2, vm3;
	vm3 =	vlt.f32 v25, v9  }
0x136: {  	v19 =	vld.idx.msk [tilespmem:v19+s22+$0x0], $0xffff;
	vm2 =	vmor vm2, vm3;
	vm3 =	vlt.f32 v24, v8  }
0x137: {  	v18 =	vld.idx.msk [tilespmem:v18+s22+$0x0], $0xffff;
	vm2 =	vmor vm2, vm3;
	vm3 =	vlt.f32 v23, v7  }
0x138: {  	v17 =	vld.idx.msk [tilespmem:v17+s23+$0x0], $0xffff;
	vm2 =	vmor vm2, vm3;
	vm3 =	vlt.f32 v22, v6  }
0x139: {  	v16 =	vld.idx.msk [tilespmem:v16+s23+$0x0], $0xffff;
	vm2 =	vmor vm2, vm3;
	vm3 =	vlt.f32 v21, v5  }
0x13a: {  	v15 =	vld.idx.msk [tilespmem:v15+s23+$0x0], $0xffff;
	vm2 =	vmor vm2, vm3;
	vm3 =	vlt.f32 v20, v4  }
0x13b: {  	v14 =	vld.idx.msk [tilespmem:v14+s23+$0x0], $0xffff;
	vm2 =	vmor vm2, vm3;
	vm3 =	vlt.f32 v19, v3  }
0x13c: {  	v13 =	vld.idx.msk [tilespmem:v13+s23+$0x0], $0xffff;
	vm2 =	vmor vm2, vm3;
	vm3 =	vlt.f32 v18, v2  }
0x13d: {  	v12 =	vld.idx.msk [tilespmem:v12+s23+$0x0], $0xffff;
	vm2 =	vmor vm2, vm3;
	vm3 =	vlt.f32 v17, v9  }
0x13e: {  	v62 =	vld.idx.msk [tilespmem:v11+s23+$0x0], $0xffff;
	vm2 =	vmor vm2, vm3;
	vm3 =	vlt.f32 v16, v8  }
0x13f: {  	v63 =	vld.idx.msk [tilespmem:v10+s23+$0x0], $0xffff;
	vm2 =	vmor vm2, vm3;
	vm3 =	vlt.f32 v15, v7  }
0x140: {  	vm2 =	vmor vm2, vm3;
	vm3 =	vlt.f32 v14, v6  }
0x141: {  	p0 =	sne.s32 s12, $0x1E00;
	vm2 =	vmor vm2, vm3;
	vm3 =	vlt.f32 v13, v5  }
.Ltmp9:
0x142: {  	vm2 =	vmor vm2, vm3;
	vm3 =	vlt.f32 v12, v4;
	(pc) =	sbr.rel @p0 .LBB2_10-.Ltmp9, $4  }
0x143: {  	vm2 =	vmor vm2, vm3;
	vm3 =	vlt.f32 v62, v3  }
0x144: {  	vm2 =	vmor vm2, vm3;
	vm3 =	vlt.f32 v63, v2  }
0x145: {  	vm2 =	vmor vm2, vm3  }
0x146: {  	s12 =	sadd.s32 $0x200, s12;
	vm1 =	vmor vm1, vm2  }
0x147: {  	v2 =	vmpcnt.ones.xlane vm1;
	_ =	sdelay $0x1  }
0x148: {  	v2 =	vxor.u32 $0x80000000, v2  }
0x149: {  	(xrf0) =	vmax.scan.msk.u32 $0xffff, v2;
	_ =	sdelay $0x5  }
0x14a: {  	v2, _, _ =	vpop (xrf0)  }
0x14b: {  	(v2sf) =	vpush v2, $0xF;
	_ =	sdelay $0xe  }
0x14c: {  	s12 =	spop (v2sf)  }
0x14d: {  	p0 =	slt.u32 s12, $0x80000001  }
.Ltmp10:
0x14e: {  	_ = 	snop;
	(pc) =	sbr.rel @!p0 .LBB2_12-.Ltmp10, $2  }
0x14f: {  	_ =	sdelay $0x2  }
0x150: {  	s12 =	simm.s32 $0x0  }
.LBB2_19:
0x151: {  	p0 =	seq.s32 s0, $0xF  }
0x152: {  	s6 =	sadd.s32 @!p0 $0x1000, s6  }
0x153: {  	s12 =	sshrl.u32 @!p0 s6, $0x3  }
0x154: {  	s26 =	simm.s32 @!p0 $0x0;
	s14 =	simm.s32 @!p0 $0x17200;
	s13 =	sadd.s32 @!p0 s1, s12  }
0x155: {  	[tilespmem:s14], [sflag:$0x1] =	stream.linear.gather @!p0 [hbm4b:s13+s26], $0x800, $0x38;
	[tilespmem:$0x1B200] =	vst v63  }
0x156: {  	s6 =	sadd.s32 @!p0 s31, s6;
	s13 =	sadd.s32 @!p0 s2, s12;
	s14 =	simm.s32 @!p0 $0x17A00  }
0x157: {  	[tilespmem:s14], [sflag:$0x1] =	stream.linear.gather @!p0 [hbm4b:s13+s26], $0x800, $0x38;
	[tilespmem:$0x1B200] =	vst v63  }
0x158: {  	s6 =	sshrl.u32 @!p0 s6, $0x3;
	s12 =	sadd.s32 @!p0 s3, s12;
	s13 =	simm.s32 @!p0 $0x18200  }
0x159: {  	[tilespmem:s13], [sflag:$0x1] =	stream.linear.gather @!p0 [hbm4b:s12+s26], $0x800, $0x38;
	[tilespmem:$0x1B200] =	vst v63  }
0x15a: {  	s6 =	sadd.s32 @!p0 s7, s6;
	s12 =	simm.s32 @!p0 $0x1A200  }
0x15b: {  	[tilespmem:s12], [sflag:$0x1] =	stream.linear.gather @!p0 [hbm4b:s6+s26], $0x800, $0x38;
	[tilespmem:$0x1B200] =	vst v63  }
0x15c: {  	_ =	swait.ge [sflag:s24], $0x800  }
0x15d: {  	[sflag:s24] =	ssyncset.done $0x0  }
0x15e: {  	[sflag:s24] =	ssyncadd.s32 $0xFFFFF800  }
0x15f: {  	_ =	swait.ge [sflag:s24], $0x800  }
0x160: {  	[sflag:s24] =	ssyncset.done $0x0  }
0x161: {  	[sflag:s24] =	ssyncadd.s32 $0xFFFFF800  }
0x162: {  	_ =	swait.ge [sflag:s24], $0x800  }
0x163: {  	[sflag:s24] =	ssyncset.done $0x0  }
0x164: {  	[sflag:s24] =	ssyncadd.s32 $0xFFFFF800  }
0x165: {  	_ =	swait.ge [sflag:s24], $0x800  }
0x166: {  	[sflag:s24] =	ssyncset.done $0x0  }
0x167: {  	vm1 =	vmmov vm0;
	s6 =	simm.s32 $0x0;
	[sflag:s24] =	ssyncadd.s32 $0xFFFFF800  }
.LBB2_20:
0x168: {  	s12 =	sshra.s32 s6, $0x2  }
0x169: {  	v9 =	vld [tilespmem:s12+$0x1AA00]  }
0x16a: {  	v8 =	vld [tilespmem:s12+$0x1AA10]  }
0x16b: {  	v7 =	vld [tilespmem:s12+$0x1AA20]  }
0x16c: {  	v6 =	vld [tilespmem:s12+$0x1AA30]  }
0x16d: {  	v5 =	vld [tilespmem:s12+$0x1AA40]  }
0x16e: {  	v4 =	vld [tilespmem:s12+$0x1AA50]  }
0x16f: {  	v3 =	vld [tilespmem:s12+$0x1AA60]  }
0x170: {  	v2 =	vld [tilespmem:s12+$0x1AA70]  }
0x171: {  	v27 =	vld [tilespmem:s12+$0x18A00]  }
0x172: {  	v28 =	vld [tilespmem:s12+$0x18A10]  }
0x173: {  	v29 =	vld [tilespmem:s12+$0x18A20]  }
0x174: {  	v30 =	vld [tilespmem:s12+$0x18A30]  }
0x175: {  	v31 =	vld [tilespmem:s12+$0x18A40]  }
0x176: {  	v32 =	vld [tilespmem:s12+$0x18A50]  }
0x177: {  	v33 =	vld [tilespmem:s12+$0x18A60]  }
0x178: {  	v26 =	vld [tilespmem:s12+$0x18A70]  }
0x179: {  	v25 =	vld [tilespmem:s12+$0x19200]  }
0x17a: {  	v24 =	vld [tilespmem:s12+$0x19210]  }
0x17b: {  	v23 =	vld [tilespmem:s12+$0x19220]  }
0x17c: {  	v22 =	vld [tilespmem:s12+$0x19230]  }
0x17d: {  	v21 =	vld [tilespmem:s12+$0x19240]  }
0x17e: {  	v20 =	vld [tilespmem:s12+$0x19250]  }
0x17f: {  	v19 =	vld [tilespmem:s12+$0x19260]  }
0x180: {  	v18 =	vld [tilespmem:s12+$0x19270]  }
0x181: {  	v17 =	vld [tilespmem:s12+$0x19A00]  }
0x182: {  	v16 =	vld [tilespmem:s12+$0x19A10]  }
0x183: {  	v15 =	vld [tilespmem:s12+$0x19A20]  }
0x184: {  	v14 =	vld [tilespmem:s12+$0x19A30]  }
0x185: {  	v13 =	vld [tilespmem:s12+$0x19A40]  }
0x186: {  	v12 =	vld [tilespmem:s12+$0x19A50]  }
0x187: {  	v11 =	vld [tilespmem:s12+$0x19A60]  }
0x188: {  	v10 =	vld [tilespmem:s12+$0x19A70]  }
0x189: {  	v34 =	vld.idx.msk [tilespmem:v27+s4+$0x0], $0xffff  }
0x18a: {  	v35 =	vld.idx.msk [tilespmem:v28+s4+$0x0], $0xffff  }
0x18b: {  	v36 =	vld.idx.msk [tilespmem:v29+s4+$0x0], $0xffff  }
0x18c: {  	v37 =	vld.idx.msk [tilespmem:v30+s4+$0x0], $0xffff  }
0x18d: {  	v38 =	vld.idx.msk [tilespmem:v31+s4+$0x0], $0xffff  }
0x18e: {  	v39 =	vld.idx.msk [tilespmem:v32+s4+$0x0], $0xffff  }
0x18f: {  	v40 =	vld.idx.msk [tilespmem:v33+s4+$0x0], $0xffff  }
0x190: {  	v41 =	vld.idx.msk [tilespmem:v26+s4+$0x0], $0xffff  }
0x191: {  	v42 =	vld.idx.msk [tilespmem:v25+s22+$0x0], $0xffff  }
0x192: {  	v43 =	vld.idx.msk [tilespmem:v24+s22+$0x0], $0xffff  }
0x193: {  	v44 =	vld.idx.msk [tilespmem:v23+s22+$0x0], $0xffff  }
0x194: {  	v45 =	vld.idx.msk [tilespmem:v22+s22+$0x0], $0xffff  }
0x195: {  	v46 =	vld.idx.msk [tilespmem:v21+s22+$0x0], $0xffff  }
0x196: {  	v47 =	vld.idx.msk [tilespmem:v20+s22+$0x0], $0xffff  }
0x197: {  	v48 =	vld.idx.msk [tilespmem:v19+s22+$0x0], $0xffff  }
0x198: {  	v49 =	vld.idx.msk [tilespmem:v18+s22+$0x0], $0xffff  }
0x199: {  	v50 =	vld.idx.msk [tilespmem:v17+s23+$0x0], $0xffff  }
0x19a: {  	v51 =	vld.idx.msk [tilespmem:v16+s23+$0x0], $0xffff  }
0x19b: {  	v52 =	vld.idx.msk [tilespmem:v15+s23+$0x0], $0xffff  }
0x19c: {  	v53 =	vld.idx.msk [tilespmem:v14+s23+$0x0], $0xffff  }
0x19d: {  	v54 =	vld.idx.msk [tilespmem:v13+s23+$0x0], $0xffff  }
0x19e: {  	v55 =	vld.idx.msk [tilespmem:v12+s23+$0x0], $0xffff  }
0x19f: {  	v56 =	vld.idx.msk [tilespmem:v11+s23+$0x0], $0xffff;
	v34 =	vmax.f32 v34, v9  }
0x1a0: {  	v57 =	vld.idx.msk [tilespmem:v10+s23+$0x0], $0xffff;
	v61 =	vmax.f32 v35, v8;
	[tilespmem:v27+s4+$0x0] =	vst.idx.msk $0xffff, v34  }
0x1a1: {  	v62 =	vmax.f32 v36, v7;
	[tilespmem:v28+s4+$0x0] =	vst.idx.msk $0xffff, v61  }
0x1a2: {  	v63 =	vmax.f32 v37, v6;
	[tilespmem:v29+s4+$0x0] =	vst.idx.msk $0xffff, v62  }
0x1a3: {  	v36 =	vmax.f32 v38, v5;
	[tilespmem:v30+s4+$0x0] =	vst.idx.msk $0xffff, v63  }
0x1a4: {  	v37 =	vmax.f32 v39, v4;
	[tilespmem:v31+s4+$0x0] =	vst.idx.msk $0xffff, v36  }
0x1a5: {  	v38 =	vmax.f32 v40, v3;
	[tilespmem:v32+s4+$0x0] =	vst.idx.msk $0xffff, v37  }
0x1a6: {  	v39 =	vmax.f32 v41, v2;
	[tilespmem:v33+s4+$0x0] =	vst.idx.msk $0xffff, v38  }
0x1a7: {  	v40 =	vmax.f32 v42, v9;
	[tilespmem:v26+s4+$0x0] =	vst.idx.msk $0xffff, v39  }
0x1a8: {  	v41 =	vmax.f32 v43, v8;
	[tilespmem:v25+s22+$0x0] =	vst.idx.msk $0xffff, v40  }
0x1a9: {  	v42 =	vmax.f32 v44, v7;
	[tilespmem:v24+s22+$0x0] =	vst.idx.msk $0xffff, v41  }
0x1aa: {  	v43 =	vmax.f32 v45, v6;
	[tilespmem:v23+s22+$0x0] =	vst.idx.msk $0xffff, v42  }
0x1ab: {  	v44 =	vmax.f32 v46, v5;
	[tilespmem:v22+s22+$0x0] =	vst.idx.msk $0xffff, v43  }
0x1ac: {  	v45 =	vmax.f32 v47, v4;
	[tilespmem:v21+s22+$0x0] =	vst.idx.msk $0xffff, v44  }
0x1ad: {  	v46 =	vmax.f32 v48, v3;
	[tilespmem:v20+s22+$0x0] =	vst.idx.msk $0xffff, v45  }
0x1ae: {  	v47 =	vmax.f32 v49, v2;
	[tilespmem:v19+s22+$0x0] =	vst.idx.msk $0xffff, v46  }
0x1af: {  	v48 =	vmax.f32 v50, v9;
	[tilespmem:v18+s22+$0x0] =	vst.idx.msk $0xffff, v47  }
0x1b0: {  	v49 =	vmax.f32 v51, v8;
	[tilespmem:v17+s23+$0x0] =	vst.idx.msk $0xffff, v48  }
0x1b1: {  	v50 =	vmax.f32 v52, v7;
	[tilespmem:v16+s23+$0x0] =	vst.idx.msk $0xffff, v49  }
0x1b2: {  	v51 =	vmax.f32 v53, v6;
	[tilespmem:v15+s23+$0x0] =	vst.idx.msk $0xffff, v50  }
0x1b3: {  	v52 =	vmax.f32 v54, v5;
	[tilespmem:v14+s23+$0x0] =	vst.idx.msk $0xffff, v51  }
0x1b4: {  	v53 =	vmax.f32 v55, v4;
	[tilespmem:v13+s23+$0x0] =	vst.idx.msk $0xffff, v52  }
0x1b5: {  	v54 =	vmax.f32 v56, v3;
	[tilespmem:v12+s23+$0x0] =	vst.idx.msk $0xffff, v53  }
0x1b6: {  	v55 =	vmax.f32 v57, v2;
	[tilespmem:v11+s23+$0x0] =	vst.idx.msk $0xffff, v54  }
0x1b7: {  	[tilespmem:v10+s23+$0x0] =	vst.idx.msk $0xffff, v55  }
0x1b8: {  	v34 =	vld.idx.msk [tilespmem:v27+s4+$0x0], $0xffff  }
0x1b9: {  	v35 =	vld.idx.msk [tilespmem:v28+s4+$0x0], $0xffff  }
0x1ba: {  	v36 =	vld.idx.msk [tilespmem:v29+s4+$0x0], $0xffff  }
0x1bb: {  	v37 =	vld.idx.msk [tilespmem:v30+s4+$0x0], $0xffff  }
0x1bc: {  	v56 =	vld.idx.msk [tilespmem:v31+s4+$0x0], $0xffff  }
0x1bd: {  	v39 =	vld.idx.msk [tilespmem:v32+s4+$0x0], $0xffff  }
0x1be: {  	v40 =	vld.idx.msk [tilespmem:v33+s4+$0x0], $0xffff  }
0x1bf: {  	v41 =	vld.idx.msk [tilespmem:v26+s4+$0x0], $0xffff  }
0x1c0: {  	v42 =	vld.idx.msk [tilespmem:v25+s22+$0x0], $0xffff  }
0x1c1: {  	v43 =	vld.idx.msk [tilespmem:v24+s22+$0x0], $0xffff  }
0x1c2: {  	v44 =	vld.idx.msk [tilespmem:v23+s22+$0x0], $0xffff  }
0x1c3: {  	v45 =	vld.idx.msk [tilespmem:v22+s22+$0x0], $0xffff  }
0x1c4: {  	v46 =	vld.idx.msk [tilespmem:v21+s22+$0x0], $0xffff  }
0x1c5: {  	v57 =	vld.idx.msk [tilespmem:v20+s22+$0x0], $0xffff  }
0x1c6: {  	v58 =	vld.idx.msk [tilespmem:v19+s22+$0x0], $0xffff  }
0x1c7: {  	v59 =	vld.idx.msk [tilespmem:v18+s22+$0x0], $0xffff  }
0x1c8: {  	v60 =	vld.idx.msk [tilespmem:v17+s23+$0x0], $0xffff  }
0x1c9: {  	v61 =	vld.idx.msk [tilespmem:v16+s23+$0x0], $0xffff;
	vm2 =	vlt.f32 v34, v9  }
0x1ca: {  	v62 =	vld.idx.msk [tilespmem:v15+s23+$0x0], $0xffff;
	vm3 =	vlt.f32 v35, v8  }
0x1cb: {  	v63 =	vld.idx.msk [tilespmem:v14+s23+$0x0], $0xffff;
	vm4 =	vlt.f32 v36, v7  }
0x1cc: {  	v53 =	vld.idx.msk [tilespmem:v13+s23+$0x0], $0xffff;
	vm5 =	vlt.f32 v37, v6  }
0x1cd: {  	v54 =	vld.idx.msk [tilespmem:v12+s23+$0x0], $0xffff;
	vm6 =	vlt.f32 v56, v5  }
0x1ce: {  	v55 =	vld.idx.msk [tilespmem:v11+s23+$0x0], $0xffff;
	vm7 =	vlt.f32 v39, v4  }
0x1cf: {  	v56 =	vld.idx.msk [tilespmem:v10+s23+$0x0], $0xffff;
	[tilespmem:v27+s4+$0x0] =	vst.idx.msk vm2, v9;
	vm2 =	vlt.f32 v40, v3  }
0x1d0: {  	[tilespmem:v28+s4+$0x0] =	vst.idx.msk vm3, v8;
	vm3 =	vlt.f32 v41, v2  }
0x1d1: {  	vm9 =	vlt.f32 v42, v9;
	[tilespmem:v29+s4+$0x0] =	vst.idx.msk vm4, v7  }
0x1d2: {  	vm10 =	vlt.f32 v43, v8;
	[tilespmem:v30+s4+$0x0] =	vst.idx.msk vm5, v6  }
0x1d3: {  	vm11 =	vlt.f32 v44, v7;
	[tilespmem:v31+s4+$0x0] =	vst.idx.msk vm6, v5  }
0x1d4: {  	vm12 =	vlt.f32 v45, v6;
	[tilespmem:v32+s4+$0x0] =	vst.idx.msk vm7, v4  }
0x1d5: {  	[tilespmem:v33+s4+$0x0] =	vst.idx.msk vm2, v3;
	vm2 =	vlt.f32 v46, v5  }
0x1d6: {  	[tilespmem:v26+s4+$0x0] =	vst.idx.msk vm3, v2;
	vm3 =	vlt.f32 v57, v4  }
0x1d7: {  	vm13 =	vlt.f32 v58, v3;
	[tilespmem:v25+s22+$0x0] =	vst.idx.msk vm9, v9  }
0x1d8: {  	vm14 =	vlt.f32 v59, v2;
	[tilespmem:v24+s22+$0x0] =	vst.idx.msk vm10, v8  }
0x1d9: {  	vm15 =	vlt.f32 v60, v9;
	[tilespmem:v23+s22+$0x0] =	vst.idx.msk vm11, v7  }
0x1da: {  	vm9 =	vlt.f32 v61, v8;
	[tilespmem:v22+s22+$0x0] =	vst.idx.msk vm12, v6  }
0x1db: {  	[tilespmem:v21+s22+$0x0] =	vst.idx.msk vm2, v5;
	vm2 =	vlt.f32 v62, v7  }
0x1dc: {  	[tilespmem:v20+s22+$0x0] =	vst.idx.msk vm3, v4;
	vm3 =	vlt.f32 v63, v6  }
0x1dd: {  	vm10 =	vlt.f32 v53, v5;
	[tilespmem:v19+s22+$0x0] =	vst.idx.msk vm13, v3  }
0x1de: {  	vm11 =	vlt.f32 v54, v4;
	[tilespmem:v18+s22+$0x0] =	vst.idx.msk vm14, v2  }
0x1df: {  	vm12 =	vlt.f32 v55, v3;
	[tilespmem:v17+s23+$0x0] =	vst.idx.msk vm15, v9  }
0x1e0: {  	vm13 =	vlt.f32 v56, v2;
	[tilespmem:v16+s23+$0x0] =	vst.idx.msk vm9, v8  }
0x1e1: {  	[tilespmem:v15+s23+$0x0] =	vst.idx.msk vm2, v7  }
0x1e2: {  	[tilespmem:v14+s23+$0x0] =	vst.idx.msk vm3, v6  }
0x1e3: {  	[tilespmem:v13+s23+$0x0] =	vst.idx.msk vm10, v5  }
0x1e4: {  	[tilespmem:v12+s23+$0x0] =	vst.idx.msk vm11, v4  }
0x1e5: {  	[tilespmem:v11+s23+$0x0] =	vst.idx.msk vm12, v3  }
0x1e6: {  	[tilespmem:v10+s23+$0x0] =	vst.idx.msk vm13, v2  }
0x1e7: {  	v57 =	vld.idx.msk [tilespmem:v27+s4+$0x0], $0xffff  }
0x1e8: {  	v58 =	vld.idx.msk [tilespmem:v28+s4+$0x0], $0xffff  }
0x1e9: {  	v59 =	vld.idx.msk [tilespmem:v29+s4+$0x0], $0xffff  }
0x1ea: {  	v60 =	vld.idx.msk [tilespmem:v30+s4+$0x0], $0xffff  }
0x1eb: {  	v61 =	vld.idx.msk [tilespmem:v31+s4+$0x0], $0xffff  }
0x1ec: {  	v39 =	vld.idx.msk [tilespmem:v32+s4+$0x0], $0xffff  }
0x1ed: {  	v40 =	vld.idx.msk [tilespmem:v33+s4+$0x0], $0xffff  }
0x1ee: {  	v41 =	vld.idx.msk [tilespmem:v26+s4+$0x0], $0xffff  }
0x1ef: {  	v42 =	vld.idx.msk [tilespmem:v25+s22+$0x0], $0xffff  }
0x1f0: {  	v43 =	vld.idx.msk [tilespmem:v24+s22+$0x0], $0xffff  }
0x1f1: {  	v44 =	vld.idx.msk [tilespmem:v23+s22+$0x0], $0xffff  }
0x1f2: {  	v45 =	vld.idx.msk [tilespmem:v22+s22+$0x0], $0xffff  }
0x1f3: {  	v46 =	vld.idx.msk [tilespmem:v21+s22+$0x0], $0xffff  }
0x1f4: {  	v47 =	vld.idx.msk [tilespmem:v20+s22+$0x0], $0xffff  }
0x1f5: {  	v48 =	vld.idx.msk [tilespmem:v19+s22+$0x0], $0xffff  }
0x1f6: {  	v49 =	vld.idx.msk [tilespmem:v18+s22+$0x0], $0xffff  }
0x1f7: {  	v62 =	vld.idx.msk [tilespmem:v17+s23+$0x0], $0xffff  }
0x1f8: {  	v63 =	vld.idx.msk [tilespmem:v16+s23+$0x0], $0xffff;
	vm2 =	vlt.f32 v57, v9  }
0x1f9: {  	v56 =	vld.idx.msk [tilespmem:v15+s23+$0x0], $0xffff;
	vm3 =	vlt.f32 v58, v8  }
0x1fa: {  	v57 =	vld.idx.msk [tilespmem:v14+s23+$0x0], $0xffff;
	vm14 =	vlt.f32 v59, v7  }
0x1fb: {  	v58 =	vld.idx.msk [tilespmem:v13+s23+$0x0], $0xffff;
	vm15 =	vlt.f32 v60, v6  }
0x1fc: {  	v59 =	vld.idx.msk [tilespmem:v12+s23+$0x0], $0xffff;
	vm9 =	vlt.f32 v61, v5  }
0x1fd: {  	v60 =	vld.idx.msk [tilespmem:v11+s23+$0x0], $0xffff;
	vm10 =	vlt.f32 v39, v4  }
0x1fe: {  	v61 =	vld.idx.msk [tilespmem:v10+s23+$0x0], $0xffff;
	[tilespmem:v27+s4+$0x0] =	vst.idx.msk vm2, v9;
	vm2 =	vlt.f32 v40, v3  }
0x1ff: {  	[tilespmem:v28+s4+$0x0] =	vst.idx.msk vm3, v8;
	vm3 =	vlt.f32 v41, v2  }
0x200: {  	vm11 =	vlt.f32 v42, v9;
	[tilespmem:v29+s4+$0x0] =	vst.idx.msk vm14, v7  }
0x201: {  	vm12 =	vlt.f32 v43, v8;
	[tilespmem:v30+s4+$0x0] =	vst.idx.msk vm15, v6  }
0x202: {  	vm13 =	vlt.f32 v44, v7;
	[tilespmem:v31+s4+$0x0] =	vst.idx.msk vm9, v5  }
0x203: {  	vm14 =	vlt.f32 v45, v6;
	[tilespmem:v32+s4+$0x0] =	vst.idx.msk vm10, v4  }
0x204: {  	[tilespmem:v33+s4+$0x0] =	vst.idx.msk vm2, v3;
	vm2 =	vlt.f32 v46, v5  }
0x205: {  	[tilespmem:v26+s4+$0x0] =	vst.idx.msk vm3, v2;
	vm3 =	vlt.f32 v47, v4  }
0x206: {  	vm15 =	vlt.f32 v48, v3;
	[tilespmem:v25+s22+$0x0] =	vst.idx.msk vm11, v9  }
0x207: {  	vm9 =	vlt.f32 v49, v2;
	[tilespmem:v24+s22+$0x0] =	vst.idx.msk vm12, v8  }
0x208: {  	vm10 =	vlt.f32 v62, v9;
	[tilespmem:v23+s22+$0x0] =	vst.idx.msk vm13, v7  }
0x209: {  	vm11 =	vlt.f32 v63, v8;
	[tilespmem:v22+s22+$0x0] =	vst.idx.msk vm14, v6  }
0x20a: {  	[tilespmem:v21+s22+$0x0] =	vst.idx.msk vm2, v5;
	vm2 =	vlt.f32 v56, v7  }
0x20b: {  	[tilespmem:v20+s22+$0x0] =	vst.idx.msk vm3, v4;
	vm3 =	vlt.f32 v57, v6  }
0x20c: {  	vm12 =	vlt.f32 v58, v5;
	[tilespmem:v19+s22+$0x0] =	vst.idx.msk vm15, v3  }
0x20d: {  	vm13 =	vlt.f32 v59, v4;
	[tilespmem:v18+s22+$0x0] =	vst.idx.msk vm9, v2  }
0x20e: {  	vm14 =	vlt.f32 v60, v3;
	[tilespmem:v17+s23+$0x0] =	vst.idx.msk vm10, v9  }
0x20f: {  	vm15 =	vlt.f32 v61, v2;
	[tilespmem:v16+s23+$0x0] =	vst.idx.msk vm11, v8  }
0x210: {  	[tilespmem:v15+s23+$0x0] =	vst.idx.msk vm2, v7  }
0x211: {  	[tilespmem:v14+s23+$0x0] =	vst.idx.msk vm3, v6  }
0x212: {  	[tilespmem:v13+s23+$0x0] =	vst.idx.msk vm12, v5  }
0x213: {  	[tilespmem:v12+s23+$0x0] =	vst.idx.msk vm13, v4  }
0x214: {  	[tilespmem:v11+s23+$0x0] =	vst.idx.msk vm14, v3  }
0x215: {  	[tilespmem:v10+s23+$0x0] =	vst.idx.msk vm15, v2  }
0x216: {  	v27 =	vld.idx.msk [tilespmem:v27+s4+$0x0], $0xffff  }
0x217: {  	v28 =	vld.idx.msk [tilespmem:v28+s4+$0x0], $0xffff  }
0x218: {  	v29 =	vld.idx.msk [tilespmem:v29+s4+$0x0], $0xffff  }
0x219: {  	v30 =	vld.idx.msk [tilespmem:v30+s4+$0x0], $0xffff  }
0x21a: {  	v31 =	vld.idx.msk [tilespmem:v31+s4+$0x0], $0xffff  }
0x21b: {  	v32 =	vld.idx.msk [tilespmem:v32+s4+$0x0], $0xffff  }
0x21c: {  	v33 =	vld.idx.msk [tilespmem:v33+s4+$0x0], $0xffff;
	vm2 =	vlt.f32 v27, v9;
	vm3 =	vlt.f32 v28, v8  }
0x21d: {  	v26 =	vld.idx.msk [tilespmem:v26+s4+$0x0], $0xffff;
	vm2 =	vmor vm2, vm3;
	vm3 =	vlt.f32 v29, v7  }
0x21e: {  	v25 =	vld.idx.msk [tilespmem:v25+s22+$0x0], $0xffff;
	vm2 =	vmor vm2, vm3;
	vm3 =	vlt.f32 v30, v6  }
0x21f: {  	v24 =	vld.idx.msk [tilespmem:v24+s22+$0x0], $0xffff;
	vm2 =	vmor vm2, vm3;
	vm3 =	vlt.f32 v31, v5  }
0x220: {  	v23 =	vld.idx.msk [tilespmem:v23+s22+$0x0], $0xffff;
	vm2 =	vmor vm2, vm3;
	vm3 =	vlt.f32 v32, v4  }
0x221: {  	v22 =	vld.idx.msk [tilespmem:v22+s22+$0x0], $0xffff;
	vm2 =	vmor vm2, vm3;
	vm3 =	vlt.f32 v33, v3  }
0x222: {  	v21 =	vld.idx.msk [tilespmem:v21+s22+$0x0], $0xffff;
	vm2 =	vmor vm2, vm3;
	vm3 =	vlt.f32 v26, v2  }
0x223: {  	v20 =	vld.idx.msk [tilespmem:v20+s22+$0x0], $0xffff;
	vm2 =	vmor vm2, vm3;
	vm3 =	vlt.f32 v25, v9  }
0x224: {  	v19 =	vld.idx.msk [tilespmem:v19+s22+$0x0], $0xffff;
	vm2 =	vmor vm2, vm3;
	vm3 =	vlt.f32 v24, v8  }
0x225: {  	v18 =	vld.idx.msk [tilespmem:v18+s22+$0x0], $0xffff;
	vm2 =	vmor vm2, vm3;
	vm3 =	vlt.f32 v23, v7  }
0x226: {  	v17 =	vld.idx.msk [tilespmem:v17+s23+$0x0], $0xffff;
	vm2 =	vmor vm2, vm3;
	vm3 =	vlt.f32 v22, v6  }
0x227: {  	v16 =	vld.idx.msk [tilespmem:v16+s23+$0x0], $0xffff;
	vm2 =	vmor vm2, vm3;
	vm3 =	vlt.f32 v21, v5  }
0x228: {  	v15 =	vld.idx.msk [tilespmem:v15+s23+$0x0], $0xffff;
	vm2 =	vmor vm2, vm3;
	vm3 =	vlt.f32 v20, v4  }
0x229: {  	v14 =	vld.idx.msk [tilespmem:v14+s23+$0x0], $0xffff;
	vm2 =	vmor vm2, vm3;
	vm3 =	vlt.f32 v19, v3  }
0x22a: {  	v13 =	vld.idx.msk [tilespmem:v13+s23+$0x0], $0xffff;
	vm2 =	vmor vm2, vm3;
	vm3 =	vlt.f32 v18, v2  }
0x22b: {  	v12 =	vld.idx.msk [tilespmem:v12+s23+$0x0], $0xffff;
	vm2 =	vmor vm2, vm3;
	vm3 =	vlt.f32 v17, v9  }
0x22c: {  	v62 =	vld.idx.msk [tilespmem:v11+s23+$0x0], $0xffff;
	vm2 =	vmor vm2, vm3;
	vm3 =	vlt.f32 v16, v8  }
0x22d: {  	v63 =	vld.idx.msk [tilespmem:v10+s23+$0x0], $0xffff;
	vm2 =	vmor vm2, vm3;
	vm3 =	vlt.f32 v15, v7  }
0x22e: {  	vm2 =	vmor vm2, vm3;
	vm3 =	vlt.f32 v14, v6  }
0x22f: {  	p0 =	sne.s32 s6, $0x1E00;
	vm2 =	vmor vm2, vm3;
	vm3 =	vlt.f32 v13, v5  }
.Ltmp11:
0x230: {  	vm2 =	vmor vm2, vm3;
	vm3 =	vlt.f32 v12, v4;
	(pc) =	sbr.rel @p0 .LBB2_20-.Ltmp11, $4  }
0x231: {  	vm2 =	vmor vm2, vm3;
	vm3 =	vlt.f32 v62, v3  }
0x232: {  	vm2 =	vmor vm2, vm3;
	vm3 =	vlt.f32 v63, v2  }
0x233: {  	vm2 =	vmor vm2, vm3  }
0x234: {  	s6 =	sadd.s32 $0x200, s6;
	vm1 =	vmor vm1, vm2  }
0x235: {  	v2 =	vmpcnt.ones.xlane vm1;
	_ =	sdelay $0x1  }
0x236: {  	v2 =	vxor.u32 $0x80000000, v2  }
0x237: {  	(xrf0) =	vmax.scan.msk.u32 $0xffff, v2;
	_ =	sdelay $0x5  }
0x238: {  	v2, _, _ =	vpop (xrf0)  }
0x239: {  	(v2sf) =	vpush v2, $0xF;
	_ =	sdelay $0xe  }
0x23a: {  	s6 =	spop (v2sf)  }
0x23b: {  	p0 =	slt.u32 s6, $0x80000001  }
.Ltmp12:
0x23c: {  	_ = 	snop;
	(pc) =	sbr.rel @p0 .LBB2_29-.Ltmp12, $4  }
.Ltmp13:
0x23d: {  	_ = 	snop;
	(pc) =	sbr.rel @!p0 .LBB2_22-.Ltmp13, $4  }
0x23e: {  	_ = 	snop  }
0x23f: {  	_ = 	snop  }
0x240: {  	s6 =	simm.s32 $0x0  }
0x241: {  	_ = 	snop  }
.LBB2_18:
0x242: {  	s12 =	sadd.s32 $0x1, s12  }
0x243: {  	p0 =	sne.s32 s12, $0x80  }
.Ltmp14:
0x244: {  	_ = 	snop;
	(pc) =	sbr.rel @!p0 .LBB2_19-.Ltmp14, $1  }
0x245: {  	_ =	sdelay $0x3  }
.LBB2_12:
0x246: {  	s26 =	sshll.u32 s12, $0x4  }
0x247: {  	v3 =	vld [tilespmem:s26+$0x17200];
	_ =	sdelay $0x6  }
0x248: {  	v2 =	vld [tilespmem:s26+$0x1A200]  }
0x249: {  	v4 =	vld.idx.msk [tilespmem:v3+s4+$0x0], $0xffff;
	_ =	sdelay $0x4  }
0x24a: {  	vm1 =	vlt.f32 v4, v2  }
0x24b: {  	v4 =	vsel vm1, $0x1, v1  }
0x24c: {  	v4 =	vor.u32 $0x80000000, v4  }
0x24d: {  	(xrf0) =	vmax.scan.msk.u32 $0xffff, v4;
	_ =	sdelay $0x5  }
0x24e: {  	v4, _, _ =	vpop (xrf0)  }
0x24f: {  	(v2sf) =	vpush v4, $0xF;
	_ =	sdelay $0xe  }
0x250: {  	s13 =	spop (v2sf)  }
0x251: {  	p0 =	slt.u32 s13, $0x80000001  }
.Ltmp15:
0x252: {  	_ = 	snop;
	(pc) =	sbr.rel @p0 .LBB2_14-.Ltmp15, $1  }
0x253: {  	_ =	sdelay $0x3  }
.LBB2_13:
0x254: {  	[tilespmem:v3+s4+$0x0] =	vst.idx.msk vm1, v2  }
0x255: {  	v4 =	vld.idx.msk [tilespmem:v3+s4+$0x0], $0xffff;
	_ =	sdelay $0x4  }
0x256: {  	vm1 =	vlt.f32 v4, v2  }
0x257: {  	v4 =	vsel vm1, $0x1, v1  }
0x258: {  	v4 =	vor.u32 $0x80000000, v4  }
0x259: {  	(xrf0) =	vmax.scan.msk.u32 $0xffff, v4;
	_ =	sdelay $0x5  }
0x25a: {  	v4, _, _ =	vpop (xrf0)  }
0x25b: {  	(v2sf) =	vpush v4, $0xF;
	_ =	sdelay $0xe  }
0x25c: {  	s13 =	spop (v2sf)  }
0x25d: {  	p0 =	sgt.u32 s13, $0x80000000  }
.Ltmp16:
0x25e: {  	_ = 	snop;
	(pc) =	sbr.rel @p0 .LBB2_13-.Ltmp16, $1  }
0x25f: {  	_ =	sdelay $0x3  }
.LBB2_14:
0x260: {  	v3 =	vld [tilespmem:s26+$0x17A00];
	_ =	sdelay $0x7  }
0x261: {  	v4 =	vld.idx.msk [tilespmem:v3+s22+$0x0], $0xffff;
	_ =	sdelay $0x4  }
0x262: {  	vm1 =	vlt.f32 v4, v2  }
0x263: {  	v4 =	vsel vm1, $0x1, v1  }
0x264: {  	v4 =	vor.u32 $0x80000000, v4  }
0x265: {  	(xrf0) =	vmax.scan.msk.u32 $0xffff, v4;
	_ =	sdelay $0x5  }
0x266: {  	v4, _, _ =	vpop (xrf0)  }
0x267: {  	(v2sf) =	vpush v4, $0xF;
	_ =	sdelay $0xe  }
0x268: {  	s13 =	spop (v2sf)  }
0x269: {  	p0 =	slt.u32 s13, $0x80000001  }
.Ltmp17:
0x26a: {  	_ = 	snop;
	(pc) =	sbr.rel @p0 .LBB2_16-.Ltmp17, $1  }
0x26b: {  	_ =	sdelay $0x3  }
.LBB2_15:
0x26c: {  	[tilespmem:v3+s22+$0x0] =	vst.idx.msk vm1, v2  }
0x26d: {  	v4 =	vld.idx.msk [tilespmem:v3+s22+$0x0], $0xffff;
	_ =	sdelay $0x4  }
0x26e: {  	vm1 =	vlt.f32 v4, v2  }
0x26f: {  	v4 =	vsel vm1, $0x1, v1  }
0x270: {  	v4 =	vor.u32 $0x80000000, v4  }
0x271: {  	(xrf0) =	vmax.scan.msk.u32 $0xffff, v4;
	_ =	sdelay $0x5  }
0x272: {  	v4, _, _ =	vpop (xrf0)  }
0x273: {  	(v2sf) =	vpush v4, $0xF;
	_ =	sdelay $0xe  }
0x274: {  	s13 =	spop (v2sf)  }
0x275: {  	p0 =	sgt.u32 s13, $0x80000000  }
.Ltmp18:
0x276: {  	_ = 	snop;
	(pc) =	sbr.rel @p0 .LBB2_15-.Ltmp18, $1  }
0x277: {  	_ =	sdelay $0x3  }
.LBB2_16:
0x278: {  	v3 =	vld [tilespmem:s26+$0x18200];
	_ =	sdelay $0x7  }
0x279: {  	v4 =	vld.idx.msk [tilespmem:v3+s23+$0x0], $0xffff;
	_ =	sdelay $0x4  }
0x27a: {  	vm1 =	vlt.f32 v4, v2  }
0x27b: {  	v4 =	vsel vm1, $0x1, v1  }
0x27c: {  	v4 =	vor.u32 $0x80000000, v4  }
0x27d: {  	(xrf0) =	vmax.scan.msk.u32 $0xffff, v4;
	_ =	sdelay $0x5  }
0x27e: {  	v4, _, _ =	vpop (xrf0)  }
0x27f: {  	(v2sf) =	vpush v4, $0xF;
	_ =	sdelay $0xe  }
0x280: {  	s13 =	spop (v2sf)  }
0x281: {  	p0 =	slt.u32 s13, $0x80000001  }
.Ltmp19:
0x282: {  	_ = 	snop;
	(pc) =	sbr.rel @p0 .LBB2_18-.Ltmp19, $1  }
0x283: {  	_ =	sdelay $0x3  }
.LBB2_17:
0x284: {  	[tilespmem:v3+s23+$0x0] =	vst.idx.msk vm1, v2  }
0x285: {  	v4 =	vld.idx.msk [tilespmem:v3+s23+$0x0], $0xffff;
	_ =	sdelay $0x4  }
0x286: {  	vm1 =	vlt.f32 v4, v2  }
0x287: {  	v4 =	vsel vm1, $0x1, v1  }
0x288: {  	v4 =	vor.u32 $0x80000000, v4  }
0x289: {  	(xrf0) =	vmax.scan.msk.u32 $0xffff, v4;
	_ =	sdelay $0x5  }
0x28a: {  	v4, _, _ =	vpop (xrf0)  }
0x28b: {  	(v2sf) =	vpush v4, $0xF;
	_ =	sdelay $0xe  }
0x28c: {  	s13 =	spop (v2sf)  }
0x28d: {  	p0 =	sgt.u32 s13, $0x80000000  }
.Ltmp20:
0x28e: {  	_ = 	snop;
	(pc) =	sbr.rel @p0 .LBB2_17-.Ltmp20, $1  }
0x28f: {  	_ =	sdelay $0x3  }
.Ltmp21:
0x290: {  	_ = 	snop;
	(pc) =	sbr.rel .LBB2_18-.Ltmp21, $1  }
0x291: {  	_ =	sdelay $0x3  }
.LBB2_28:
0x292: {  	s6 =	sadd.s32 $0x1, s6  }
0x293: {  	p0 =	sne.s32 s6, $0x80  }
.Ltmp22:
0x294: {  	_ = 	snop;
	(pc) =	sbr.rel @!p0 .LBB2_29-.Ltmp22, $1  }
0x295: {  	_ =	sdelay $0x3  }
.LBB2_22:
0x296: {  	s12 =	sshll.u32 s6, $0x4  }
0x297: {  	v3 =	vld [tilespmem:s12+$0x18A00];
	_ =	sdelay $0x6  }
0x298: {  	v2 =	vld [tilespmem:s12+$0x1AA00]  }
0x299: {  	v4 =	vld.idx.msk [tilespmem:v3+s4+$0x0], $0xffff;
	_ =	sdelay $0x4  }
0x29a: {  	vm1 =	vlt.f32 v4, v2  }
0x29b: {  	v4 =	vsel vm1, $0x1, v1  }
0x29c: {  	v4 =	vor.u32 $0x80000000, v4  }
0x29d: {  	(xrf0) =	vmax.scan.msk.u32 $0xffff, v4;
	_ =	sdelay $0x5  }
0x29e: {  	v4, _, _ =	vpop (xrf0)  }
0x29f: {  	(v2sf) =	vpush v4, $0xF;
	_ =	sdelay $0xe  }
0x2a0: {  	s13 =	spop (v2sf)  }
0x2a1: {  	p0 =	slt.u32 s13, $0x80000001  }
.Ltmp23:
0x2a2: {  	_ = 	snop;
	(pc) =	sbr.rel @p0 .LBB2_24-.Ltmp23, $1  }
0x2a3: {  	_ =	sdelay $0x3  }
.LBB2_23:
0x2a4: {  	[tilespmem:v3+s4+$0x0] =	vst.idx.msk vm1, v2  }
0x2a5: {  	v4 =	vld.idx.msk [tilespmem:v3+s4+$0x0], $0xffff;
	_ =	sdelay $0x4  }
0x2a6: {  	vm1 =	vlt.f32 v4, v2  }
0x2a7: {  	v4 =	vsel vm1, $0x1, v1  }
0x2a8: {  	v4 =	vor.u32 $0x80000000, v4  }
0x2a9: {  	(xrf0) =	vmax.scan.msk.u32 $0xffff, v4;
	_ =	sdelay $0x5  }
0x2aa: {  	v4, _, _ =	vpop (xrf0)  }
0x2ab: {  	(v2sf) =	vpush v4, $0xF;
	_ =	sdelay $0xe  }
0x2ac: {  	s13 =	spop (v2sf)  }
0x2ad: {  	p0 =	sgt.u32 s13, $0x80000000  }
.Ltmp24:
0x2ae: {  	_ = 	snop;
	(pc) =	sbr.rel @p0 .LBB2_23-.Ltmp24, $1  }
0x2af: {  	_ =	sdelay $0x3  }
.LBB2_24:
0x2b0: {  	v3 =	vld [tilespmem:s12+$0x19200];
	_ =	sdelay $0x7  }
0x2b1: {  	v4 =	vld.idx.msk [tilespmem:v3+s22+$0x0], $0xffff;
	_ =	sdelay $0x4  }
0x2b2: {  	vm1 =	vlt.f32 v4, v2  }
0x2b3: {  	v4 =	vsel vm1, $0x1, v1  }
0x2b4: {  	v4 =	vor.u32 $0x80000000, v4  }
0x2b5: {  	(xrf0) =	vmax.scan.msk.u32 $0xffff, v4;
	_ =	sdelay $0x5  }
0x2b6: {  	v4, _, _ =	vpop (xrf0)  }
0x2b7: {  	(v2sf) =	vpush v4, $0xF;
	_ =	sdelay $0xe  }
0x2b8: {  	s13 =	spop (v2sf)  }
0x2b9: {  	p0 =	slt.u32 s13, $0x80000001  }
.Ltmp25:
0x2ba: {  	_ = 	snop;
	(pc) =	sbr.rel @p0 .LBB2_26-.Ltmp25, $1  }
0x2bb: {  	_ =	sdelay $0x3  }
.LBB2_25:
0x2bc: {  	[tilespmem:v3+s22+$0x0] =	vst.idx.msk vm1, v2  }
0x2bd: {  	v4 =	vld.idx.msk [tilespmem:v3+s22+$0x0], $0xffff;
	_ =	sdelay $0x4  }
0x2be: {  	vm1 =	vlt.f32 v4, v2  }
0x2bf: {  	v4 =	vsel vm1, $0x1, v1  }
0x2c0: {  	v4 =	vor.u32 $0x80000000, v4  }
0x2c1: {  	(xrf0) =	vmax.scan.msk.u32 $0xffff, v4;
	_ =	sdelay $0x5  }
0x2c2: {  	v4, _, _ =	vpop (xrf0)  }
0x2c3: {  	(v2sf) =	vpush v4, $0xF;
	_ =	sdelay $0xe  }
0x2c4: {  	s13 =	spop (v2sf)  }
0x2c5: {  	p0 =	sgt.u32 s13, $0x80000000  }
.Ltmp26:
0x2c6: {  	_ = 	snop;
	(pc) =	sbr.rel @p0 .LBB2_25-.Ltmp26, $1  }
0x2c7: {  	_ =	sdelay $0x3  }
.LBB2_26:
0x2c8: {  	v3 =	vld [tilespmem:s12+$0x19A00];
	_ =	sdelay $0x7  }
0x2c9: {  	v4 =	vld.idx.msk [tilespmem:v3+s23+$0x0], $0xffff;
	_ =	sdelay $0x4  }
0x2ca: {  	vm1 =	vlt.f32 v4, v2  }
0x2cb: {  	v4 =	vsel vm1, $0x1, v1  }
0x2cc: {  	v4 =	vor.u32 $0x80000000, v4  }
0x2cd: {  	(xrf0) =	vmax.scan.msk.u32 $0xffff, v4;
	_ =	sdelay $0x5  }
0x2ce: {  	v4, _, _ =	vpop (xrf0)  }
0x2cf: {  	(v2sf) =	vpush v4, $0xF;
	_ =	sdelay $0xe  }
0x2d0: {  	s26 =	spop (v2sf)  }
0x2d1: {  	p0 =	slt.u32 s26, $0x80000001  }
.Ltmp27:
0x2d2: {  	_ = 	snop;
	(pc) =	sbr.rel @p0 .LBB2_28-.Ltmp27, $1  }
0x2d3: {  	_ =	sdelay $0x3  }
.LBB2_27:
0x2d4: {  	[tilespmem:v3+s23+$0x0] =	vst.idx.msk vm1, v2  }
0x2d5: {  	v4 =	vld.idx.msk [tilespmem:v3+s23+$0x0], $0xffff;
	_ =	sdelay $0x4  }
0x2d6: {  	vm1 =	vlt.f32 v4, v2  }
0x2d7: {  	v4 =	vsel vm1, $0x1, v1  }
0x2d8: {  	v4 =	vor.u32 $0x80000000, v4  }
0x2d9: {  	(xrf0) =	vmax.scan.msk.u32 $0xffff, v4;
	_ =	sdelay $0x5  }
0x2da: {  	v4, _, _ =	vpop (xrf0)  }
0x2db: {  	(v2sf) =	vpush v4, $0xF;
	_ =	sdelay $0xe  }
0x2dc: {  	s12 =	spop (v2sf)  }
0x2dd: {  	p0 =	sgt.u32 s12, $0x80000000  }
.Ltmp28:
0x2de: {  	_ = 	snop;
	(pc) =	sbr.rel @p0 .LBB2_27-.Ltmp28, $1  }
0x2df: {  	_ =	sdelay $0x3  }
.Ltmp29:
0x2e0: {  	_ = 	snop;
	(pc) =	sbr.rel .LBB2_28-.Ltmp29, $1  }
0x2e1: {  	_ =	sdelay $0x3  }
.LBB2_32:
0x2e2: {  	_ =	sfence.sel $0x180000  }
0x2e3: {  	[bflag:$0x0] =	sbarrier.arrive $0xFFFF  }
0x2e4: {  	_ =	strace $0x9000004A  }
0x2e5: {  	s0 =	stileid.u32;
	[bflag:$0x2] =	sbarrier.arrive $0xFFFF  }
0x2e6: {  	p0 =	sne.s32 s0, $0x0;
	s0 =	rddreg [dreg:$0x4]  }
0x2e7: {  	s0 =	sadd.s32 @!p0 $0x100000, s0  }
0x2e8: {  	[sflag:s0] =	ssyncadd.tile.s32 @!p0 $0x1;
	_ =	shalt  }
.Lfunc_end2:
_tile_overlayer_lowered:
.L_overlay_start_2:
0x2e9: {  	(tag) =	ssettag $0x2  }
0x2ea: {  	s0 =	rddreg [dreg:$0x0];
	s2 =	stileid.u32  }
0x2eb: {  	s1 =	rddreg [dreg:$0x1];
	p0 =	sne.s32 s2, $0x0  }
0x2ec: {  	s3 =	rddreg [dreg:$0x2];
	[bflag:$0x3] =	sbarrier.arrive $0xFFFF;
	s2 =	simm.s32 @!p0 $0x1C03  }
0x2ed: {  	[timem:s3], [sflag:s2] =	dma.local @!p0 [hbm:s0], s1  }
0x2ee: {  	s0 =	simm.s32 @!p0 $0x3  }
0x2ef: {  	_ =	swait.ge @!p0 [sflag:s0], s1  }
0x2f0: {  	s1 =	ssub.s32 @!p0 $0x0, s1;
	[sflag:s0] =	ssyncset.done @!p0 $0x0  }
0x2f1: {  	[sflag:s0] =	ssyncadd.s32 @!p0 s1  }
0x2f2: {  	[bflag:$0x3] =	sbarrier.arrive $0xFFFF  }
0x2f3: {  	_ =	shalt  }

// kernel: sparse-core-data-format-call.cloned.1.call-start
scs
called_computation_lowered:
.L_overlay_start_0:
0x0: {  	s1 =	sld [smem:$0x3FD9]  }
0x1: {  	s2 =	sld [smem:$0x3FFE];
	_ =	sdelay $0x1  }
0x2: {  	s3 =	srdreg.scid  }
0x3: {  	s0 =	sand.u32 $0x1, s3  }
0x4: {  	s17 =	sshll.u32 s0, $0xA;
	s1 =	sadd.s32 s2, s1  }
0x5: {  	s1 =	sadd.s32 s1, s17  }
0x6: {  	[smem:$0x3FA7] =	sst s1  }
0x7: {  	_ = 	snop  }
0x8: {  	(tm) =	ssettm $0x1  }
0x9: {  	s18 =	sld [smem:$0x3FFB];
	_ =	sdelay $0x3  }
0xa: {  	_ =	strace s18  }
0xb: {  	s1 =	sld [smem:$0x3FFC];
	_ =	sdelay $0x3  }
0xc: {  	_ =	strace s1  }
0xd: {  	s1 =	sld [smem:$0x3FFD];
	_ =	sdelay $0x3  }
0xe: {  	_ =	strace s1  }
0xf: {  	_ =	strace $0x8FFFFFFF  }
0x10: {  	s19 =	sld [smem:$0x3FDB];
	_ =	sdelay $0x1  }
0x11: {  	s20 =	simm.s32 $_scs_section_size  }
0x12: {  	s4 =	simm.s32 $_size__tile_overlayer_lowered;
	s5 =	simm.s32 $_tile_overlayer_lowered  }
0x13: {  	s23 =	simm.s32 $0x1BFF;
	s22 =	sshll.u32 s5, $0x1;
	s1 =	sadd.s32 s20, s19  }
0x14: {  	s6 =	simm.s32 $0x0;
	s21 =	sshll.u32 s4, $0x1;
	s4 =	sadd.s32 s22, s1  }
0x15: {  	[timem:s6], [sflag:s23] =	dma.local [hbm:s4], s21  }
0x16: {  	_ =	swait.ge [sflag:s23], s21  }
0x17: {  	s2 =	ssub.s32 $0x0, s21;
	[sflag:s23] =	ssyncset.done $0x0  }
0x18: {  	[sflag:s23] =	ssyncadd.s32 s2;
	_ =	sdelay $0x1  }
0x19: {  	s24 =	simm.s32 $0x1B8B  }
0x1a: {  	_ =	swait.ge [sflag:s24], $0x1  }
0x1b: {  	[sflag:s24] =	ssyncset.done $0x0  }
0x1c: {  	s26 =	simm.s32 $0x1B8E;
	s25 =	sld [smem:$0x3FFE];
	[sflag:s24] =	ssyncadd.s32 $0xFFFFFFFF  }
0x1d: {  	s27 =	simm.s32 $execute0_lowered;
	[smem:$0x3FD2] =	sst s26  }
0x1e: {  	s4 =	sshll.u32 s27, $0x1;
	_ =	strace $0x80000046;
	[dreg:$0x1] =	wrdreg $0xFFFFFFFF  }
0x1f: {  	s28 =	simm.s32 $_size_execute0_lowered;
	s1 =	sadd.s32 s1, s4;
	[dreg:$0x0] =	wrdreg $0x0  }
0x20: {  	s4 =	sshll.u32 s28, $0x1;
	[dreg:$0x2] =	wrdreg s1  }
0x21: {  	[dreg:$0x3] =	wrdreg s4  }
0x22: {  	[dreg:$0x4] =	wrdreg $0xC0  }
0x23: {  	_ =	task [dreg:s6], $0x5FFFF  }
0x24: {  	[dreg:$0x1] =	wrdreg $0xFFFFFFFF  }
0x25: {  	[dreg:$0x0] =	wrdreg $0x60  }
0x26: {  	[dreg:$0x2] =	wrdreg s25  }
0x27: {  	[dreg:$0x3] =	wrdreg $0x9  }
0x28: {  	_ =	task.clear_ibuf [dreg:s6], $0x4FFFF;
	_ =	strace $0x90000046  }
0x29: {  	s29 =	simm.s32 $0x9;
	_ =	strace $0x80000048  }
0x2a: {  	_ =	swait.ge [sflag:s29], $0x1  }
0x2b: {  	[sflag:s29] =	ssyncadd.s32 $0xFFFFFFFF  }
0x2c: {  	_ =	strace $0x90000048  }
0x2d: {  	_ =	sfence  }
0x2e: {  	s30 =	sld [smem:$0x0];
	_ =	sdelay $0x2  }
0x2f: {  	s31 =	sshll.u32 s3, $0xD;
	s3 =	sshrl.u32 s3, $0x2  }
0x30: {  	s2 =	sand.u32 $0x4000, s31;
	s1 =	sadd.s32 s3, s30  }
0x31: {  	s0 =	sor.u32 s2, s0;
	s1 =	sshll.u32 s1, $0x11  }
0x32: {  	s0 =	sor.u32 s1, s0  }
0x33: {  	s0 =	sadd.s32 $0x8F2B, s0  }
0x34: {  	[sflag:s0] =	ssyncadd.remote.s32 $0x1  }
0x35: {  	_ =	sfence.sel $0xFFFF  }
0x36: {  	[dreg:$0x0] =	wrdreg $0xFFFFFFFF;
	(pc) =	sbr.abs _section_cstart, $3  }
0x37: {  	[dreg:$0x1] =	wrdreg $0xFFFFFFFF  }
0x38: {  	_ =	task.clear_ibuf [dreg:s6], $0x2FFFF;
	_ =	strace $0x9FFFFFFF  }
0x39: {  	(tm) =	ssettm $0x7FFFFFFF  }
tec
execute0_lowered:
.L_overlay_start_1:
0x0: {  	(tag) =	ssettag $0x1  }
0x1: {  	s0 =	srdreg.scid  }
0x2: {  	s1 =	rddreg [dreg:$0x0];
	s5 =	simm.s32 $0x1;
	s8 =	simm.s32 $0x2  }
0x3: {  	s14 =	simm.s32 $0x0;
	s9 =	simm.s32 $0x10000;
	s10 =	simm.s32 $0x0  }
0x4: {  	s15 =	simm.s32 $0x0;
	s12 =	stileid.u32;
	s2 =	sshll.u32 s0, $0x4  }
0x5: {  	s13 =	simm.s32 $0x0;
	s0 =	rddreg [dreg:$0x1];
	s2 =	sand.u32 $0x10, s2  }
.Ltmp0:
0x6: {  	_ =	strace $0x80000047;
	s6 =	ssub.s32 $0x200, s2;
	(pc) =	sbr.rel .LBB1_1-.Ltmp0, $4  }
0x7: {  	s3 =	sadd.s32 $0x4A00, s1;
	s4 =	sadd.s32 $0x104A00, s1;
	s7 =	sshrl.u32 s6, $0x4  }
0x8: {  	[sflag:s5] =	ssyncpa.u1 $0x0;
	s6 =	sshrl.u32 s6, $0x5;
	s7 =	sand.u32 $0x1, s7  }
0x9: {  	s1 =	stileid.u32;
	[sflag:s8] =	ssyncpa.u1 $0x0;
	s6 =	sadd.s32 s6, s7  }
0xa: {  	s8 =	simm.s32 $0x800;
	s11 =	smov.u32 s2;
	s7 =	sadd.s32 $0x1, s6  }
.LBB1_7:
0xb: {  	s16 =	sadd.s32 $0x20, s11  }
0xc: {  	s14 =	sadd.s32 $0x10, s12;
	s18 =	smov.u32 s12;
	p1 =	sgt.s32 s16, $0x1FF  }
0xd: {  	s18 =	smov.u32 @p1 s14  }
0xe: {  	s16 =	smov.u32 @p1 s2;
	p1 =	sgt.s32 s18, $0xF  }
0xf: {  	s18 =	smov.u32 @p1 s1;
	p1 =	sne.s32 s13, s7  }
.Ltmp1:
0x10: {  	p0 =	slt.u32 s13, $0x2;
	(pc) =	sbr.rel @!p1 .LBB1_8-.Ltmp1, $4  }
0x11: {  	s17 =	simm.s32 @!p0 $0x2  }
0x12: {  	s15 =	smov.u32 s12;
	s10 =	sadd.s32 $0x4000, s10;
	_ =	swait.ge @!p0 [sflag:s17], $0x4000  }
0x13: {  	s14 =	smov.u32 s11;
	[sflag:s17] =	ssyncset.done @!p0 $0x0;
	s11 =	smov.u32 s16  }
0x14: {  	s13 =	sadd.s32 $0x1, s13;
	[sflag:s17] =	ssyncadd.s32 @!p0 $0xFFFFC000;
	s12 =	smov.u32 s18  }
.LBB1_1:
0x15: {  	p0 =	sge.u32 s13, s6  }
0x16: {  	s31 =	sadd.s32 $0xFFFFFFFF, s13;
	s16 =	sxor.u32 @!p0 $0xFFFFFFFF, s13;
	s17 =	sshll.u32 @!p0 s12, $0x10  }
0x17: {  	s18 =	sshll.u32 @!p0 s11, $0x7;
	s16 =	sshll.u32 @!p0 s16, $0xE;
	s17 =	sadd.s32 @!p0 s3, s17  }
0x18: {  	s16 =	sand.u32 @!p0 $0x4000, s16;
	s17 =	sadd.s32 @!p0 s18, s17;
	s18 =	simm.s32 @!p0 $0x0  }
0x19: {  	[tilespmem:s16], [sflag:$0x1] =	stream.linear.gather @!p0 [hbm4b:s17+s18], $0x4000, $0x38;
	[tilespmem:$0x10000] =	vst v63  }
0x1a: {  	p0 =	sge.u32 s31, s6  }
.Ltmp2:
0x1b: {  	_ = 	snop;
	(pc) =	sbr.rel @p0 .LBB1_7-.Ltmp2, $1  }
0x1c: {  	_ =	sdelay $0x3  }
0x1d: {  	s17 =	sand.u32 $0x4000, s10  }
0x1e: {  	_ =	swait.ge [sflag:s5], $0x4000;
	s19 =	sshll.u32 s13, $0xE;
	s16 =	sor.u32 $0x8040, s17  }
0x1f: {  	s18 =	sor.u32 $0x40, s17;
	[sflag:s5] =	ssyncset.done $0x0;
	s31 =	sand.u32 $0x4000, s19  }
0x20: {  	s19 =	simm.s32 $0x0;
	[sflag:s5] =	ssyncadd.s32 $0xFFFFC000;
	s17 =	sor.u32 $0x8000, s31  }
.LBB1_3:
0x21: {  	v0 =	vmov s18;
	_ =	sdelay $0x3  }
0x22: {  	s21 =	simm.s32 $0x0  }
0x23: {  	v6 =	vld.idx.msk [tilespmem:v0+s21+$0x30 ss:$0x1], $0xffff  }
0x24: {  	v7 =	vld.idx.msk [tilespmem:v0+s21+$0xFFFFFFC0 ss:$0x1], $0xffff  }
0x25: {  	v5 =	vld.idx.msk [tilespmem:v0+s21+$0xFFFFFFD0 ss:$0x1], $0xffff  }
0x26: {  	v4 =	vld.idx.msk [tilespmem:v0+s21+$0xFFFFFFE0 ss:$0x1], $0xffff  }
0x27: {  	v3 =	vld.idx.msk [tilespmem:v0+s21+$0xFFFFFFF0 ss:$0x1], $0xffff  }
0x28: {  	v1 =	vld.idx.msk [tilespmem:v0+s21+$0x0 ss:$0x1], $0xffff  }
0x29: {  	v2 =	vld.idx.msk [tilespmem:v0+s21+$0x10 ss:$0x1], $0xffff;
	[tilespmem:s16+$0x30] =	vst v6  }
0x2a: {  	s20 =	simm.s32 $0x80;
	s22 =	simm.s32 $0x400;
	[tilespmem:s16+$0xFFFFFFC0] =	vst v7;
	v6 =	vld.idx.msk [tilespmem:v0+s21+$0x20 ss:$0x1], $0xffff;
	s21 =	smov.u32 s16  }
.LBB1_4:
0x2b: {  	p0 =	sne.s32 s22, $0xE00;
	v7 =	vld.idx.msk [tilespmem:v0+s20+$0x30 ss:$0x1], $0xffff;
	[tilespmem:s21+$0xFFFFFFD0] =	vst v5  }
0x2c: {  	v8 =	vld.idx.msk [tilespmem:v0+s20+$0xFFFFFFC0 ss:$0x1], $0xffff;
	[tilespmem:s21+$0xFFFFFFE0] =	vst v4  }
0x2d: {  	v5 =	vld.idx.msk [tilespmem:v0+s20+$0xFFFFFFD0 ss:$0x1], $0xffff;
	[tilespmem:s21+$0xFFFFFFF0] =	vst v3  }
.Ltmp3:
0x2e: {  	v4 =	vld.idx.msk [tilespmem:v0+s20+$0xFFFFFFE0 ss:$0x1], $0xffff;
	[tilespmem:s21+$0x0] =	vst v1;
	(pc) =	sbr.rel @p0 .LBB1_4-.Ltmp3, $4  }
0x2f: {  	v3 =	vld.idx.msk [tilespmem:v0+s20+$0xFFFFFFF0 ss:$0x1], $0xffff;
	[tilespmem:s21+$0x10] =	vst v2  }
0x30: {  	v1 =	vld.idx.msk [tilespmem:v0+s20+$0x0 ss:$0x1], $0xffff;
	[tilespmem:s21+$0x20] =	vst v6;
	s21 =	sadd.s32 $0x800, s21  }
0x31: {  	v2 =	vld.idx.msk [tilespmem:v0+s20+$0x10 ss:$0x1], $0xffff;
	[tilespmem:s21+$0x30] =	vst v7  }
0x32: {  	[tilespmem:s21+$0xFFFFFFC0] =	vst v8;
	v6 =	vld.idx.msk [tilespmem:v0+s20+$0x20 ss:$0x1], $0xffff;
	s20 =	sshra.s32 s22, $0x2;
	s22 =	sadd.s32 $0x200, s22  }
0x33: {  	_ =	sdelay $0x2  }
0x34: {  	[tilespmem:s21+$0xFFFFFFD0] =	vst v5  }
0x35: {  	v56 =	vld.idx.msk [tilespmem:v0+s20+$0x30 ss:$0x1], $0xffff;
	[tilespmem:s21+$0xFFFFFFE0] =	vst v4  }
0x36: {  	v57 =	vld.idx.msk [tilespmem:v0+s20+$0xFFFFFFC0 ss:$0x1], $0xffff;
	[tilespmem:s21+$0xFFFFFFF0] =	vst v3  }
0x37: {  	v58 =	vld.idx.msk [tilespmem:v0+s20+$0xFFFFFFD0 ss:$0x1], $0xffff;
	[tilespmem:s21+$0x0] =	vst v1  }
0x38: {  	v59 =	vld.idx.msk [tilespmem:v0+s20+$0xFFFFFFE0 ss:$0x1], $0xffff;
	[tilespmem:s21+$0x10] =	vst v2  }
0x39: {  	v60 =	vld.idx.msk [tilespmem:v0+s20+$0xFFFFFFF0 ss:$0x1], $0xffff;
	s31 =	sadd.s32 $0x800, s21;
	[tilespmem:s21+$0x20] =	vst v6  }
0x3a: {  	v61 =	vld.idx.msk [tilespmem:v0+s20+$0x0 ss:$0x1], $0xffff;
	[tilespmem:s31+$0x30] =	vst v56  }
0x3b: {  	v62 =	vld.idx.msk [tilespmem:v0+s20+$0x10 ss:$0x1], $0xffff;
	s19 =	sadd.s32 $0x1, s19;
	[tilespmem:s31+$0xFFFFFFC0] =	vst v57  }
0x3c: {  	v63 =	vld.idx.msk [tilespmem:v0+s20+$0x20 ss:$0x1], $0xffff;
	p0 =	sne.s32 s19, $0x10;
	[tilespmem:s31+$0xFFFFFFD0] =	vst v58  }
.Ltmp4:
0x3d: {  	[tilespmem:s31+$0xFFFFFFE0] =	vst v59;
	(pc) =	sbr.rel @p0 .LBB1_3-.Ltmp4, $4  }
0x3e: {  	[tilespmem:s31+$0xFFFFFFF0] =	vst v60  }
0x3f: {  	[tilespmem:s31+$0x0] =	vst v61  }
0x40: {  	[tilespmem:s31+$0x10] =	vst v62  }
0x41: {  	s16 =	sadd.s32 $0x80, s16;
	s18 =	sadd.s32 $0x400, s18;
	[tilespmem:s31+$0x20] =	vst v63  }
.Ltmp5:
0x42: {  	(pc) =	sbr.rel .LBB1_7-.Ltmp5, $4  }
0x43: {  	s15 =	sshll.u32 s15, $0x10;
	s14 =	sshll.u32 s14, $0x4  }
0x44: {  	s14 =	sand.u32 $0x1FF0, s14;
	s15 =	sadd.s32 s4, s15  }
0x45: {  	s14 =	sadd.s32 s14, s15  }
0x46: {  	[hbm4b:s14+s8] =	stream.strided.scatter [tilespmem:s17], [sflag:$0x2], $0x4000, s9, s8, $0x38;
	[tilespmem:$0x10000] =	vst v63  }
.LBB1_8:
0x47: {  	_ =	sfence.sel $0x180000  }
0x48: {  	s2 =	simm.s32 $0x1;
	[bflag:$0x0] =	sbarrier.arrive $0xFFFF  }
0x49: {  	s31 =	simm.s32 $0x2;
	[sflag:s2] =	ssyncpa.u1 $0x1  }
0x4a: {  	[sflag:s31] =	ssyncpa.u1 $0x1  }
0x4b: {  	p0 =	sne.s32 s1, $0x0;
	_ =	strace $0x90000047  }
0x4c: {  	s0 =	sadd.s32 @!p0 $0x100000, s0;
	[bflag:$0x2] =	sbarrier.arrive $0xFFFF  }
0x4d: {  	[sflag:s0] =	ssyncadd.tile.s32 @!p0 $0x1;
	_ =	shalt  }
.Lfunc_end1:
_tile_overlayer_lowered:
.L_overlay_start_2:
0x4e: {  	(tag) =	ssettag $0x2  }
0x4f: {  	s0 =	rddreg [dreg:$0x0];
	s2 =	stileid.u32  }
0x50: {  	s1 =	rddreg [dreg:$0x1];
	p0 =	sne.s32 s2, $0x0  }
0x51: {  	s3 =	rddreg [dreg:$0x2];
	[bflag:$0x3] =	sbarrier.arrive $0xFFFF;
	s2 =	simm.s32 @!p0 $0x1C01  }
0x52: {  	[timem:s3], [sflag:s2] =	dma.local @!p0 [hbm:s0], s1  }
0x53: {  	s0 =	simm.s32 @!p0 $0x1  }
0x54: {  	_ =	swait.ge @!p0 [sflag:s0], s1  }
0x55: {  	s1 =	ssub.s32 @!p0 $0x0, s1;
	[sflag:s0] =	ssyncset.done @!p0 $0x0  }
0x56: {  	[sflag:s0] =	ssyncadd.s32 @!p0 s1  }
0x57: {  	[bflag:$0x3] =	sbarrier.arrive $0xFFFF  }
0x58: {  	_ =	shalt  }

</sc_bundles>
